<compile_context>
chip_gen: v7x
topology: tpu7x:2x2x1
jax: 0.10.2.dev20260603
libtpu: 0.0.44.dev20260713+nightly
codegen_flags: <defaults>
</compile_context>

<pallas_src>
import functools

import jax
import jax.numpy as jnp
from jax import lax
from jax.experimental import pallas as pl
from jax.experimental.pallas import tpu as pltpu
from jax.experimental.pallas import tpu_sc as plsc

_CHUNK = 32


def _make_sc_kernel(batch, seq_len, dim, num_cores, num_subcores, chunk):
    rows_per_worker = seq_len // (num_cores * num_subcores)
    n = rows_per_worker // chunk

    def body(w_hbm, out_hbm, buf, sem):
        wid = lax.axis_index("s") * num_cores + lax.axis_index("c")
        base = wid * rows_per_worker

        def rows(i):
            return pl.ds(base + i * chunk, chunk)

        pltpu.sync_copy(w_hbm.at[rows(0), :], buf.at[0])
        for i in range(n):
            copies = [
                pltpu.make_async_copy(
                    buf.at[i % 2], out_hbm.at[b, rows(i), :], sem
                )
                for b in range(batch)
            ]
            for c in copies:
                c.start()
            if i + 1 < n:
                pltpu.sync_copy(w_hbm.at[rows(i + 1), :], buf.at[(i + 1) % 2])
            for c in copies:
                c.wait()

    return body


def kernel(input_ids, emb_weight):
    batch, seq_len = input_ids.shape
    dim = emb_weight.shape[1]
    info = plsc.get_sparse_core_info()
    chunk = _CHUNK
    mesh = plsc.VectorSubcoreMesh(core_axis_name="c", subcore_axis_name="s")
    k = functools.partial(
        pl.kernel,
        mesh=mesh,
        out_type=jax.ShapeDtypeStruct((batch, seq_len, dim), emb_weight.dtype),
        scratch_types=[
            pltpu.VMEM((2, chunk, dim), jnp.float32),
            pltpu.SemaphoreType.DMA,
        ],
    )(
        _make_sc_kernel(
            batch, seq_len, dim, info.num_cores, info.num_subcores, chunk
        )
    )
    return k(emb_weight)

# --- scband reference (transcript-rebuilt; emitter-appended) ---
"""Pipeline reference for scband-positional-embedding-47201690583091 (READ-ONLY COPY).

The authoritative reference and input builder live on the scoring server;
editing this copy changes nothing except your own understanding.
"""

import jax, jax.numpy as jnp
import numpy as np

MAX_SEQ_LEN = 8192
DIM_MODEL = 1024
BATCH = 4
SEQ_LEN = 8192

def setup_inputs(seed: int = 0) -> dict:
    key = jax.random.key(seed)
    k1, k2 = jax.random.split(key)
    input_ids = jax.random.randint(k1, (BATCH, SEQ_LEN), 0, 32000, dtype=jnp.int64 if jax.config.jax_enable_x64 else jnp.int32)
    # learned positional embedding table, init normal(0, 0.02) like the torch module
    emb_weight = jax.random.normal(k2, (MAX_SEQ_LEN, DIM_MODEL), dtype=jnp.float32) * 0.02
    return {"input_ids": input_ids, "emb_weight": emb_weight}

def reference(input_ids, emb_weight):
    batch_size, seq_len = input_ids.shape
    position_ids = jnp.arange(seq_len)
    position_ids = jnp.broadcast_to(position_ids[None, :], (batch_size, seq_len))
    # embedding lookup: gather rows from the table
    out = jnp.take(emb_weight, position_ids, axis=0)
    return out

if __name__ == "__main__":
    import jax
    _d = setup_inputs()
    print(jax.jit(kernel)(*tuple(_d.values())))

</pallas_src>

<mosaic_0001>
#map = affine_map<(d0, d1) -> (0, 0)>
#map1 = affine_map<(d0, d1) -> (0, 0, 0)>
module attributes {stable_mosaic.version = 14 : i64} {
  func.func @body(%arg0: i32, %arg1: i32, %arg2: memref<8192x1024xf32, #tpu.memory_space<hbm>>, %arg3: memref<4x8192x1024xf32, #tpu.memory_space<hbm>>, %arg4: memref<2x32x1024xf32, #tpu.memory_space<vmem>>, %arg5: memref<!tpu.dma_semaphore, #tpu.memory_space<semaphore_mem>>) attributes {dimension_semantics = [#tpu.dimension_semantics<core_parallel>, #tpu.dimension_semantics<subcore_parallel>], iteration_bounds = array<i64: 2, 16>, scalar_prefetch = 0 : i64, scratch_operands = 2 : i64, tpu.core_type = #tpu.core_type<sc_vector_subcore>, window_params = [{transform_indices = #map}, {transform_indices = #map1}]} {
    %mul3A = arith.constant 2 : i32
    %mul3A_0 = arith.muli %arg1, %mul3A : i32
    %add3A = arith.addi %mul3A_0, %arg0 : i32
    %mul3A_1 = arith.constant 256 : i32
    %mul3A_2 = arith.muli %add3A, %mul3A_1 : i32
    %add3A_3 = arith.constant 0 : i32
    %add3A_4 = arith.addi %mul3A_2, %add3A_3 : i32
    %run_scoped3A = arith.constant 0 : i32
    "tpu.region"() ({
      %run_scoped3A_1112 = tpu.sem_alloc : memref<!tpu.dma_semaphore, #tpu.memory_space<semaphore_mem>>
      %dma_start3A_1113 = arith.constant 0 : i32
      %dma_start3A_1114 = arith.constant 0 : i32
      %dma_start3A_1115 = tpu.memref_slice %arg4[%run_scoped3A, %dma_start3A_1113, %dma_start3A_1114] : memref<2x32x1024xf32, #tpu.memory_space<vmem>> -> memref<1x32x1024xf32, #tpu.memory_space<vmem>>
      %dma_start3A_1116 = tpu.memref_squeeze %dma_start3A_1115 : memref<1x32x1024xf32, #tpu.memory_space<vmem>> -> memref<32x1024xf32, #tpu.memory_space<vmem>>
      %dma_start3A_1117 = arith.constant 0 : i32
      %dma_start3A_1118 = tpu.memref_slice %arg2[%add3A_4, %dma_start3A_1117] : memref<8192x1024xf32, #tpu.memory_space<hbm>> -> memref<32x1024xf32, #tpu.memory_space<hbm>>
      %dma_start3A_1119 = arith.constant 0 : i32
      %dma_start3A_1120 = arith.constant 0 : i32
      %dma_start3A_1121 = tpu.memref_slice %arg4[%run_scoped3A, %dma_start3A_1119, %dma_start3A_1120] : memref<2x32x1024xf32, #tpu.memory_space<vmem>> -> memref<1x32x1024xf32, #tpu.memory_space<vmem>>
      %dma_start3A_1122 = tpu.memref_squeeze %dma_start3A_1121 : memref<1x32x1024xf32, #tpu.memory_space<vmem>> -> memref<32x1024xf32, #tpu.memory_space<vmem>>
      %dma_start3A_1123 = arith.constant 0 : i32
      %dma_start3A_1124 = tpu.memref_slice %arg2[%add3A_4, %dma_start3A_1123] : memref<8192x1024xf32, #tpu.memory_space<hbm>> -> memref<32x1024xf32, #tpu.memory_space<hbm>>
      tpu.enqueue_dma source(%dma_start3A_1124 : memref<32x1024xf32, #tpu.memory_space<hbm>>) target(%dma_start3A_1122 : memref<32x1024xf32, #tpu.memory_space<vmem>>) target_semaphore(%run_scoped3A_1112 : memref<!tpu.dma_semaphore, #tpu.memory_space<semaphore_mem>>)
      %dma_wait3A_1125 = arith.constant 0 : i32
      %dma_wait3A_1126 = arith.constant 0 : i32
      %dma_wait3A_1127 = tpu.memref_slice %arg4[%run_scoped3A, %dma_wait3A_1125, %dma_wait3A_1126] : memref<2x32x1024xf32, #tpu.memory_space<vmem>> -> memref<1x32x1024xf32, #tpu.memory_space<vmem>>
      %dma_wait3A_1128 = tpu.memref_squeeze %dma_wait3A_1127 : memref<1x32x1024xf32, #tpu.memory_space<vmem>> -> memref<32x1024xf32, #tpu.memory_space<vmem>>
      %dma_wait3A_1129 = arith.constant 0 : i32
      %dma_wait3A_1130 = tpu.memref_slice %arg2[%add3A_4, %dma_wait3A_1129] : memref<8192x1024xf32, #tpu.memory_space<hbm>> -> memref<32x1024xf32, #tpu.memory_space<hbm>>
      %dma_wait3A_1131 = arith.constant 0 : i32
      %dma_wait3A_1132 = arith.constant 0 : i32
      %dma_wait3A_1133 = tpu.memref_slice %arg4[%run_scoped3A, %dma_wait3A_1131, %dma_wait3A_1132] : memref<2x32x1024xf32, #tpu.memory_space<vmem>> -> memref<1x32x1024xf32, #tpu.memory_space<vmem>>
      %dma_wait3A_1134 = tpu.memref_squeeze %dma_wait3A_1133 : memref<1x32x1024xf32, #tpu.memory_space<vmem>> -> memref<32x1024xf32, #tpu.memory_space<vmem>>
      %dma_wait3A_1135 = arith.constant 0 : i32
      %dma_wait3A_1136 = tpu.memref_slice %arg2[%add3A_4, %dma_wait3A_1135] : memref<8192x1024xf32, #tpu.memory_space<hbm>> -> memref<32x1024xf32, #tpu.memory_space<hbm>>
      tpu.wait_dma2 semaphore(%run_scoped3A_1112 : memref<!tpu.dma_semaphore, #tpu.memory_space<semaphore_mem>>) src(%dma_wait3A_1136 : memref<32x1024xf32, #tpu.memory_space<hbm>>) dst(%dma_wait3A_1134 : memref<32x1024xf32, #tpu.memory_space<vmem>>)
      tpu.yield
    }) : () -> ()
    %add3A_5 = arith.constant 0 : i32
    %add3A_6 = arith.addi %mul3A_2, %add3A_5 : i32
    %add3A_7 = arith.constant 0 : i32
    %add3A_8 = arith.addi %mul3A_2, %add3A_7 : i32
    %add3A_9 = arith.constant 0 : i32
    %add3A_10 = arith.addi %mul3A_2, %add3A_9 : i32
    %add3A_11 = arith.constant 0 : i32
    %add3A_12 = arith.addi %mul3A_2, %add3A_11 : i32
    %dma_start3A = arith.constant 0 : i32
    %dma_start3A_13 = arith.constant 0 : i32
    %dma_start3A_14 = arith.constant 0 : i32
    %dma_start3A_15 = arith.constant 0 : i32
    %dma_start3A_16 = tpu.memref_slice %arg4[%dma_start3A, %dma_start3A_14, %dma_start3A_15] : memref<2x32x1024xf32, #tpu.memory_space<vmem>> -> memref<1x32x1024xf32, #tpu.memory_space<vmem>>
    %dma_start3A_17 = tpu.memref_squeeze %dma_start3A_16 : memref<1x32x1024xf32, #tpu.memory_space<vmem>> -> memref<32x1024xf32, #tpu.memory_space<vmem>>
    %dma_start3A_18 = arith.constant 0 : i32
    %dma_start3A_19 = tpu.memref_slice %arg3[%dma_start3A_13, %add3A_6, %dma_start3A_18] : memref<4x8192x1024xf32, #tpu.memory_space<hbm>> -> memref<1x32x1024xf32, #tpu.memory_space<hbm>>
    %dma_start3A_20 = tpu.memref_squeeze %dma_start3A_19 : memref<1x32x1024xf32, #tpu.memory_space<hbm>> -> memref<32x1024xf32, #tpu.memory_space<hbm>>
    %dma_start3A_21 = arith.constant 0 : i32
    %dma_start3A_22 = tpu.memref_slice %arg3[%dma_start3A_13, %add3A_6, %dma_start3A_21] : memref<4x8192x1024xf32, #tpu.memory_space<hbm>> -> memref<1x32x1024xf32, #tpu.memory_space<hbm>>
    %dma_start3A_23 = tpu.memref_squeeze %dma_start3A_22 : memref<1x32x1024xf32, #tpu.memory_space<hbm>> -> memref<32x1024xf32, #tpu.memory_space<hbm>>
    %dma_start3A_24 = arith.constant 0 : i32
    %dma_start3A_25 = arith.constant 0 : i32
    %dma_start3A_26 = tpu.memref_slice %arg4[%dma_start3A, %dma_start3A_24, %dma_start3A_25] : memref<2x32x1024xf32, #tpu.memory_space<vmem>> -> memref<1x32x1024xf32, #tpu.memory_space<vmem>>
    %dma_start3A_27 = tpu.memref_squeeze %dma_start3A_26 : memref<1x32x1024xf32, #tpu.memory_space<vmem>> -> memref<32x1024xf32, #tpu.memory_space<vmem>>
    tpu.enqueue_dma source(%dma_start3A_27 : memref<32x1024xf32, #tpu.memory_space<vmem>>) target(%dma_start3A_23 : memref<32x1024xf32, #tpu.memory_space<hbm>>) target_semaphore(%arg5 : memref<!tpu.dma_semaphore, #tpu.memory_space<semaphore_mem>>)
    %dma_start3A_28 = arith.constant 0 : i32
    %dma_start3A_29 = arith.constant 1 : i32
    %dma_start3A_30 = arith.constant 0 : i32
    %dma_start3A_31 = arith.constant 0 : i32
    %dma_start3A_32 = tpu.memref_slice %arg4[%dma_start3A_28, %dma_start3A_30, %dma_start3A_31] : memref<2x32x1024xf32, #tpu.memory_space<vmem>> -> memref<1x32x1024xf32, #tpu.memory_space<vmem>>
    %dma_start3A_33 = tpu.memref_squeeze %dma_start3A_32 : memref<1x32x1024xf32, #tpu.memory_space<vmem>> -> memref<32x1024xf32, #tpu.memory_space<vmem>>
    %dma_start3A_34 = arith.constant 0 : i32
    %dma_start3A_35 = tpu.memref_slice %arg3[%dma_start3A_29, %add3A_8, %dma_start3A_34] : memref<4x8192x1024xf32, #tpu.memory_space<hbm>> -> memref<1x32x1024xf32, #tpu.memory_space<hbm>>
    %dma_start3A_36 = tpu.memref_squeeze %dma_start3A_35 : memref<1x32x1024xf32, #tpu.memory_space<hbm>> -> memref<32x1024xf32, #tpu.memory_space<hbm>>
    %dma_start3A_37 = arith.constant 0 : i32
    %dma_start3A_38 = tpu.memref_slice %arg3[%dma_start3A_29, %add3A_8, %dma_start3A_37] : memref<4x8192x1024xf32, #tpu.memory_space<hbm>> -> memref<1x32x1024xf32, #tpu.memory_space<hbm>>
    %dma_start3A_39 = tpu.memref_squeeze %dma_start3A_38 : memref<1x32x1024xf32, #tpu.memory_space<hbm>> -> memref<32x1024xf32, #tpu.memory_space<hbm>>
    %dma_start3A_40 = arith.constant 0 : i32
    %dma_start3A_41 = arith.constant 0 : i32
    %dma_start3A_42 = tpu.memref_slice %arg4[%dma_start3A_28, %dma_start3A_40, %dma_start3A_41] : memref<2x32x1024xf32, #tpu.memory_space<vmem>> -> memref<1x32x1024xf32, #tpu.memory_space<vmem>>
    %dma_start3A_43 = tpu.memref_squeeze %dma_start3A_42 : memref<1x32x1024xf32, #tpu.memory_space<vmem>> -> memref<32x1024xf32, #tpu.memory_space<vmem>>
    tpu.enqueue_dma source(%dma_start3A_43 : memref<32x1024xf32, #tpu.memory_space<vmem>>) target(%dma_start3A_39 : memref<32x1024xf32, #tpu.memory_space<hbm>>) target_semaphore(%arg5 : memref<!tpu.dma_semaphore, #tpu.memory_space<semaphore_mem>>)
    %dma_start3A_44 = arith.constant 0 : i32
    %dma_start3A_45 = arith.constant 2 : i32
    %dma_start3A_46 = arith.constant 0 : i32
    %dma_start3A_47 = arith.constant 0 : i32
    %dma_start3A_48 = tpu.memref_slice %arg4[%dma_start3A_44, %dma_start3A_46, %dma_start3A_47] : memref<2x32x1024xf32, #tpu.memory_space<vmem>> -> memref<1x32x1024xf32, #tpu.memory_space<vmem>>
    %dma_start3A_49 = tpu.memref_squeeze %dma_start3A_48 : memref<1x32x1024xf32, #tpu.memory_space<vmem>> -> memref<32x1024xf32, #tpu.memory_space<vmem>>
    %dma_start3A_50 = arith.constant 0 : i32
    %dma_start3A_51 = tpu.memref_slice %arg3[%dma_start3A_45, %add3A_10, %dma_start3A_50] : memref<4x8192x1024xf32, #tpu.memory_space<hbm>> -> memref<1x32x1024xf32, #tpu.memory_space<hbm>>
    %dma_start3A_52 = tpu.memref_squeeze %dma_start3A_51 : memref<1x32x1024xf32, #tpu.memory_space<hbm>> -> memref<32x1024xf32, #tpu.memory_space<hbm>>
    %dma_start3A_53 = arith.constant 0 : i32
    %dma_start3A_54 = tpu.memref_slice %arg3[%dma_start3A_45, %add3A_10, %dma_start3A_53] : memref<4x8192x1024xf32, #tpu.memory_space<hbm>> -> memref<1x32x1024xf32, #tpu.memory_space<hbm>>
    %dma_start3A_55 = tpu.memref_squeeze %dma_start3A_54 : memref<1x32x1024xf32, #tpu.memory_space<hbm>> -> memref<32x1024xf32, #tpu.memory_space<hbm>>
    %dma_start3A_56 = arith.constant 0 : i32
    %dma_start3A_57 = arith.constant 0 : i32
    %dma_start3A_58 = tpu.memref_slice %arg4[%dma_start3A_44, %dma_start3A_56, %dma_start3A_57] : memref<2x32x1024xf32, #tpu.memory_space<vmem>> -> memref<1x32x1024xf32, #tpu.memory_space<vmem>>
    %dma_start3A_59 = tpu.memref_squeeze %dma_start3A_58 : memref<1x32x1024xf32, #tpu.memory_space<vmem>> -> memref<32x1024xf32, #tpu.memory_space<vmem>>
    tpu.enqueue_dma source(%dma_start3A_59 : memref<32x1024xf32, #tpu.memory_space<vmem>>) target(%dma_start3A_55 : memref<32x1024xf32, #tpu.memory_space<hbm>>) target_semaphore(%arg5 : memref<!tpu.dma_semaphore, #tpu.memory_space<semaphore_mem>>)
    %dma_start3A_60 = arith.constant 0 : i32
    %dma_start3A_61 = arith.constant 3 : i32
    %dma_start3A_62 = arith.constant 0 : i32
    %dma_start3A_63 = arith.constant 0 : i32
    %dma_start3A_64 = tpu.memref_slice %arg4[%dma_start3A_60, %dma_start3A_62, %dma_start3A_63] : memref<2x32x1024xf32, #tpu.memory_space<vmem>> -> memref<1x32x1024xf32, #tpu.memory_space<vmem>>
    %dma_start3A_65 = tpu.memref_squeeze %dma_start3A_64 : memref<1x32x1024xf32, #tpu.memory_space<vmem>> -> memref<32x1024xf32, #tpu.memory_space<vmem>>
    %dma_start3A_66 = arith.constant 0 : i32
    %dma_start3A_67 = tpu.memref_slice %arg3[%dma_start3A_61, %add3A_12, %dma_start3A_66] : memref<4x8192x1024xf32, #tpu.memory_space<hbm>> -> memref<1x32x1024xf32, #tpu.memory_space<hbm>>
    %dma_start3A_68 = tpu.memref_squeeze %dma_start3A_67 : memref<1x32x1024xf32, #tpu.memory_space<hbm>> -> memref<32x1024xf32, #tpu.memory_space<hbm>>
    %dma_start3A_69 = arith.constant 0 : i32
    %dma_start3A_70 = tpu.memref_slice %arg3[%dma_start3A_61, %add3A_12, %dma_start3A_69] : memref<4x8192x1024xf32, #tpu.memory_space<hbm>> -> memref<1x32x1024xf32, #tpu.memory_space<hbm>>
    %dma_start3A_71 = tpu.memref_squeeze %dma_start3A_70 : memref<1x32x1024xf32, #tpu.memory_space<hbm>> -> memref<32x1024xf32, #tpu.memory_space<hbm>>
    %dma_start3A_72 = arith.constant 0 : i32
    %dma_start3A_73 = arith.constant 0 : i32
    %dma_start3A_74 = tpu.memref_slice %arg4[%dma_start3A_60, %dma_start3A_72, %dma_start3A_73] : memref<2x32x1024xf32, #tpu.memory_space<vmem>> -> memref<1x32x1024xf32, #tpu.memory_space<vmem>>
    %dma_start3A_75 = tpu.memref_squeeze %dma_start3A_74 : memref<1x32x1024xf32, #tpu.memory_space<vmem>> -> memref<32x1024xf32, #tpu.memory_space<vmem>>
    tpu.enqueue_dma source(%dma_start3A_75 : memref<32x1024xf32, #tpu.memory_space<vmem>>) target(%dma_start3A_71 : memref<32x1024xf32, #tpu.memory_space<hbm>>) target_semaphore(%arg5 : memref<!tpu.dma_semaphore, #tpu.memory_space<semaphore_mem>>)
    %add3A_76 = arith.constant 32 : i32
    %add3A_77 = arith.addi %mul3A_2, %add3A_76 : i32
    %run_scoped3A_78 = arith.constant 1 : i32
    "tpu.region"() ({
      %run_scoped3A_1112 = tpu.sem_alloc : memref<!tpu.dma_semaphore, #tpu.memory_space<semaphore_mem>>
      %dma_start3A_1113 = arith.constant 0 : i32
      %dma_start3A_1114 = arith.constant 0 : i32
      %dma_start3A_1115 = tpu.memref_slice %arg4[%run_scoped3A_78, %dma_start3A_1113, %dma_start3A_1114] : memref<2x32x1024xf32, #tpu.memory_space<vmem>> -> memref<1x32x1024xf32, #tpu.memory_space<vmem>>
      %dma_start3A_1116 = tpu.memref_squeeze %dma_start3A_1115 : memref<1x32x1024xf32, #tpu.memory_space<vmem>> -> memref<32x1024xf32, #tpu.memory_space<vmem>>
      %dma_start3A_1117 = arith.constant 0 : i32
      %dma_start3A_1118 = tpu.memref_slice %arg2[%add3A_77, %dma_start3A_1117] : memref<8192x1024xf32, #tpu.memory_space<hbm>> -> memref<32x1024xf32, #tpu.memory_space<hbm>>
      %dma_start3A_1119 = arith.constant 0 : i32
      %dma_start3A_1120 = arith.constant 0 : i32
      %dma_start3A_1121 = tpu.memref_slice %arg4[%run_scoped3A_78, %dma_start3A_1119, %dma_start3A_1120] : memref<2x32x1024xf32, #tpu.memory_space<vmem>> -> memref<1x32x1024xf32, #tpu.memory_space<vmem>>
      %dma_start3A_1122 = tpu.memref_squeeze %dma_start3A_1121 : memref<1x32x1024xf32, #tpu.memory_space<vmem>> -> memref<32x1024xf32, #tpu.memory_space<vmem>>
      %dma_start3A_1123 = arith.constant 0 : i32
      %dma_start3A_1124 = tpu.memref_slice %arg2[%add3A_77, %dma_start3A_1123] : memref<8192x1024xf32, #tpu.memory_space<hbm>> -> memref<32x1024xf32, #tpu.memory_space<hbm>>
      tpu.enqueue_dma source(%dma_start3A_1124 : memref<32x1024xf32, #tpu.memory_space<hbm>>) target(%dma_start3A_1122 : memref<32x1024xf32, #tpu.memory_space<vmem>>) target_semaphore(%run_scoped3A_1112 : memref<!tpu.dma_semaphore, #tpu.memory_space<semaphore_mem>>)
      %dma_wait3A_1125 = arith.constant 0 : i32
      %dma_wait3A_1126 = arith.constant 0 : i32
      %dma_wait3A_1127 = tpu.memref_slice %arg4[%run_scoped3A_78, %dma_wait3A_1125, %dma_wait3A_1126] : memref<2x32x1024xf32, #tpu.memory_space<vmem>> -> memref<1x32x1024xf32, #tpu.memory_space<vmem>>
      %dma_wait3A_1128 = tpu.memref_squeeze %dma_wait3A_1127 : memref<1x32x1024xf32, #tpu.memory_space<vmem>> -> memref<32x1024xf32, #tpu.memory_space<vmem>>
      %dma_wait3A_1129 = arith.constant 0 : i32
      %dma_wait3A_1130 = tpu.memref_slice %arg2[%add3A_77, %dma_wait3A_1129] : memref<8192x1024xf32, #tpu.memory_space<hbm>> -> memref<32x1024xf32, #tpu.memory_space<hbm>>
      %dma_wait3A_1131 = arith.constant 0 : i32
      %dma_wait3A_1132 = arith.constant 0 : i32
      %dma_wait3A_1133 = tpu.memref_slice %arg4[%run_scoped3A_78, %dma_wait3A_1131, %dma_wait3A_1132] : memref<2x32x1024xf32, #tpu.memory_space<vmem>> -> memref<1x32x1024xf32, #tpu.memory_space<vmem>>
      %dma_wait3A_1134 = tpu.memref_squeeze %dma_wait3A_1133 : memref<1x32x1024xf32, #tpu.memory_space<vmem>> -> memref<32x1024xf32, #tpu.memory_space<vmem>>
      %dma_wait3A_1135 = arith.constant 0 : i32
      %dma_wait3A_1136 = tpu.memref_slice %arg2[%add3A_77, %dma_wait3A_1135] : memref<8192x1024xf32, #tpu.memory_space<hbm>> -> memref<32x1024xf32, #tpu.memory_space<hbm>>
      tpu.wait_dma2 semaphore(%run_scoped3A_1112 : memref<!tpu.dma_semaphore, #tpu.memory_space<semaphore_mem>>) src(%dma_wait3A_1136 : memref<32x1024xf32, #tpu.memory_space<hbm>>) dst(%dma_wait3A_1134 : memref<32x1024xf32, #tpu.memory_space<vmem>>)
      tpu.yield
    }) : () -> ()
    %dma_wait3A = arith.constant 0 : i32
    %dma_wait3A_79 = arith.constant 0 : i32
    %dma_wait3A_80 = arith.constant 0 : i32
    %dma_wait3A_81 = arith.constant 0 : i32
    %dma_wait3A_82 = tpu.memref_slice %arg4[%dma_wait3A, %dma_wait3A_80, %dma_wait3A_81] : memref<2x32x1024xf32, #tpu.memory_space<vmem>> -> memref<1x32x1024xf32, #tpu.memory_space<vmem>>
    %dma_wait3A_83 = tpu.memref_squeeze %dma_wait3A_82 : memref<1x32x1024xf32, #tpu.memory_space<vmem>> -> memref<32x1024xf32, #tpu.memory_space<vmem>>
    %dma_wait3A_84 = arith.constant 0 : i32
    %dma_wait3A_85 = tpu.memref_slice %arg3[%dma_wait3A_79, %add3A_6, %dma_wait3A_84] : memref<4x8192x1024xf32, #tpu.memory_space<hbm>> -> memref<1x32x1024xf32, #tpu.memory_space<hbm>>
    %dma_wait3A_86 = tpu.memref_squeeze %dma_wait3A_85 : memref<1x32x1024xf32, #tpu.memory_space<hbm>> -> memref<32x1024xf32, #tpu.memory_space<hbm>>
    %dma_wait3A_87 = arith.constant 0 : i32
    %dma_wait3A_88 = tpu.memref_slice %arg3[%dma_wait3A_79, %add3A_6, %dma_wait3A_87] : memref<4x8192x1024xf32, #tpu.memory_space<hbm>> -> memref<1x32x1024xf32, #tpu.memory_space<hbm>>
    %dma_wait3A_89 = tpu.memref_squeeze %dma_wait3A_88 : memref<1x32x1024xf32, #tpu.memory_space<hbm>> -> memref<32x1024xf32, #tpu.memory_space<hbm>>
    %dma_wait3A_90 = arith.constant 0 : i32
    %dma_wait3A_91 = arith.constant 0 : i32
    %dma_wait3A_92 = tpu.memref_slice %arg4[%dma_wait3A, %dma_wait3A_90, %dma_wait3A_91] : memref<2x32x1024xf32, #tpu.memory_space<vmem>> -> memref<1x32x1024xf32, #tpu.memory_space<vmem>>
    %dma_wait3A_93 = tpu.memref_squeeze %dma_wait3A_92 : memref<1x32x1024xf32, #tpu.memory_space<vmem>> -> memref<32x1024xf32, #tpu.memory_space<vmem>>
    tpu.wait_dma2 semaphore(%arg5 : memref<!tpu.dma_semaphore, #tpu.memory_space<semaphore_mem>>) src(%dma_wait3A_93 : memref<32x1024xf32, #tpu.memory_space<vmem>>) dst(%dma_wait3A_89 : memref<32x1024xf32, #tpu.memory_space<hbm>>)
    %dma_wait3A_94 = arith.constant 0 : i32
    %dma_wait3A_95 = arith.constant 1 : i32
    %dma_wait3A_96 = arith.constant 0 : i32
    %dma_wait3A_97 = arith.constant 0 : i32
    %dma_wait3A_98 = tpu.memref_slice %arg4[%dma_wait3A_94, %dma_wait3A_96, %dma_wait3A_97] : memref<2x32x1024xf32, #tpu.memory_space<vmem>> -> memref<1x32x1024xf32, #tpu.memory_space<vmem>>
    %dma_wait3A_99 = tpu.memref_squeeze %dma_wait3A_98 : memref<1x32x1024xf32, #tpu.memory_space<vmem>> -> memref<32x1024xf32, #tpu.memory_space<vmem>>
    %dma_wait3A_100 = arith.constant 0 : i32
    %dma_wait3A_101 = tpu.memref_slice %arg3[%dma_wait3A_95, %add3A_8, %dma_wait3A_100] : memref<4x8192x1024xf32, #tpu.memory_space<hbm>> -> memref<1x32x1024xf32, #tpu.memory_space<hbm>>
    %dma_wait3A_102 = tpu.memref_squeeze %dma_wait3A_101 : memref<1x32x1024xf32, #tpu.memory_space<hbm>> -> memref<32x1024xf32, #tpu.memory_space<hbm>>
    %dma_wait3A_103 = arith.constant 0 : i32
    %dma_wait3A_104 = tpu.memref_slice %arg3[%dma_wait3A_95, %add3A_8, %dma_wait3A_103] : memref<4x8192x1024xf32, #tpu.memory_space<hbm>> -> memref<1x32x1024xf32, #tpu.memory_space<hbm>>
    %dma_wait3A_105 = tpu.memref_squeeze %dma_wait3A_104 : memref<1x32x1024xf32, #tpu.memory_space<hbm>> -> memref<32x1024xf32, #tpu.memory_space<hbm>>
    %dma_wait3A_106 = arith.constant 0 : i32
    %dma_wait3A_107 = arith.constant 0 : i32
    %dma_wait3A_108 = tpu.memref_slice %arg4[%dma_wait3A_94, %dma_wait3A_106, %dma_wait3A_107] : memref<2x32x1024xf32, #tpu.memory_space<vmem>> -> memref<1x32x1024xf32, #tpu.memory_space<vmem>>
    %dma_wait3A_109 = tpu.memref_squeeze %dma_wait3A_108 : memref<1x32x1024xf32, #tpu.memory_space<vmem>> -> memref<32x1024xf32, #tpu.memory_space<vmem>>
    tpu.wait_dma2 semaphore(%arg5 : memref<!tpu.dma_semaphore, #tpu.memory_space<semaphore_mem>>) src(%dma_wait3A_109 : memref<32x1024xf32, #tpu.memory_space<vmem>>) dst(%dma_wait3A_105 : memref<32x1024xf32, #tpu.memory_space<hbm>>)
    %dma_wait3A_110 = arith.constant 0 : i32
    %dma_wait3A_111 = arith.constant 2 : i32
    %dma_wait3A_112 = arith.constant 0 : i32
    %dma_wait3A_113 = arith.constant 0 : i32
    %dma_wait3A_114 = tpu.memref_slice %arg4[%dma_wait3A_110, %dma_wait3A_112, %dma_wait3A_113] : memref<2x32x1024xf32, #tpu.memory_space<vmem>> -> memref<1x32x1024xf32, #tpu.memory_space<vmem>>
    %dma_wait3A_115 = tpu.memref_squeeze %dma_wait3A_114 : memref<1x32x1024xf32, #tpu.memory_space<vmem>> -> memref<32x1024xf32, #tpu.memory_space<vmem>>
    %dma_wait3A_116 = arith.constant 0 : i32
    %dma_wait3A_117 = tpu.memref_slice %arg3[%dma_wait3A_111, %add3A_10, %dma_wait3A_116] : memref<4x8192x1024xf32, #tpu.memory_space<hbm>> -> memref<1x32x1024xf32, #tpu.memory_space<hbm>>
    %dma_wait3A_118 = tpu.memref_squeeze %dma_wait3A_117 : memref<1x32x1024xf32, #tpu.memory_space<hbm>> -> memref<32x1024xf32, #tpu.memory_space<hbm>>
    %dma_wait3A_119 = arith.constant 0 : i32
    %dma_wait3A_120 = tpu.memref_slice %arg3[%dma_wait3A_111, %add3A_10, %dma_wait3A_119] : memref<4x8192x1024xf32, #tpu.memory_space<hbm>> -> memref<1x32x1024xf32, #tpu.memory_space<hbm>>
    %dma_wait3A_121 = tpu.memref_squeeze %dma_wait3A_120 : memref<1x32x1024xf32, #tpu.memory_space<hbm>> -> memref<32x1024xf32, #tpu.memory_space<hbm>>
    %dma_wait3A_122 = arith.constant 0 : i32
    %dma_wait3A_123 = arith.constant 0 : i32
    %dma_wait3A_124 = tpu.memref_slice %arg4[%dma_wait3A_110, %dma_wait3A_122, %dma_wait3A_123] : memref<2x32x1024xf32, #tpu.memory_space<vmem>> -> memref<1x32x1024xf32, #tpu.memory_space<vmem>>
    %dma_wait3A_125 = tpu.memref_squeeze %dma_wait3A_124 : memref<1x32x1024xf32, #tpu.memory_space<vmem>> -> memref<32x1024xf32, #tpu.memory_space<vmem>>
    tpu.wait_dma2 semaphore(%arg5 : memref<!tpu.dma_semaphore, #tpu.memory_space<semaphore_mem>>) src(%dma_wait3A_125 : memref<32x1024xf32, #tpu.memory_space<vmem>>) dst(%dma_wait3A_121 : memref<32x1024xf32, #tpu.memory_space<hbm>>)
    %dma_wait3A_126 = arith.constant 0 : i32
    %dma_wait3A_127 = arith.constant 3 : i32
    %dma_wait3A_128 = arith.constant 0 : i32
    %dma_wait3A_129 = arith.constant 0 : i32
    %dma_wait3A_130 = tpu.memref_slice %arg4[%dma_wait3A_126, %dma_wait3A_128, %dma_wait3A_129] : memref<2x32x1024xf32, #tpu.memory_space<vmem>> -> memref<1x32x1024xf32, #tpu.memory_space<vmem>>
    %dma_wait3A_131 = tpu.memref_squeeze %dma_wait3A_130 : memref<1x32x1024xf32, #tpu.memory_space<vmem>> -> memref<32x1024xf32, #tpu.memory_space<vmem>>
    %dma_wait3A_132 = arith.constant 0 : i32
    %dma_wait3A_133 = tpu.memref_slice %arg3[%dma_wait3A_127, %add3A_12, %dma_wait3A_132] : memref<4x8192x1024xf32, #tpu.memory_space<hbm>> -> memref<1x32x1024xf32, #tpu.memory_space<hbm>>
    %dma_wait3A_134 = tpu.memref_squeeze %dma_wait3A_133 : memref<1x32x1024xf32, #tpu.memory_space<hbm>> -> memref<32x1024xf32, #tpu.memory_space<hbm>>
    %dma_wait3A_135 = arith.constant 0 : i32
    %dma_wait3A_136 = tpu.memref_slice %arg3[%dma_wait3A_127, %add3A_12, %dma_wait3A_135] : memref<4x8192x1024xf32, #tpu.memory_space<hbm>> -> memref<1x32x1024xf32, #tpu.memory_space<hbm>>
    %dma_wait3A_137 = tpu.memref_squeeze %dma_wait3A_136 : memref<1x32x1024xf32, #tpu.memory_space<hbm>> -> memref<32x1024xf32, #tpu.memory_space<hbm>>
    %dma_wait3A_138 = arith.constant 0 : i32
    %dma_wait3A_139 = arith.constant 0 : i32
    %dma_wait3A_140 = tpu.memref_slice %arg4[%dma_wait3A_126, %dma_wait3A_138, %dma_wait3A_139] : memref<2x32x1024xf32, #tpu.memory_space<vmem>> -> memref<1x32x1024xf32, #tpu.memory_space<vmem>>
    %dma_wait3A_141 = tpu.memref_squeeze %dma_wait3A_140 : memref<1x32x1024xf32, #tpu.memory_space<vmem>> -> memref<32x1024xf32, #tpu.memory_space<vmem>>
    tpu.wait_dma2 semaphore(%arg5 : memref<!tpu.dma_semaphore, #tpu.memory_space<semaphore_mem>>) src(%dma_wait3A_141 : memref<32x1024xf32, #tpu.memory_space<vmem>>) dst(%dma_wait3A_137 : memref<32x1024xf32, #tpu.memory_space<hbm>>)
    %add3A_142 = arith.constant 32 : i32
    %add3A_143 = arith.addi %mul3A_2, %add3A_142 : i32
    %add3A_144 = arith.constant 32 : i32
    %add3A_145 = arith.addi %mul3A_2, %add3A_144 : i32
    %add3A_146 = arith.constant 32 : i32
    %add3A_147 = arith.addi %mul3A_2, %add3A_146 : i32
    %add3A_148 = arith.constant 32 : i32
    %add3A_149 = arith.addi %mul3A_2, %add3A_148 : i32
    %dma_start3A_150 = arith.constant 1 : i32
    %dma_start3A_151 = arith.constant 0 : i32
    %dma_start3A_152 = arith.constant 0 : i32
    %dma_start3A_153 = arith.constant 0 : i32
    %dma_start3A_154 = tpu.memref_slice %arg4[%dma_start3A_150, %dma_start3A_152, %dma_start3A_153] : memref<2x32x1024xf32, #tpu.memory_space<vmem>> -> memref<1x32x1024xf32, #tpu.memory_space<vmem>>
    %dma_start3A_155 = tpu.memref_squeeze %dma_start3A_154 : memref<1x32x1024xf32, #tpu.memory_space<vmem>> -> memref<32x1024xf32, #tpu.memory_space<vmem>>
    %dma_start3A_156 = arith.constant 0 : i32
    %dma_start3A_157 = tpu.memref_slice %arg3[%dma_start3A_151, %add3A_143, %dma_start3A_156] : memref<4x8192x1024xf32, #tpu.memory_space<hbm>> -> memref<1x32x1024xf32, #tpu.memory_space<hbm>>
    %dma_start3A_158 = tpu.memref_squeeze %dma_start3A_157 : memref<1x32x1024xf32, #tpu.memory_space<hbm>> -> memref<32x1024xf32, #tpu.memory_space<hbm>>
    %dma_start3A_159 = arith.constant 0 : i32
    %dma_start3A_160 = tpu.memref_slice %arg3[%dma_start3A_151, %add3A_143, %dma_start3A_159] : memref<4x8192x1024xf32, #tpu.memory_space<hbm>> -> memref<1x32x1024xf32, #tpu.memory_space<hbm>>
    %dma_start3A_161 = tpu.memref_squeeze %dma_start3A_160 : memref<1x32x1024xf32, #tpu.memory_space<hbm>> -> memref<32x1024xf32, #tpu.memory_space<hbm>>
    %dma_start3A_162 = arith.constant 0 : i32
    %dma_start3A_163 = arith.constant 0 : i32
    %dma_start3A_164 = tpu.memref_slice %arg4[%dma_start3A_150, %dma_start3A_162, %dma_start3A_163] : memref<2x32x1024xf32, #tpu.memory_space<vmem>> -> memref<1x32x1024xf32, #tpu.memory_space<vmem>>
    %dma_start3A_165 = tpu.memref_squeeze %dma_start3A_164 : memref<1x32x1024xf32, #tpu.memory_space<vmem>> -> memref<32x1024xf32, #tpu.memory_space<vmem>>
    tpu.enqueue_dma source(%dma_start3A_165 : memref<32x1024xf32, #tpu.memory_space<vmem>>) target(%dma_start3A_161 : memref<32x1024xf32, #tpu.memory_space<hbm>>) target_semaphore(%arg5 : memref<!tpu.dma_semaphore, #tpu.memory_space<semaphore_mem>>)
    %dma_start3A_166 = arith.constant 1 : i32
    %dma_start3A_167 = arith.constant 1 : i32
    %dma_start3A_168 = arith.constant 0 : i32
    %dma_start3A_169 = arith.constant 0 : i32
    %dma_start3A_170 = tpu.memref_slice %arg4[%dma_start3A_166, %dma_start3A_168, %dma_start3A_169] : memref<2x32x1024xf32, #tpu.memory_space<vmem>> -> memref<1x32x1024xf32, #tpu.memory_space<vmem>>
    %dma_start3A_171 = tpu.memref_squeeze %dma_start3A_170 : memref<1x32x1024xf32, #tpu.memory_space<vmem>> -> memref<32x1024xf32, #tpu.memory_space<vmem>>
    %dma_start3A_172 = arith.constant 0 : i32
    %dma_start3A_173 = tpu.memref_slice %arg3[%dma_start3A_167, %add3A_145, %dma_start3A_172] : memref<4x8192x1024xf32, #tpu.memory_space<hbm>> -> memref<1x32x1024xf32, #tpu.memory_space<hbm>>
    %dma_start3A_174 = tpu.memref_squeeze %dma_start3A_173 : memref<1x32x1024xf32, #tpu.memory_space<hbm>> -> memref<32x1024xf32, #tpu.memory_space<hbm>>
    %dma_start3A_175 = arith.constant 0 : i32
    %dma_start3A_176 = tpu.memref_slice %arg3[%dma_start3A_167, %add3A_145, %dma_start3A_175] : memref<4x8192x1024xf32, #tpu.memory_space<hbm>> -> memref<1x32x1024xf32, #tpu.memory_space<hbm>>
    %dma_start3A_177 = tpu.memref_squeeze %dma_start3A_176 : memref<1x32x1024xf32, #tpu.memory_space<hbm>> -> memref<32x1024xf32, #tpu.memory_space<hbm>>
    %dma_start3A_178 = arith.constant 0 : i32
    %dma_start3A_179 = arith.constant 0 : i32
    %dma_start3A_180 = tpu.memref_slice %arg4[%dma_start3A_166, %dma_start3A_178, %dma_start3A_179] : memref<2x32x1024xf32, #tpu.memory_space<vmem>> -> memref<1x32x1024xf32, #tpu.memory_space<vmem>>
    %dma_start3A_181 = tpu.memref_squeeze %dma_start3A_180 : memref<1x32x1024xf32, #tpu.memory_space<vmem>> -> memref<32x1024xf32, #tpu.memory_space<vmem>>
    tpu.enqueue_dma source(%dma_start3A_181 : memref<32x1024xf32, #tpu.memory_space<vmem>>) target(%dma_start3A_177 : memref<32x1024xf32, #tpu.memory_space<hbm>>) target_semaphore(%arg5 : memref<!tpu.dma_semaphore, #tpu.memory_space<semaphore_mem>>)
    %dma_start3A_182 = arith.constant 1 : i32
    %dma_start3A_183 = arith.constant 2 : i32
    %dma_start3A_184 = arith.constant 0 : i32
    %dma_start3A_185 = arith.constant 0 : i32
    %dma_start3A_186 = tpu.memref_slice %arg4[%dma_start3A_182, %dma_start3A_184, %dma_start3A_185] : memref<2x32x1024xf32, #tpu.memory_space<vmem>> -> memref<1x32x1024xf32, #tpu.memory_space<vmem>>
    %dma_start3A_187 = tpu.memref_squeeze %dma_start3A_186 : memref<1x32x1024xf32, #tpu.memory_space<vmem>> -> memref<32x1024xf32, #tpu.memory_space<vmem>>
    %dma_start3A_188 = arith.constant 0 : i32
    %dma_start3A_189 = tpu.memref_slice %arg3[%dma_start3A_183, %add3A_147, %dma_start3A_188] : memref<4x8192x1024xf32, #tpu.memory_space<hbm>> -> memref<1x32x1024xf32, #tpu.memory_space<hbm>>
    %dma_start3A_190 = tpu.memref_squeeze %dma_start3A_189 : memref<1x32x1024xf32, #tpu.memory_space<hbm>> -> memref<32x1024xf32, #tpu.memory_space<hbm>>
    %dma_start3A_191 = arith.constant 0 : i32
    %dma_start3A_192 = tpu.memref_slice %arg3[%dma_start3A_183, %add3A_147, %dma_start3A_191] : memref<4x8192x1024xf32, #tpu.memory_space<hbm>> -> memref<1x32x1024xf32, #tpu.memory_space<hbm>>
    %dma_start3A_193 = tpu.memref_squeeze %dma_start3A_192 : memref<1x32x1024xf32, #tpu.memory_space<hbm>> -> memref<32x1024xf32, #tpu.memory_space<hbm>>
    %dma_start3A_194 = arith.constant 0 : i32
    %dma_start3A_195 = arith.constant 0 : i32
    %dma_start3A_196 = tpu.memref_slice %arg4[%dma_start3A_182, %dma_start3A_194, %dma_start3A_195] : memref<2x32x1024xf32, #tpu.memory_space<vmem>> -> memref<1x32x1024xf32, #tpu.memory_space<vmem>>
    %dma_start3A_197 = tpu.memref_squeeze %dma_start3A_196 : memref<1x32x1024xf32, #tpu.memory_space<vmem>> -> memref<32x1024xf32, #tpu.memory_space<vmem>>
    tpu.enqueue_dma source(%dma_start3A_197 : memref<32x1024xf32, #tpu.memory_space<vmem>>) target(%dma_start3A_193 : memref<32x1024xf32, #tpu.memory_space<hbm>>) target_semaphore(%arg5 : memref<!tpu.dma_semaphore, #tpu.memory_space<semaphore_mem>>)
    %dma_start3A_198 = arith.constant 1 : i32
    %dma_start3A_199 = arith.constant 3 : i32
    %dma_start3A_200 = arith.constant 0 : i32
    %dma_start3A_201 = arith.constant 0 : i32
    %dma_start3A_202 = tpu.memref_slice %arg4[%dma_start3A_198, %dma_start3A_200, %dma_start3A_201] : memref<2x32x1024xf32, #tpu.memory_space<vmem>> -> memref<1x32x1024xf32, #tpu.memory_space<vmem>>
    %dma_start3A_203 = tpu.memref_squeeze %dma_start3A_202 : memref<1x32x1024xf32, #tpu.memory_space<vmem>> -> memref<32x1024xf32, #tpu.memory_space<vmem>>
    %dma_start3A_204 = arith.constant 0 : i32
    %dma_start3A_205 = tpu.memref_slice %arg3[%dma_start3A_199, %add3A_149, %dma_start3A_204] : memref<4x8192x1024xf32, #tpu.memory_space<hbm>> -> memref<1x32x1024xf32, #tpu.memory_space<hbm>>
    %dma_start3A_206 = tpu.memref_squeeze %dma_start3A_205 : memref<1x32x1024xf32, #tpu.memory_space<hbm>> -> memref<32x1024xf32, #tpu.memory_space<hbm>>
    %dma_start3A_207 = arith.constant 0 : i32
    %dma_start3A_208 = tpu.memref_slice %arg3[%dma_start3A_199, %add3A_149, %dma_start3A_207] : memref<4x8192x1024xf32, #tpu.memory_space<hbm>> -> memref<1x32x1024xf32, #tpu.memory_space<hbm>>
    %dma_start3A_209 = tpu.memref_squeeze %dma_start3A_208 : memref<1x32x1024xf32, #tpu.memory_space<hbm>> -> memref<32x1024xf32, #tpu.memory_space<hbm>>
    %dma_start3A_210 = arith.constant 0 : i32
    %dma_start3A_211 = arith.constant 0 : i32
    %dma_start3A_212 = tpu.memref_slice %arg4[%dma_start3A_198, %dma_start3A_210, %dma_start3A_211] : memref<2x32x1024xf32, #tpu.memory_space<vmem>> -> memref<1x32x1024xf32, #tpu.memory_space<vmem>>
    %dma_start3A_213 = tpu.memref_squeeze %dma_start3A_212 : memref<1x32x1024xf32, #tpu.memory_space<vmem>> -> memref<32x1024xf32, #tpu.memory_space<vmem>>
    tpu.enqueue_dma source(%dma_start3A_213 : memref<32x1024xf32, #tpu.memory_space<vmem>>) target(%dma_start3A_209 : memref<32x1024xf32, #tpu.memory_space<hbm>>) target_semaphore(%arg5 : memref<!tpu.dma_semaphore, #tpu.memory_space<semaphore_mem>>)
    %add3A_214 = arith.constant 64 : i32
    %add3A_215 = arith.addi %mul3A_2, %add3A_214 : i32
    %run_scoped3A_216 = arith.constant 0 : i32
    "tpu.region"() ({
      %run_scoped3A_1112 = tpu.sem_alloc : memref<!tpu.dma_semaphore, #tpu.memory_space<semaphore_mem>>
      %dma_start3A_1113 = arith.constant 0 : i32
      %dma_start3A_1114 = arith.constant 0 : i32
      %dma_start3A_1115 = tpu.memref_slice %arg4[%run_scoped3A_216, %dma_start3A_1113, %dma_start3A_1114] : memref<2x32x1024xf32, #tpu.memory_space<vmem>> -> memref<1x32x1024xf32, #tpu.memory_space<vmem>>
      %dma_start3A_1116 = tpu.memref_squeeze %dma_start3A_1115 : memref<1x32x1024xf32, #tpu.memory_space<vmem>> -> memref<32x1024xf32, #tpu.memory_space<vmem>>
      %dma_start3A_1117 = arith.constant 0 : i32
      %dma_start3A_1118 = tpu.memref_slice %arg2[%add3A_215, %dma_start3A_1117] : memref<8192x1024xf32, #tpu.memory_space<hbm>> -> memref<32x1024xf32, #tpu.memory_space<hbm>>
      %dma_start3A_1119 = arith.constant 0 : i32
      %dma_start3A_1120 = arith.constant 0 : i32
      %dma_start3A_1121 = tpu.memref_slice %arg4[%run_scoped3A_216, %dma_start3A_1119, %dma_start3A_1120] : memref<2x32x1024xf32, #tpu.memory_space<vmem>> -> memref<1x32x1024xf32, #tpu.memory_space<vmem>>
      %dma_start3A_1122 = tpu.memref_squeeze %dma_start3A_1121 : memref<1x32x1024xf32, #tpu.memory_space<vmem>> -> memref<32x1024xf32, #tpu.memory_space<vmem>>
      %dma_start3A_1123 = arith.constant 0 : i32
      %dma_start3A_1124 = tpu.memref_slice %arg2[%add3A_215, %dma_start3A_1123] : memref<8192x1024xf32, #tpu.memory_space<hbm>> -> memref<32x1024xf32, #tpu.memory_space<hbm>>
      tpu.enqueue_dma source(%dma_start3A_1124 : memref<32x1024xf32, #tpu.memory_space<hbm>>) target(%dma_start3A_1122 : memref<32x1024xf32, #tpu.memory_space<vmem>>) target_semaphore(%run_scoped3A_1112 : memref<!tpu.dma_semaphore, #tpu.memory_space<semaphore_mem>>)
      %dma_wait3A_1125 = arith.constant 0 : i32
      %dma_wait3A_1126 = arith.constant 0 : i32
      %dma_wait3A_1127 = tpu.memref_slice %arg4[%run_scoped3A_216, %dma_wait3A_1125, %dma_wait3A_1126] : memref<2x32x1024xf32, #tpu.memory_space<vmem>> -> memref<1x32x1024xf32, #tpu.memory_space<vmem>>
      %dma_wait3A_1128 = tpu.memref_squeeze %dma_wait3A_1127 : memref<1x32x1024xf32, #tpu.memory_space<vmem>> -> memref<32x1024xf32, #tpu.memory_space<vmem>>
      %dma_wait3A_1129 = arith.constant 0 : i32
      %dma_wait3A_1130 = tpu.memref_slice %arg2[%add3A_215, %dma_wait3A_1129] : memref<8192x1024xf32, #tpu.memory_space<hbm>> -> memref<32x1024xf32, #tpu.memory_space<hbm>>
      %dma_wait3A_1131 = arith.constant 0 : i32
      %dma_wait3A_1132 = arith.constant 0 : i32
      %dma_wait3A_1133 = tpu.memref_slice %arg4[%run_scoped3A_216, %dma_wait3A_1131, %dma_wait3A_1132] : memref<2x32x1024xf32, #tpu.memory_space<vmem>> -> memref<1x32x1024xf32, #tpu.memory_space<vmem>>
      %dma_wait3A_1134 = tpu.memref_squeeze %dma_wait3A_1133 : memref<1x32x1024xf32, #tpu.memory_space<vmem>> -> memref<32x1024xf32, #tpu.memory_space<vmem>>
      %dma_wait3A_1135 = arith.constant 0 : i32
      %dma_wait3A_1136 = tpu.memref_slice %arg2[%add3A_215, %dma_wait3A_1135] : memref<8192x1024xf32, #tpu.memory_space<hbm>> -> memref<32x1024xf32, #tpu.memory_space<hbm>>
      tpu.wait_dma2 semaphore(%run_scoped3A_1112 : memref<!tpu.dma_semaphore, #tpu.memory_space<semaphore_mem>>) src(%dma_wait3A_1136 : memref<32x1024xf32, #tpu.memory_space<hbm>>) dst(%dma_wait3A_1134 : memref<32x1024xf32, #tpu.memory_space<vmem>>)
      tpu.yield
    }) : () -> ()
    %dma_wait3A_217 = arith.constant 1 : i32
    %dma_wait3A_218 = arith.constant 0 : i32
    %dma_wait3A_219 = arith.constant 0 : i32
    %dma_wait3A_220 = arith.constant 0 : i32
    %dma_wait3A_221 = tpu.memref_slice %arg4[%dma_wait3A_217, %dma_wait3A_219, %dma_wait3A_220] : memref<2x32x1024xf32, #tpu.memory_space<vmem>> -> memref<1x32x1024xf32, #tpu.memory_space<vmem>>
    %dma_wait3A_222 = tpu.memref_squeeze %dma_wait3A_221 : memref<1x32x1024xf32, #tpu.memory_space<vmem>> -> memref<32x1024xf32, #tpu.memory_space<vmem>>
    %dma_wait3A_223 = arith.constant 0 : i32
    %dma_wait3A_224 = tpu.memref_slice %arg3[%dma_wait3A_218, %add3A_143, %dma_wait3A_223] : memref<4x8192x1024xf32, #tpu.memory_space<hbm>> -> memref<1x32x1024xf32, #tpu.memory_space<hbm>>
    %dma_wait3A_225 = tpu.memref_squeeze %dma_wait3A_224 : memref<1x32x1024xf32, #tpu.memory_space<hbm>> -> memref<32x1024xf32, #tpu.memory_space<hbm>>
    %dma_wait3A_226 = arith.constant 0 : i32
    %dma_wait3A_227 = tpu.memref_slice %arg3[%dma_wait3A_218, %add3A_143, %dma_wait3A_226] : memref<4x8192x1024xf32, #tpu.memory_space<hbm>> -> memref<1x32x1024xf32, #tpu.memory_space<hbm>>
    %dma_wait3A_228 = tpu.memref_squeeze %dma_wait3A_227 : memref<1x32x1024xf32, #tpu.memory_space<hbm>> -> memref<32x1024xf32, #tpu.memory_space<hbm>>
    %dma_wait3A_229 = arith.constant 0 : i32
    %dma_wait3A_230 = arith.constant 0 : i32
    %dma_wait3A_231 = tpu.memref_slice %arg4[%dma_wait3A_217, %dma_wait3A_229, %dma_wait3A_230] : memref<2x32x1024xf32, #tpu.memory_space<vmem>> -> memref<1x32x1024xf32, #tpu.memory_space<vmem>>
    %dma_wait3A_232 = tpu.memref_squeeze %dma_wait3A_231 : memref<1x32x1024xf32, #tpu.memory_space<vmem>> -> memref<32x1024xf32, #tpu.memory_space<vmem>>
    tpu.wait_dma2 semaphore(%arg5 : memref<!tpu.dma_semaphore, #tpu.memory_space<semaphore_mem>>) src(%dma_wait3A_232 : memref<32x1024xf32, #tpu.memory_space<vmem>>) dst(%dma_wait3A_228 : memref<32x1024xf32, #tpu.memory_space<hbm>>)
    %dma_wait3A_233 = arith.constant 1 : i32
    %dma_wait3A_234 = arith.constant 1 : i32
    %dma_wait3A_235 = arith.constant 0 : i32
    %dma_wait3A_236 = arith.constant 0 : i32
    %dma_wait3A_237 = tpu.memref_slice %arg4[%dma_wait3A_233, %dma_wait3A_235, %dma_wait3A_236] : memref<2x32x1024xf32, #tpu.memory_space<vmem>> -> memref<1x32x1024xf32, #tpu.memory_space<vmem>>
    %dma_wait3A_238 = tpu.memref_squeeze %dma_wait3A_237 : memref<1x32x1024xf32, #tpu.memory_space<vmem>> -> memref<32x1024xf32, #tpu.memory_space<vmem>>
    %dma_wait3A_239 = arith.constant 0 : i32
    %dma_wait3A_240 = tpu.memref_slice %arg3[%dma_wait3A_234, %add3A_145, %dma_wait3A_239] : memref<4x8192x1024xf32, #tpu.memory_space<hbm>> -> memref<1x32x1024xf32, #tpu.memory_space<hbm>>
    %dma_wait3A_241 = tpu.memref_squeeze %dma_wait3A_240 : memref<1x32x1024xf32, #tpu.memory_space<hbm>> -> memref<32x1024xf32, #tpu.memory_space<hbm>>
    %dma_wait3A_242 = arith.constant 0 : i32
    %dma_wait3A_243 = tpu.memref_slice %arg3[%dma_wait3A_234, %add3A_145, %dma_wait3A_242] : memref<4x8192x1024xf32, #tpu.memory_space<hbm>> -> memref<1x32x1024xf32, #tpu.memory_space<hbm>>
    %dma_wait3A_244 = tpu.memref_squeeze %dma_wait3A_243 : memref<1x32x1024xf32, #tpu.memory_space<hbm>> -> memref<32x1024xf32, #tpu.memory_space<hbm>>
    %dma_wait3A_245 = arith.constant 0 : i32
    %dma_wait3A_246 = arith.constant 0 : i32
    %dma_wait3A_247 = tpu.memref_slice %arg4[%dma_wait3A_233, %dma_wait3A_245, %dma_wait3A_246] : memref<2x32x1024xf32, #tpu.memory_space<vmem>> -> memref<1x32x1024xf32, #tpu.memory_space<vmem>>
    %dma_wait3A_248 = tpu.memref_squeeze %dma_wait3A_247 : memref<1x32x1024xf32, #tpu.memory_space<vmem>> -> memref<32x1024xf32, #tpu.memory_space<vmem>>
    tpu.wait_dma2 semaphore(%arg5 : memref<!tpu.dma_semaphore, #tpu.memory_space<semaphore_mem>>) src(%dma_wait3A_248 : memref<32x1024xf32, #tpu.memory_space<vmem>>) dst(%dma_wait3A_244 : memref<32x1024xf32, #tpu.memory_space<hbm>>)
    %dma_wait3A_249 = arith.constant 1 : i32
    %dma_wait3A_250 = arith.constant 2 : i32
    %dma_wait3A_251 = arith.constant 0 : i32
    %dma_wait3A_252 = arith.constant 0 : i32
    %dma_wait3A_253 = tpu.memref_slice %arg4[%dma_wait3A_249, %dma_wait3A_251, %dma_wait3A_252] : memref<2x32x1024xf32, #tpu.memory_space<vmem>> -> memref<1x32x1024xf32, #tpu.memory_space<vmem>>
    %dma_wait3A_254 = tpu.memref_squeeze %dma_wait3A_253 : memref<1x32x1024xf32, #tpu.memory_space<vmem>> -> memref<32x1024xf32, #tpu.memory_space<vmem>>
    %dma_wait3A_255 = arith.constant 0 : i32
    %dma_wait3A_256 = tpu.memref_slice %arg3[%dma_wait3A_250, %add3A_147, %dma_wait3A_255] : memref<4x8192x1024xf32, #tpu.memory_space<hbm>> -> memref<1x32x1024xf32, #tpu.memory_space<hbm>>
    %dma_wait3A_257 = tpu.memref_squeeze %dma_wait3A_256 : memref<1x32x1024xf32, #tpu.memory_space<hbm>> -> memref<32x1024xf32, #tpu.memory_space<hbm>>
    %dma_wait3A_258 = arith.constant 0 : i32
    %dma_wait3A_259 = tpu.memref_slice %arg3[%dma_wait3A_250, %add3A_147, %dma_wait3A_258] : memref<4x8192x1024xf32, #tpu.memory_space<hbm>> -> memref<1x32x1024xf32, #tpu.memory_space<hbm>>
    %dma_wait3A_260 = tpu.memref_squeeze %dma_wait3A_259 : memref<1x32x1024xf32, #tpu.memory_space<hbm>> -> memref<32x1024xf32, #tpu.memory_space<hbm>>
    %dma_wait3A_261 = arith.constant 0 : i32
    %dma_wait3A_262 = arith.constant 0 : i32
    %dma_wait3A_263 = tpu.memref_slice %arg4[%dma_wait3A_249, %dma_wait3A_261, %dma_wait3A_262] : memref<2x32x1024xf32, #tpu.memory_space<vmem>> -> memref<1x32x1024xf32, #tpu.memory_space<vmem>>
    %dma_wait3A_264 = tpu.memref_squeeze %dma_wait3A_263 : memref<1x32x1024xf32, #tpu.memory_space<vmem>> -> memref<32x1024xf32, #tpu.memory_space<vmem>>
    tpu.wait_dma2 semaphore(%arg5 : memref<!tpu.dma_semaphore, #tpu.memory_space<semaphore_mem>>) src(%dma_wait3A_264 : memref<32x1024xf32, #tpu.memory_space<vmem>>) dst(%dma_wait3A_260 : memref<32x1024xf32, #tpu.memory_space<hbm>>)
    %dma_wait3A_265 = arith.constant 1 : i32
    %dma_wait3A_266 = arith.constant 3 : i32
    %dma_wait3A_267 = arith.constant 0 : i32
    %dma_wait3A_268 = arith.constant 0 : i32
    %dma_wait3A_269 = tpu.memref_slice %arg4[%dma_wait3A_265, %dma_wait3A_267, %dma_wait3A_268] : memref<2x32x1024xf32, #tpu.memory_space<vmem>> -> memref<1x32x1024xf32, #tpu.memory_space<vmem>>
    %dma_wait3A_270 = tpu.memref_squeeze %dma_wait3A_269 : memref<1x32x1024xf32, #tpu.memory_space<vmem>> -> memref<32x1024xf32, #tpu.memory_space<vmem>>
    %dma_wait3A_271 = arith.constant 0 : i32
    %dma_wait3A_272 = tpu.memref_slice %arg3[%dma_wait3A_266, %add3A_149, %dma_wait3A_271] : memref<4x8192x1024xf32, #tpu.memory_space<hbm>> -> memref<1x32x1024xf32, #tpu.memory_space<hbm>>
    %dma_wait3A_273 = tpu.memref_squeeze %dma_wait3A_272 : memref<1x32x1024xf32, #tpu.memory_space<hbm>> -> memref<32x1024xf32, #tpu.memory_space<hbm>>
    %dma_wait3A_274 = arith.constant 0 : i32
    %dma_wait3A_275 = tpu.memref_slice %arg3[%dma_wait3A_266, %add3A_149, %dma_wait3A_274] : memref<4x8192x1024xf32, #tpu.memory_space<hbm>> -> memref<1x32x1024xf32, #tpu.memory_space<hbm>>
    %dma_wait3A_276 = tpu.memref_squeeze %dma_wait3A_275 : memref<1x32x1024xf32, #tpu.memory_space<hbm>> -> memref<32x1024xf32, #tpu.memory_space<hbm>>
    %dma_wait3A_277 = arith.constant 0 : i32
    %dma_wait3A_278 = arith.constant 0 : i32
    %dma_wait3A_279 = tpu.memref_slice %arg4[%dma_wait3A_265, %dma_wait3A_277, %dma_wait3A_278] : memref<2x32x1024xf32, #tpu.memory_space<vmem>> -> memref<1x32x1024xf32, #tpu.memory_space<vmem>>
    %dma_wait3A_280 = tpu.memref_squeeze %dma_wait3A_279 : memref<1x32x1024xf32, #tpu.memory_space<vmem>> -> memref<32x1024xf32, #tpu.memory_space<vmem>>
    tpu.wait_dma2 semaphore(%arg5 : memref<!tpu.dma_semaphore, #tpu.memory_space<semaphore_mem>>) src(%dma_wait3A_280 : memref<32x1024xf32, #tpu.memory_space<vmem>>) dst(%dma_wait3A_276 : memref<32x1024xf32, #tpu.memory_space<hbm>>)
    %add3A_281 = arith.constant 64 : i32
    %add3A_282 = arith.addi %mul3A_2, %add3A_281 : i32
    %add3A_283 = arith.constant 64 : i32
    %add3A_284 = arith.addi %mul3A_2, %add3A_283 : i32
    %add3A_285 = arith.constant 64 : i32
    %add3A_286 = arith.addi %mul3A_2, %add3A_285 : i32
    %add3A_287 = arith.constant 64 : i32
    %add3A_288 = arith.addi %mul3A_2, %add3A_287 : i32
    %dma_start3A_289 = arith.constant 0 : i32
    %dma_start3A_290 = arith.constant 0 : i32
    %dma_start3A_291 = arith.constant 0 : i32
    %dma_start3A_292 = arith.constant 0 : i32
    %dma_start3A_293 = tpu.memref_slice %arg4[%dma_start3A_289, %dma_start3A_291, %dma_start3A_292] : memref<2x32x1024xf32, #tpu.memory_space<vmem>> -> memref<1x32x1024xf32, #tpu.memory_space<vmem>>
    %dma_start3A_294 = tpu.memref_squeeze %dma_start3A_293 : memref<1x32x1024xf32, #tpu.memory_space<vmem>> -> memref<32x1024xf32, #tpu.memory_space<vmem>>
    %dma_start3A_295 = arith.constant 0 : i32
    %dma_start3A_296 = tpu.memref_slice %arg3[%dma_start3A_290, %add3A_282, %dma_start3A_295] : memref<4x8192x1024xf32, #tpu.memory_space<hbm>> -> memref<1x32x1024xf32, #tpu.memory_space<hbm>>
    %dma_start3A_297 = tpu.memref_squeeze %dma_start3A_296 : memref<1x32x1024xf32, #tpu.memory_space<hbm>> -> memref<32x1024xf32, #tpu.memory_space<hbm>>
    %dma_start3A_298 = arith.constant 0 : i32
    %dma_start3A_299 = tpu.memref_slice %arg3[%dma_start3A_290, %add3A_282, %dma_start3A_298] : memref<4x8192x1024xf32, #tpu.memory_space<hbm>> -> memref<1x32x1024xf32, #tpu.memory_space<hbm>>
    %dma_start3A_300 = tpu.memref_squeeze %dma_start3A_299 : memref<1x32x1024xf32, #tpu.memory_space<hbm>> -> memref<32x1024xf32, #tpu.memory_space<hbm>>
    %dma_start3A_301 = arith.constant 0 : i32
    %dma_start3A_302 = arith.constant 0 : i32
    %dma_start3A_303 = tpu.memref_slice %arg4[%dma_start3A_289, %dma_start3A_301, %dma_start3A_302] : memref<2x32x1024xf32, #tpu.memory_space<vmem>> -> memref<1x32x1024xf32, #tpu.memory_space<vmem>>
    %dma_start3A_304 = tpu.memref_squeeze %dma_start3A_303 : memref<1x32x1024xf32, #tpu.memory_space<vmem>> -> memref<32x1024xf32, #tpu.memory_space<vmem>>
    tpu.enqueue_dma source(%dma_start3A_304 : memref<32x1024xf32, #tpu.memory_space<vmem>>) target(%dma_start3A_300 : memref<32x1024xf32, #tpu.memory_space<hbm>>) target_semaphore(%arg5 : memref<!tpu.dma_semaphore, #tpu.memory_space<semaphore_mem>>)
    %dma_start3A_305 = arith.constant 0 : i32
    %dma_start3A_306 = arith.constant 1 : i32
    %dma_start3A_307 = arith.constant 0 : i32
    %dma_start3A_308 = arith.constant 0 : i32
    %dma_start3A_309 = tpu.memref_slice %arg4[%dma_start3A_305, %dma_start3A_307, %dma_start3A_308] : memref<2x32x1024xf32, #tpu.memory_space<vmem>> -> memref<1x32x1024xf32, #tpu.memory_space<vmem>>
    %dma_start3A_310 = tpu.memref_squeeze %dma_start3A_309 : memref<1x32x1024xf32, #tpu.memory_space<vmem>> -> memref<32x1024xf32, #tpu.memory_space<vmem>>
    %dma_start3A_311 = arith.constant 0 : i32
    %dma_start3A_312 = tpu.memref_slice %arg3[%dma_start3A_306, %add3A_284, %dma_start3A_311] : memref<4x8192x1024xf32, #tpu.memory_space<hbm>> -> memref<1x32x1024xf32, #tpu.memory_space<hbm>>
    %dma_start3A_313 = tpu.memref_squeeze %dma_start3A_312 : memref<1x32x1024xf32, #tpu.memory_space<hbm>> -> memref<32x1024xf32, #tpu.memory_space<hbm>>
    %dma_start3A_314 = arith.constant 0 : i32
    %dma_start3A_315 = tpu.memref_slice %arg3[%dma_start3A_306, %add3A_284, %dma_start3A_314] : memref<4x8192x1024xf32, #tpu.memory_space<hbm>> -> memref<1x32x1024xf32, #tpu.memory_space<hbm>>
    %dma_start3A_316 = tpu.memref_squeeze %dma_start3A_315 : memref<1x32x1024xf32, #tpu.memory_space<hbm>> -> memref<32x1024xf32, #tpu.memory_space<hbm>>
    %dma_start3A_317 = arith.constant 0 : i32
    %dma_start3A_318 = arith.constant 0 : i32
    %dma_start3A_319 = tpu.memref_slice %arg4[%dma_start3A_305, %dma_start3A_317, %dma_start3A_318] : memref<2x32x1024xf32, #tpu.memory_space<vmem>> -> memref<1x32x1024xf32, #tpu.memory_space<vmem>>
    %dma_start3A_320 = tpu.memref_squeeze %dma_start3A_319 : memref<1x32x1024xf32, #tpu.memory_space<vmem>> -> memref<32x1024xf32, #tpu.memory_space<vmem>>
    tpu.enqueue_dma source(%dma_start3A_320 : memref<32x1024xf32, #tpu.memory_space<vmem>>) target(%dma_start3A_316 : memref<32x1024xf32, #tpu.memory_space<hbm>>) target_semaphore(%arg5 : memref<!tpu.dma_semaphore, #tpu.memory_space<semaphore_mem>>)
    %dma_start3A_321 = arith.constant 0 : i32
    %dma_start3A_322 = arith.constant 2 : i32
    %dma_start3A_323 = arith.constant 0 : i32
    %dma_start3A_324 = arith.constant 0 : i32
    %dma_start3A_325 = tpu.memref_slice %arg4[%dma_start3A_321, %dma_start3A_323, %dma_start3A_324] : memref<2x32x1024xf32, #tpu.memory_space<vmem>> -> memref<1x32x1024xf32, #tpu.memory_space<vmem>>
    %dma_start3A_326 = tpu.memref_squeeze %dma_start3A_325 : memref<1x32x1024xf32, #tpu.memory_space<vmem>> -> memref<32x1024xf32, #tpu.memory_space<vmem>>
    %dma_start3A_327 = arith.constant 0 : i32
    %dma_start3A_328 = tpu.memref_slice %arg3[%dma_start3A_322, %add3A_286, %dma_start3A_327] : memref<4x8192x1024xf32, #tpu.memory_space<hbm>> -> memref<1x32x1024xf32, #tpu.memory_space<hbm>>
    %dma_start3A_329 = tpu.memref_squeeze %dma_start3A_328 : memref<1x32x1024xf32, #tpu.memory_space<hbm>> -> memref<32x1024xf32, #tpu.memory_space<hbm>>
    %dma_start3A_330 = arith.constant 0 : i32
    %dma_start3A_331 = tpu.memref_slice %arg3[%dma_start3A_322, %add3A_286, %dma_start3A_330] : memref<4x8192x1024xf32, #tpu.memory_space<hbm>> -> memref<1x32x1024xf32, #tpu.memory_space<hbm>>
    %dma_start3A_332 = tpu.memref_squeeze %dma_start3A_331 : memref<1x32x1024xf32, #tpu.memory_space<hbm>> -> memref<32x1024xf32, #tpu.memory_space<hbm>>
    %dma_start3A_333 = arith.constant 0 : i32
    %dma_start3A_334 = arith.constant 0 : i32
    %dma_start3A_335 = tpu.memref_slice %arg4[%dma_start3A_321, %dma_start3A_333, %dma_start3A_334] : memref<2x32x1024xf32, #tpu.memory_space<vmem>> -> memref<1x32x1024xf32, #tpu.memory_space<vmem>>
    %dma_start3A_336 = tpu.memref_squeeze %dma_start3A_335 : memref<1x32x1024xf32, #tpu.memory_space<vmem>> -> memref<32x1024xf32, #tpu.memory_space<vmem>>
    tpu.enqueue_dma source(%dma_start3A_336 : memref<32x1024xf32, #tpu.memory_space<vmem>>) target(%dma_start3A_332 : memref<32x1024xf32, #tpu.memory_space<hbm>>) target_semaphore(%arg5 : memref<!tpu.dma_semaphore, #tpu.memory_space<semaphore_mem>>)
    %dma_start3A_337 = arith.constant 0 : i32
    %dma_start3A_338 = arith.constant 3 : i32
    %dma_start3A_339 = arith.constant 0 : i32
    %dma_start3A_340 = arith.constant 0 : i32
    %dma_start3A_341 = tpu.memref_slice %arg4[%dma_start3A_337, %dma_start3A_339, %dma_start3A_340] : memref<2x32x1024xf32, #tpu.memory_space<vmem>> -> memref<1x32x1024xf32, #tpu.memory_space<vmem>>
    %dma_start3A_342 = tpu.memref_squeeze %dma_start3A_341 : memref<1x32x1024xf32, #tpu.memory_space<vmem>> -> memref<32x1024xf32, #tpu.memory_space<vmem>>
    %dma_start3A_343 = arith.constant 0 : i32
    %dma_start3A_344 = tpu.memref_slice %arg3[%dma_start3A_338, %add3A_288, %dma_start3A_343] : memref<4x8192x1024xf32, #tpu.memory_space<hbm>> -> memref<1x32x1024xf32, #tpu.memory_space<hbm>>
    %dma_start3A_345 = tpu.memref_squeeze %dma_start3A_344 : memref<1x32x1024xf32, #tpu.memory_space<hbm>> -> memref<32x1024xf32, #tpu.memory_space<hbm>>
    %dma_start3A_346 = arith.constant 0 : i32
    %dma_start3A_347 = tpu.memref_slice %arg3[%dma_start3A_338, %add3A_288, %dma_start3A_346] : memref<4x8192x1024xf32, #tpu.memory_space<hbm>> -> memref<1x32x1024xf32, #tpu.memory_space<hbm>>
    %dma_start3A_348 = tpu.memref_squeeze %dma_start3A_347 : memref<1x32x1024xf32, #tpu.memory_space<hbm>> -> memref<32x1024xf32, #tpu.memory_space<hbm>>
    %dma_start3A_349 = arith.constant 0 : i32
    %dma_start3A_350 = arith.constant 0 : i32
    %dma_start3A_351 = tpu.memref_slice %arg4[%dma_start3A_337, %dma_start3A_349, %dma_start3A_350] : memref<2x32x1024xf32, #tpu.memory_space<vmem>> -> memref<1x32x1024xf32, #tpu.memory_space<vmem>>
    %dma_start3A_352 = tpu.memref_squeeze %dma_start3A_351 : memref<1x32x1024xf32, #tpu.memory_space<vmem>> -> memref<32x1024xf32, #tpu.memory_space<vmem>>
    tpu.enqueue_dma source(%dma_start3A_352 : memref<32x1024xf32, #tpu.memory_space<vmem>>) target(%dma_start3A_348 : memref<32x1024xf32, #tpu.memory_space<hbm>>) target_semaphore(%arg5 : memref<!tpu.dma_semaphore, #tpu.memory_space<semaphore_mem>>)
    %add3A_353 = arith.constant 96 : i32
    %add3A_354 = arith.addi %mul3A_2, %add3A_353 : i32
    %run_scoped3A_355 = arith.constant 1 : i32
    "tpu.region"() ({
      %run_scoped3A_1112 = tpu.sem_alloc : memref<!tpu.dma_semaphore, #tpu.memory_space<semaphore_mem>>
      %dma_start3A_1113 = arith.constant 0 : i32
      %dma_start3A_1114 = arith.constant 0 : i32
      %dma_start3A_1115 = tpu.memref_slice %arg4[%run_scoped3A_355, %dma_start3A_1113, %dma_start3A_1114] : memref<2x32x1024xf32, #tpu.memory_space<vmem>> -> memref<1x32x1024xf32, #tpu.memory_space<vmem>>
      %dma_start3A_1116 = tpu.memref_squeeze %dma_start3A_1115 : memref<1x32x1024xf32, #tpu.memory_space<vmem>> -> memref<32x1024xf32, #tpu.memory_space<vmem>>
      %dma_start3A_1117 = arith.constant 0 : i32
      %dma_start3A_1118 = tpu.memref_slice %arg2[%add3A_354, %dma_start3A_1117] : memref<8192x1024xf32, #tpu.memory_space<hbm>> -> memref<32x1024xf32, #tpu.memory_space<hbm>>
      %dma_start3A_1119 = arith.constant 0 : i32
      %dma_start3A_1120 = arith.constant 0 : i32
      %dma_start3A_1121 = tpu.memref_slice %arg4[%run_scoped3A_355, %dma_start3A_1119, %dma_start3A_1120] : memref<2x32x1024xf32, #tpu.memory_space<vmem>> -> memref<1x32x1024xf32, #tpu.memory_space<vmem>>
      %dma_start3A_1122 = tpu.memref_squeeze %dma_start3A_1121 : memref<1x32x1024xf32, #tpu.memory_space<vmem>> -> memref<32x1024xf32, #tpu.memory_space<vmem>>
      %dma_start3A_1123 = arith.constant 0 : i32
      %dma_start3A_1124 = tpu.memref_slice %arg2[%add3A_354, %dma_start3A_1123] : memref<8192x1024xf32, #tpu.memory_space<hbm>> -> memref<32x1024xf32, #tpu.memory_space<hbm>>
      tpu.enqueue_dma source(%dma_start3A_1124 : memref<32x1024xf32, #tpu.memory_space<hbm>>) target(%dma_start3A_1122 : memref<32x1024xf32, #tpu.memory_space<vmem>>) target_semaphore(%run_scoped3A_1112 : memref<!tpu.dma_semaphore, #tpu.memory_space<semaphore_mem>>)
      %dma_wait3A_1125 = arith.constant 0 : i32
      %dma_wait3A_1126 = arith.constant 0 : i32
      %dma_wait3A_1127 = tpu.memref_slice %arg4[%run_scoped3A_355, %dma_wait3A_1125, %dma_wait3A_1126] : memref<2x32x1024xf32, #tpu.memory_space<vmem>> -> memref<1x32x1024xf32, #tpu.memory_space<vmem>>
      %dma_wait3A_1128 = tpu.memref_squeeze %dma_wait3A_1127 : memref<1x32x1024xf32, #tpu.memory_space<vmem>> -> memref<32x1024xf32, #tpu.memory_space<vmem>>
      %dma_wait3A_1129 = arith.constant 0 : i32
      %dma_wait3A_1130 = tpu.memref_slice %arg2[%add3A_354, %dma_wait3A_1129] : memref<8192x1024xf32, #tpu.memory_space<hbm>> -> memref<32x1024xf32, #tpu.memory_space<hbm>>
      %dma_wait3A_1131 = arith.constant 0 : i32
      %dma_wait3A_1132 = arith.constant 0 : i32
      %dma_wait3A_1133 = tpu.memref_slice %arg4[%run_scoped3A_355, %dma_wait3A_1131, %dma_wait3A_1132] : memref<2x32x1024xf32, #tpu.memory_space<vmem>> -> memref<1x32x1024xf32, #tpu.memory_space<vmem>>
      %dma_wait3A_1134 = tpu.memref_squeeze %dma_wait3A_1133 : memref<1x32x1024xf32, #tpu.memory_space<vmem>> -> memref<32x1024xf32, #tpu.memory_space<vmem>>
      %dma_wait3A_1135 = arith.constant 0 : i32
      %dma_wait3A_1136 = tpu.memref_slice %arg2[%add3A_354, %dma_wait3A_1135] : memref<8192x1024xf32, #tpu.memory_space<hbm>> -> memref<32x1024xf32, #tpu.memory_space<hbm>>
      tpu.wait_dma2 semaphore(%run_scoped3A_1112 : memref<!tpu.dma_semaphore, #tpu.memory_space<semaphore_mem>>) src(%dma_wait3A_1136 : memref<32x1024xf32, #tpu.memory_space<hbm>>) dst(%dma_wait3A_1134 : memref<32x1024xf32, #tpu.memory_space<vmem>>)
      tpu.yield
    }) : () -> ()
    %dma_wait3A_356 = arith.constant 0 : i32
    %dma_wait3A_357 = arith.constant 0 : i32
    %dma_wait3A_358 = arith.constant 0 : i32
    %dma_wait3A_359 = arith.constant 0 : i32
    %dma_wait3A_360 = tpu.memref_slice %arg4[%dma_wait3A_356, %dma_wait3A_358, %dma_wait3A_359] : memref<2x32x1024xf32, #tpu.memory_space<vmem>> -> memref<1x32x1024xf32, #tpu.memory_space<vmem>>
    %dma_wait3A_361 = tpu.memref_squeeze %dma_wait3A_360 : memref<1x32x1024xf32, #tpu.memory_space<vmem>> -> memref<32x1024xf32, #tpu.memory_space<vmem>>
    %dma_wait3A_362 = arith.constant 0 : i32
    %dma_wait3A_363 = tpu.memref_slice %arg3[%dma_wait3A_357, %add3A_282, %dma_wait3A_362] : memref<4x8192x1024xf32, #tpu.memory_space<hbm>> -> memref<1x32x1024xf32, #tpu.memory_space<hbm>>
    %dma_wait3A_364 = tpu.memref_squeeze %dma_wait3A_363 : memref<1x32x1024xf32, #tpu.memory_space<hbm>> -> memref<32x1024xf32, #tpu.memory_space<hbm>>
    %dma_wait3A_365 = arith.constant 0 : i32
    %dma_wait3A_366 = tpu.memref_slice %arg3[%dma_wait3A_357, %add3A_282, %dma_wait3A_365] : memref<4x8192x1024xf32, #tpu.memory_space<hbm>> -> memref<1x32x1024xf32, #tpu.memory_space<hbm>>
    %dma_wait3A_367 = tpu.memref_squeeze %dma_wait3A_366 : memref<1x32x1024xf32, #tpu.memory_space<hbm>> -> memref<32x1024xf32, #tpu.memory_space<hbm>>
    %dma_wait3A_368 = arith.constant 0 : i32
    %dma_wait3A_369 = arith.constant 0 : i32
    %dma_wait3A_370 = tpu.memref_slice %arg4[%dma_wait3A_356, %dma_wait3A_368, %dma_wait3A_369] : memref<2x32x1024xf32, #tpu.memory_space<vmem>> -> memref<1x32x1024xf32, #tpu.memory_space<vmem>>
    %dma_wait3A_371 = tpu.memref_squeeze %dma_wait3A_370 : memref<1x32x1024xf32, #tpu.memory_space<vmem>> -> memref<32x1024xf32, #tpu.memory_space<vmem>>
    tpu.wait_dma2 semaphore(%arg5 : memref<!tpu.dma_semaphore, #tpu.memory_space<semaphore_mem>>) src(%dma_wait3A_371 : memref<32x1024xf32, #tpu.memory_space<vmem>>) dst(%dma_wait3A_367 : memref<32x1024xf32, #tpu.memory_space<hbm>>)
    %dma_wait3A_372 = arith.constant 0 : i32
    %dma_wait3A_373 = arith.constant 1 : i32
    %dma_wait3A_374 = arith.constant 0 : i32
    %dma_wait3A_375 = arith.constant 0 : i32
    %dma_wait3A_376 = tpu.memref_slice %arg4[%dma_wait3A_372, %dma_wait3A_374, %dma_wait3A_375] : memref<2x32x1024xf32, #tpu.memory_space<vmem>> -> memref<1x32x1024xf32, #tpu.memory_space<vmem>>
    %dma_wait3A_377 = tpu.memref_squeeze %dma_wait3A_376 : memref<1x32x1024xf32, #tpu.memory_space<vmem>> -> memref<32x1024xf32, #tpu.memory_space<vmem>>
    %dma_wait3A_378 = arith.constant 0 : i32
    %dma_wait3A_379 = tpu.memref_slice %arg3[%dma_wait3A_373, %add3A_284, %dma_wait3A_378] : memref<4x8192x1024xf32, #tpu.memory_space<hbm>> -> memref<1x32x1024xf32, #tpu.memory_space<hbm>>
    %dma_wait3A_380 = tpu.memref_squeeze %dma_wait3A_379 : memref<1x32x1024xf32, #tpu.memory_space<hbm>> -> memref<32x1024xf32, #tpu.memory_space<hbm>>
    %dma_wait3A_381 = arith.constant 0 : i32
    %dma_wait3A_382 = tpu.memref_slice %arg3[%dma_wait3A_373, %add3A_284, %dma_wait3A_381] : memref<4x8192x1024xf32, #tpu.memory_space<hbm>> -> memref<1x32x1024xf32, #tpu.memory_space<hbm>>
    %dma_wait3A_383 = tpu.memref_squeeze %dma_wait3A_382 : memref<1x32x1024xf32, #tpu.memory_space<hbm>> -> memref<32x1024xf32, #tpu.memory_space<hbm>>
    %dma_wait3A_384 = arith.constant 0 : i32
    %dma_wait3A_385 = arith.constant 0 : i32
    %dma_wait3A_386 = tpu.memref_slice %arg4[%dma_wait3A_372, %dma_wait3A_384, %dma_wait3A_385] : memref<2x32x1024xf32, #tpu.memory_space<vmem>> -> memref<1x32x1024xf32, #tpu.memory_space<vmem>>
    %dma_wait3A_387 = tpu.memref_squeeze %dma_wait3A_386 : memref<1x32x1024xf32, #tpu.memory_space<vmem>> -> memref<32x1024xf32, #tpu.memory_space<vmem>>
    tpu.wait_dma2 semaphore(%arg5 : memref<!tpu.dma_semaphore, #tpu.memory_space<semaphore_mem>>) src(%dma_wait3A_387 : memref<32x1024xf32, #tpu.memory_space<vmem>>) dst(%dma_wait3A_383 : memref<32x1024xf32, #tpu.memory_space<hbm>>)
    %dma_wait3A_388 = arith.constant 0 : i32
    %dma_wait3A_389 = arith.constant 2 : i32
    %dma_wait3A_390 = arith.constant 0 : i32
    %dma_wait3A_391 = arith.constant 0 : i32
    %dma_wait3A_392 = tpu.memref_slice %arg4[%dma_wait3A_388, %dma_wait3A_390, %dma_wait3A_391] : memref<2x32x1024xf32, #tpu.memory_space<vmem>> -> memref<1x32x1024xf32, #tpu.memory_space<vmem>>
    %dma_wait3A_393 = tpu.memref_squeeze %dma_wait3A_392 : memref<1x32x1024xf32, #tpu.memory_space<vmem>> -> memref<32x1024xf32, #tpu.memory_space<vmem>>
    %dma_wait3A_394 = arith.constant 0 : i32
    %dma_wait3A_395 = tpu.memref_slice %arg3[%dma_wait3A_389, %add3A_286, %dma_wait3A_394] : memref<4x8192x1024xf32, #tpu.memory_space<hbm>> -> memref<1x32x1024xf32, #tpu.memory_space<hbm>>
    %dma_wait3A_396 = tpu.memref_squeeze %dma_wait3A_395 : memref<1x32x1024xf32, #tpu.memory_space<hbm>> -> memref<32x1024xf32, #tpu.memory_space<hbm>>
    %dma_wait3A_397 = arith.constant 0 : i32
    %dma_wait3A_398 = tpu.memref_slice %arg3[%dma_wait3A_389, %add3A_286, %dma_wait3A_397] : memref<4x8192x1024xf32, #tpu.memory_space<hbm>> -> memref<1x32x1024xf32, #tpu.memory_space<hbm>>
    %dma_wait3A_399 = tpu.memref_squeeze %dma_wait3A_398 : memref<1x32x1024xf32, #tpu.memory_space<hbm>> -> memref<32x1024xf32, #tpu.memory_space<hbm>>
    %dma_wait3A_400 = arith.constant 0 : i32
    %dma_wait3A_401 = arith.constant 0 : i32
    %dma_wait3A_402 = tpu.memref_slice %arg4[%dma_wait3A_388, %dma_wait3A_400, %dma_wait3A_401] : memref<2x32x1024xf32, #tpu.memory_space<vmem>> -> memref<1x32x1024xf32, #tpu.memory_space<vmem>>
    %dma_wait3A_403 = tpu.memref_squeeze %dma_wait3A_402 : memref<1x32x1024xf32, #tpu.memory_space<vmem>> -> memref<32x1024xf32, #tpu.memory_space<vmem>>
    tpu.wait_dma2 semaphore(%arg5 : memref<!tpu.dma_semaphore, #tpu.memory_space<semaphore_mem>>) src(%dma_wait3A_403 : memref<32x1024xf32, #tpu.memory_space<vmem>>) dst(%dma_wait3A_399 : memref<32x1024xf32, #tpu.memory_space<hbm>>)
    %dma_wait3A_404 = arith.constant 0 : i32
    %dma_wait3A_405 = arith.constant 3 : i32
    %dma_wait3A_406 = arith.constant 0 : i32
    %dma_wait3A_407 = arith.constant 0 : i32
    %dma_wait3A_408 = tpu.memref_slice %arg4[%dma_wait3A_404, %dma_wait3A_406, %dma_wait3A_407] : memref<2x32x1024xf32, #tpu.memory_space<vmem>> -> memref<1x32x1024xf32, #tpu.memory_space<vmem>>
    %dma_wait3A_409 = tpu.memref_squeeze %dma_wait3A_408 : memref<1x32x1024xf32, #tpu.memory_space<vmem>> -> memref<32x1024xf32, #tpu.memory_space<vmem>>
    %dma_wait3A_410 = arith.constant 0 : i32
    %dma_wait3A_411 = tpu.memref_slice %arg3[%dma_wait3A_405, %add3A_288, %dma_wait3A_410] : memref<4x8192x1024xf32, #tpu.memory_space<hbm>> -> memref<1x32x1024xf32, #tpu.memory_space<hbm>>
    %dma_wait3A_412 = tpu.memref_squeeze %dma_wait3A_411 : memref<1x32x1024xf32, #tpu.memory_space<hbm>> -> memref<32x1024xf32, #tpu.memory_space<hbm>>
    %dma_wait3A_413 = arith.constant 0 : i32
    %dma_wait3A_414 = tpu.memref_slice %arg3[%dma_wait3A_405, %add3A_288, %dma_wait3A_413] : memref<4x8192x1024xf32, #tpu.memory_space<hbm>> -> memref<1x32x1024xf32, #tpu.memory_space<hbm>>
    %dma_wait3A_415 = tpu.memref_squeeze %dma_wait3A_414 : memref<1x32x1024xf32, #tpu.memory_space<hbm>> -> memref<32x1024xf32, #tpu.memory_space<hbm>>
    %dma_wait3A_416 = arith.constant 0 : i32
    %dma_wait3A_417 = arith.constant 0 : i32
    %dma_wait3A_418 = tpu.memref_slice %arg4[%dma_wait3A_404, %dma_wait3A_416, %dma_wait3A_417] : memref<2x32x1024xf32, #tpu.memory_space<vmem>> -> memref<1x32x1024xf32, #tpu.memory_space<vmem>>
    %dma_wait3A_419 = tpu.memref_squeeze %dma_wait3A_418 : memref<1x32x1024xf32, #tpu.memory_space<vmem>> -> memref<32x1024xf32, #tpu.memory_space<vmem>>
    tpu.wait_dma2 semaphore(%arg5 : memref<!tpu.dma_semaphore, #tpu.memory_space<semaphore_mem>>) src(%dma_wait3A_419 : memref<32x1024xf32, #tpu.memory_space<vmem>>) dst(%dma_wait3A_415 : memref<32x1024xf32, #tpu.memory_space<hbm>>)
    %add3A_420 = arith.constant 96 : i32
    %add3A_421 = arith.addi %mul3A_2, %add3A_420 : i32
    %add3A_422 = arith.constant 96 : i32
    %add3A_423 = arith.addi %mul3A_2, %add3A_422 : i32
    %add3A_424 = arith.constant 96 : i32
    %add3A_425 = arith.addi %mul3A_2, %add3A_424 : i32
    %add3A_426 = arith.constant 96 : i32
    %add3A_427 = arith.addi %mul3A_2, %add3A_426 : i32
    %dma_start3A_428 = arith.constant 1 : i32
    %dma_start3A_429 = arith.constant 0 : i32
    %dma_start3A_430 = arith.constant 0 : i32
    %dma_start3A_431 = arith.constant 0 : i32
    %dma_start3A_432 = tpu.memref_slice %arg4[%dma_start3A_428, %dma_start3A_430, %dma_start3A_431] : memref<2x32x1024xf32, #tpu.memory_space<vmem>> -> memref<1x32x1024xf32, #tpu.memory_space<vmem>>
    %dma_start3A_433 = tpu.memref_squeeze %dma_start3A_432 : memref<1x32x1024xf32, #tpu.memory_space<vmem>> -> memref<32x1024xf32, #tpu.memory_space<vmem>>
    %dma_start3A_434 = arith.constant 0 : i32
    %dma_start3A_435 = tpu.memref_slice %arg3[%dma_start3A_429, %add3A_421, %dma_start3A_434] : memref<4x8192x1024xf32, #tpu.memory_space<hbm>> -> memref<1x32x1024xf32, #tpu.memory_space<hbm>>
    %dma_start3A_436 = tpu.memref_squeeze %dma_start3A_435 : memref<1x32x1024xf32, #tpu.memory_space<hbm>> -> memref<32x1024xf32, #tpu.memory_space<hbm>>
    %dma_start3A_437 = arith.constant 0 : i32
    %dma_start3A_438 = tpu.memref_slice %arg3[%dma_start3A_429, %add3A_421, %dma_start3A_437] : memref<4x8192x1024xf32, #tpu.memory_space<hbm>> -> memref<1x32x1024xf32, #tpu.memory_space<hbm>>
    %dma_start3A_439 = tpu.memref_squeeze %dma_start3A_438 : memref<1x32x1024xf32, #tpu.memory_space<hbm>> -> memref<32x1024xf32, #tpu.memory_space<hbm>>
    %dma_start3A_440 = arith.constant 0 : i32
    %dma_start3A_441 = arith.constant 0 : i32
    %dma_start3A_442 = tpu.memref_slice %arg4[%dma_start3A_428, %dma_start3A_440, %dma_start3A_441] : memref<2x32x1024xf32, #tpu.memory_space<vmem>> -> memref<1x32x1024xf32, #tpu.memory_space<vmem>>
    %dma_start3A_443 = tpu.memref_squeeze %dma_start3A_442 : memref<1x32x1024xf32, #tpu.memory_space<vmem>> -> memref<32x1024xf32, #tpu.memory_space<vmem>>
    tpu.enqueue_dma source(%dma_start3A_443 : memref<32x1024xf32, #tpu.memory_space<vmem>>) target(%dma_start3A_439 : memref<32x1024xf32, #tpu.memory_space<hbm>>) target_semaphore(%arg5 : memref<!tpu.dma_semaphore, #tpu.memory_space<semaphore_mem>>)
    %dma_start3A_444 = arith.constant 1 : i32
    %dma_start3A_445 = arith.constant 1 : i32
    %dma_start3A_446 = arith.constant 0 : i32
    %dma_start3A_447 = arith.constant 0 : i32
    %dma_start3A_448 = tpu.memref_slice %arg4[%dma_start3A_444, %dma_start3A_446, %dma_start3A_447] : memref<2x32x1024xf32, #tpu.memory_space<vmem>> -> memref<1x32x1024xf32, #tpu.memory_space<vmem>>
    %dma_start3A_449 = tpu.memref_squeeze %dma_start3A_448 : memref<1x32x1024xf32, #tpu.memory_space<vmem>> -> memref<32x1024xf32, #tpu.memory_space<vmem>>
    %dma_start3A_450 = arith.constant 0 : i32
    %dma_start3A_451 = tpu.memref_slice %arg3[%dma_start3A_445, %add3A_423, %dma_start3A_450] : memref<4x8192x1024xf32, #tpu.memory_space<hbm>> -> memref<1x32x1024xf32, #tpu.memory_space<hbm>>
    %dma_start3A_452 = tpu.memref_squeeze %dma_start3A_451 : memref<1x32x1024xf32, #tpu.memory_space<hbm>> -> memref<32x1024xf32, #tpu.memory_space<hbm>>
    %dma_start3A_453 = arith.constant 0 : i32
    %dma_start3A_454 = tpu.memref_slice %arg3[%dma_start3A_445, %add3A_423, %dma_start3A_453] : memref<4x8192x1024xf32, #tpu.memory_space<hbm>> -> memref<1x32x1024xf32, #tpu.memory_space<hbm>>
    %dma_start3A_455 = tpu.memref_squeeze %dma_start3A_454 : memref<1x32x1024xf32, #tpu.memory_space<hbm>> -> memref<32x1024xf32, #tpu.memory_space<hbm>>
    %dma_start3A_456 = arith.constant 0 : i32
    %dma_start3A_457 = arith.constant 0 : i32
    %dma_start3A_458 = tpu.memref_slice %arg4[%dma_start3A_444, %dma_start3A_456, %dma_start3A_457] : memref<2x32x1024xf32, #tpu.memory_space<vmem>> -> memref<1x32x1024xf32, #tpu.memory_space<vmem>>
    %dma_start3A_459 = tpu.memref_squeeze %dma_start3A_458 : memref<1x32x1024xf32, #tpu.memory_space<vmem>> -> memref<32x1024xf32, #tpu.memory_space<vmem>>
    tpu.enqueue_dma source(%dma_start3A_459 : memref<32x1024xf32, #tpu.memory_space<vmem>>) target(%dma_start3A_455 : memref<32x1024xf32, #tpu.memory_space<hbm>>) target_semaphore(%arg5 : memref<!tpu.dma_semaphore, #tpu.memory_space<semaphore_mem>>)
    %dma_start3A_460 = arith.constant 1 : i32
    %dma_start3A_461 = arith.constant 2 : i32
    %dma_start3A_462 = arith.constant 0 : i32
    %dma_start3A_463 = arith.constant 0 : i32
    %dma_start3A_464 = tpu.memref_slice %arg4[%dma_start3A_460, %dma_start3A_462, %dma_start3A_463] : memref<2x32x1024xf32, #tpu.memory_space<vmem>> -> memref<1x32x1024xf32, #tpu.memory_space<vmem>>
    %dma_start3A_465 = tpu.memref_squeeze %dma_start3A_464 : memref<1x32x1024xf32, #tpu.memory_space<vmem>> -> memref<32x1024xf32, #tpu.memory_space<vmem>>
    %dma_start3A_466 = arith.constant 0 : i32
    %dma_start3A_467 = tpu.memref_slice %arg3[%dma_start3A_461, %add3A_425, %dma_start3A_466] : memref<4x8192x1024xf32, #tpu.memory_space<hbm>> -> memref<1x32x1024xf32, #tpu.memory_space<hbm>>
    %dma_start3A_468 = tpu.memref_squeeze %dma_start3A_467 : memref<1x32x1024xf32, #tpu.memory_space<hbm>> -> memref<32x1024xf32, #tpu.memory_space<hbm>>
    %dma_start3A_469 = arith.constant 0 : i32
    %dma_start3A_470 = tpu.memref_slice %arg3[%dma_start3A_461, %add3A_425, %dma_start3A_469] : memref<4x8192x1024xf32, #tpu.memory_space<hbm>> -> memref<1x32x1024xf32, #tpu.memory_space<hbm>>
    %dma_start3A_471 = tpu.memref_squeeze %dma_start3A_470 : memref<1x32x1024xf32, #tpu.memory_space<hbm>> -> memref<32x1024xf32, #tpu.memory_space<hbm>>
    %dma_start3A_472 = arith.constant 0 : i32
    %dma_start3A_473 = arith.constant 0 : i32
    %dma_start3A_474 = tpu.memref_slice %arg4[%dma_start3A_460, %dma_start3A_472, %dma_start3A_473] : memref<2x32x1024xf32, #tpu.memory_space<vmem>> -> memref<1x32x1024xf32, #tpu.memory_space<vmem>>
    %dma_start3A_475 = tpu.memref_squeeze %dma_start3A_474 : memref<1x32x1024xf32, #tpu.memory_space<vmem>> -> memref<32x1024xf32, #tpu.memory_space<vmem>>
    tpu.enqueue_dma source(%dma_start3A_475 : memref<32x1024xf32, #tpu.memory_space<vmem>>) target(%dma_start3A_471 : memref<32x1024xf32, #tpu.memory_space<hbm>>) target_semaphore(%arg5 : memref<!tpu.dma_semaphore, #tpu.memory_space<semaphore_mem>>)
    %dma_start3A_476 = arith.constant 1 : i32
    %dma_start3A_477 = arith.constant 3 : i32
    %dma_start3A_478 = arith.constant 0 : i32
    %dma_start3A_479 = arith.constant 0 : i32
    %dma_start3A_480 = tpu.memref_slice %arg4[%dma_start3A_476, %dma_start3A_478, %dma_start3A_479] : memref<2x32x1024xf32, #tpu.memory_space<vmem>> -> memref<1x32x1024xf32, #tpu.memory_space<vmem>>
    %dma_start3A_481 = tpu.memref_squeeze %dma_start3A_480 : memref<1x32x1024xf32, #tpu.memory_space<vmem>> -> memref<32x1024xf32, #tpu.memory_space<vmem>>
    %dma_start3A_482 = arith.constant 0 : i32
    %dma_start3A_483 = tpu.memref_slice %arg3[%dma_start3A_477, %add3A_427, %dma_start3A_482] : memref<4x8192x1024xf32, #tpu.memory_space<hbm>> -> memref<1x32x1024xf32, #tpu.memory_space<hbm>>
    %dma_start3A_484 = tpu.memref_squeeze %dma_start3A_483 : memref<1x32x1024xf32, #tpu.memory_space<hbm>> -> memref<32x1024xf32, #tpu.memory_space<hbm>>
    %dma_start3A_485 = arith.constant 0 : i32
    %dma_start3A_486 = tpu.memref_slice %arg3[%dma_start3A_477, %add3A_427, %dma_start3A_485] : memref<4x8192x1024xf32, #tpu.memory_space<hbm>> -> memref<1x32x1024xf32, #tpu.memory_space<hbm>>
    %dma_start3A_487 = tpu.memref_squeeze %dma_start3A_486 : memref<1x32x1024xf32, #tpu.memory_space<hbm>> -> memref<32x1024xf32, #tpu.memory_space<hbm>>
    %dma_start3A_488 = arith.constant 0 : i32
    %dma_start3A_489 = arith.constant 0 : i32
    %dma_start3A_490 = tpu.memref_slice %arg4[%dma_start3A_476, %dma_start3A_488, %dma_start3A_489] : memref<2x32x1024xf32, #tpu.memory_space<vmem>> -> memref<1x32x1024xf32, #tpu.memory_space<vmem>>
    %dma_start3A_491 = tpu.memref_squeeze %dma_start3A_490 : memref<1x32x1024xf32, #tpu.memory_space<vmem>> -> memref<32x1024xf32, #tpu.memory_space<vmem>>
    tpu.enqueue_dma source(%dma_start3A_491 : memref<32x1024xf32, #tpu.memory_space<vmem>>) target(%dma_start3A_487 : memref<32x1024xf32, #tpu.memory_space<hbm>>) target_semaphore(%arg5 : memref<!tpu.dma_semaphore, #tpu.memory_space<semaphore_mem>>)
    %add3A_492 = arith.constant 128 : i32
    %add3A_493 = arith.addi %mul3A_2, %add3A_492 : i32
    %run_scoped3A_494 = arith.constant 0 : i32
    "tpu.region"() ({
      %run_scoped3A_1112 = tpu.sem_alloc : memref<!tpu.dma_semaphore, #tpu.memory_space<semaphore_mem>>
      %dma_start3A_1113 = arith.constant 0 : i32
      %dma_start3A_1114 = arith.constant 0 : i32
      %dma_start3A_1115 = tpu.memref_slice %arg4[%run_scoped3A_494, %dma_start3A_1113, %dma_start3A_1114] : memref<2x32x1024xf32, #tpu.memory_space<vmem>> -> memref<1x32x1024xf32, #tpu.memory_space<vmem>>
      %dma_start3A_1116 = tpu.memref_squeeze %dma_start3A_1115 : memref<1x32x1024xf32, #tpu.memory_space<vmem>> -> memref<32x1024xf32, #tpu.memory_space<vmem>>
      %dma_start3A_1117 = arith.constant 0 : i32
      %dma_start3A_1118 = tpu.memref_slice %arg2[%add3A_493, %dma_start3A_1117] : memref<8192x1024xf32, #tpu.memory_space<hbm>> -> memref<32x1024xf32, #tpu.memory_space<hbm>>
      %dma_start3A_1119 = arith.constant 0 : i32
      %dma_start3A_1120 = arith.constant 0 : i32
      %dma_start3A_1121 = tpu.memref_slice %arg4[%run_scoped3A_494, %dma_start3A_1119, %dma_start3A_1120] : memref<2x32x1024xf32, #tpu.memory_space<vmem>> -> memref<1x32x1024xf32, #tpu.memory_space<vmem>>
      %dma_start3A_1122 = tpu.memref_squeeze %dma_start3A_1121 : memref<1x32x1024xf32, #tpu.memory_space<vmem>> -> memref<32x1024xf32, #tpu.memory_space<vmem>>
      %dma_start3A_1123 = arith.constant 0 : i32
      %dma_start3A_1124 = tpu.memref_slice %arg2[%add3A_493, %dma_start3A_1123] : memref<8192x1024xf32, #tpu.memory_space<hbm>> -> memref<32x1024xf32, #tpu.memory_space<hbm>>
      tpu.enqueue_dma source(%dma_start3A_1124 : memref<32x1024xf32, #tpu.memory_space<hbm>>) target(%dma_start3A_1122 : memref<32x1024xf32, #tpu.memory_space<vmem>>) target_semaphore(%run_scoped3A_1112 : memref<!tpu.dma_semaphore, #tpu.memory_space<semaphore_mem>>)
      %dma_wait3A_1125 = arith.constant 0 : i32
      %dma_wait3A_1126 = arith.constant 0 : i32
      %dma_wait3A_1127 = tpu.memref_slice %arg4[%run_scoped3A_494, %dma_wait3A_1125, %dma_wait3A_1126] : memref<2x32x1024xf32, #tpu.memory_space<vmem>> -> memref<1x32x1024xf32, #tpu.memory_space<vmem>>
      %dma_wait3A_1128 = tpu.memref_squeeze %dma_wait3A_1127 : memref<1x32x1024xf32, #tpu.memory_space<vmem>> -> memref<32x1024xf32, #tpu.memory_space<vmem>>
      %dma_wait3A_1129 = arith.constant 0 : i32
      %dma_wait3A_1130 = tpu.memref_slice %arg2[%add3A_493, %dma_wait3A_1129] : memref<8192x1024xf32, #tpu.memory_space<hbm>> -> memref<32x1024xf32, #tpu.memory_space<hbm>>
      %dma_wait3A_1131 = arith.constant 0 : i32
      %dma_wait3A_1132 = arith.constant 0 : i32
      %dma_wait3A_1133 = tpu.memref_slice %arg4[%run_scoped3A_494, %dma_wait3A_1131, %dma_wait3A_1132] : memref<2x32x1024xf32, #tpu.memory_space<vmem>> -> memref<1x32x1024xf32, #tpu.memory_space<vmem>>
      %dma_wait3A_1134 = tpu.memref_squeeze %dma_wait3A_1133 : memref<1x32x1024xf32, #tpu.memory_space<vmem>> -> memref<32x1024xf32, #tpu.memory_space<vmem>>
      %dma_wait3A_1135 = arith.constant 0 : i32
      %dma_wait3A_1136 = tpu.memref_slice %arg2[%add3A_493, %dma_wait3A_1135] : memref<8192x1024xf32, #tpu.memory_space<hbm>> -> memref<32x1024xf32, #tpu.memory_space<hbm>>
      tpu.wait_dma2 semaphore(%run_scoped3A_1112 : memref<!tpu.dma_semaphore, #tpu.memory_space<semaphore_mem>>) src(%dma_wait3A_1136 : memref<32x1024xf32, #tpu.memory_space<hbm>>) dst(%dma_wait3A_1134 : memref<32x1024xf32, #tpu.memory_space<vmem>>)
      tpu.yield
    }) : () -> ()
    %dma_wait3A_495 = arith.constant 1 : i32
    %dma_wait3A_496 = arith.constant 0 : i32
    %dma_wait3A_497 = arith.constant 0 : i32
    %dma_wait3A_498 = arith.constant 0 : i32
    %dma_wait3A_499 = tpu.memref_slice %arg4[%dma_wait3A_495, %dma_wait3A_497, %dma_wait3A_498] : memref<2x32x1024xf32, #tpu.memory_space<vmem>> -> memref<1x32x1024xf32, #tpu.memory_space<vmem>>
    %dma_wait3A_500 = tpu.memref_squeeze %dma_wait3A_499 : memref<1x32x1024xf32, #tpu.memory_space<vmem>> -> memref<32x1024xf32, #tpu.memory_space<vmem>>
    %dma_wait3A_501 = arith.constant 0 : i32
    %dma_wait3A_502 = tpu.memref_slice %arg3[%dma_wait3A_496, %add3A_421, %dma_wait3A_501] : memref<4x8192x1024xf32, #tpu.memory_space<hbm>> -> memref<1x32x1024xf32, #tpu.memory_space<hbm>>
    %dma_wait3A_503 = tpu.memref_squeeze %dma_wait3A_502 : memref<1x32x1024xf32, #tpu.memory_space<hbm>> -> memref<32x1024xf32, #tpu.memory_space<hbm>>
    %dma_wait3A_504 = arith.constant 0 : i32
    %dma_wait3A_505 = tpu.memref_slice %arg3[%dma_wait3A_496, %add3A_421, %dma_wait3A_504] : memref<4x8192x1024xf32, #tpu.memory_space<hbm>> -> memref<1x32x1024xf32, #tpu.memory_space<hbm>>
    %dma_wait3A_506 = tpu.memref_squeeze %dma_wait3A_505 : memref<1x32x1024xf32, #tpu.memory_space<hbm>> -> memref<32x1024xf32, #tpu.memory_space<hbm>>
    %dma_wait3A_507 = arith.constant 0 : i32
    %dma_wait3A_508 = arith.constant 0 : i32
    %dma_wait3A_509 = tpu.memref_slice %arg4[%dma_wait3A_495, %dma_wait3A_507, %dma_wait3A_508] : memref<2x32x1024xf32, #tpu.memory_space<vmem>> -> memref<1x32x1024xf32, #tpu.memory_space<vmem>>
    %dma_wait3A_510 = tpu.memref_squeeze %dma_wait3A_509 : memref<1x32x1024xf32, #tpu.memory_space<vmem>> -> memref<32x1024xf32, #tpu.memory_space<vmem>>
    tpu.wait_dma2 semaphore(%arg5 : memref<!tpu.dma_semaphore, #tpu.memory_space<semaphore_mem>>) src(%dma_wait3A_510 : memref<32x1024xf32, #tpu.memory_space<vmem>>) dst(%dma_wait3A_506 : memref<32x1024xf32, #tpu.memory_space<hbm>>)
    %dma_wait3A_511 = arith.constant 1 : i32
    %dma_wait3A_512 = arith.constant 1 : i32
    %dma_wait3A_513 = arith.constant 0 : i32
    %dma_wait3A_514 = arith.constant 0 : i32
    %dma_wait3A_515 = tpu.memref_slice %arg4[%dma_wait3A_511, %dma_wait3A_513, %dma_wait3A_514] : memref<2x32x1024xf32, #tpu.memory_space<vmem>> -> memref<1x32x1024xf32, #tpu.memory_space<vmem>>
    %dma_wait3A_516 = tpu.memref_squeeze %dma_wait3A_515 : memref<1x32x1024xf32, #tpu.memory_space<vmem>> -> memref<32x1024xf32, #tpu.memory_space<vmem>>
    %dma_wait3A_517 = arith.constant 0 : i32
    %dma_wait3A_518 = tpu.memref_slice %arg3[%dma_wait3A_512, %add3A_423, %dma_wait3A_517] : memref<4x8192x1024xf32, #tpu.memory_space<hbm>> -> memref<1x32x1024xf32, #tpu.memory_space<hbm>>
    %dma_wait3A_519 = tpu.memref_squeeze %dma_wait3A_518 : memref<1x32x1024xf32, #tpu.memory_space<hbm>> -> memref<32x1024xf32, #tpu.memory_space<hbm>>
    %dma_wait3A_520 = arith.constant 0 : i32
    %dma_wait3A_521 = tpu.memref_slice %arg3[%dma_wait3A_512, %add3A_423, %dma_wait3A_520] : memref<4x8192x1024xf32, #tpu.memory_space<hbm>> -> memref<1x32x1024xf32, #tpu.memory_space<hbm>>
    %dma_wait3A_522 = tpu.memref_squeeze %dma_wait3A_521 : memref<1x32x1024xf32, #tpu.memory_space<hbm>> -> memref<32x1024xf32, #tpu.memory_space<hbm>>
    %dma_wait3A_523 = arith.constant 0 : i32
    %dma_wait3A_524 = arith.constant 0 : i32
    %dma_wait3A_525 = tpu.memref_slice %arg4[%dma_wait3A_511, %dma_wait3A_523, %dma_wait3A_524] : memref<2x32x1024xf32, #tpu.memory_space<vmem>> -> memref<1x32x1024xf32, #tpu.memory_space<vmem>>
    %dma_wait3A_526 = tpu.memref_squeeze %dma_wait3A_525 : memref<1x32x1024xf32, #tpu.memory_space<vmem>> -> memref<32x1024xf32, #tpu.memory_space<vmem>>
    tpu.wait_dma2 semaphore(%arg5 : memref<!tpu.dma_semaphore, #tpu.memory_space<semaphore_mem>>) src(%dma_wait3A_526 : memref<32x1024xf32, #tpu.memory_space<vmem>>) dst(%dma_wait3A_522 : memref<32x1024xf32, #tpu.memory_space<hbm>>)
    %dma_wait3A_527 = arith.constant 1 : i32
    %dma_wait3A_528 = arith.constant 2 : i32
    %dma_wait3A_529 = arith.constant 0 : i32
    %dma_wait3A_530 = arith.constant 0 : i32
    %dma_wait3A_531 = tpu.memref_slice %arg4[%dma_wait3A_527, %dma_wait3A_529, %dma_wait3A_530] : memref<2x32x1024xf32, #tpu.memory_space<vmem>> -> memref<1x32x1024xf32, #tpu.memory_space<vmem>>
    %dma_wait3A_532 = tpu.memref_squeeze %dma_wait3A_531 : memref<1x32x1024xf32, #tpu.memory_space<vmem>> -> memref<32x1024xf32, #tpu.memory_space<vmem>>
    %dma_wait3A_533 = arith.constant 0 : i32
    %dma_wait3A_534 = tpu.memref_slice %arg3[%dma_wait3A_528, %add3A_425, %dma_wait3A_533] : memref<4x8192x1024xf32, #tpu.memory_space<hbm>> -> memref<1x32x1024xf32, #tpu.memory_space<hbm>>
    %dma_wait3A_535 = tpu.memref_squeeze %dma_wait3A_534 : memref<1x32x1024xf32, #tpu.memory_space<hbm>> -> memref<32x1024xf32, #tpu.memory_space<hbm>>
    %dma_wait3A_536 = arith.constant 0 : i32
    %dma_wait3A_537 = tpu.memref_slice %arg3[%dma_wait3A_528, %add3A_425, %dma_wait3A_536] : memref<4x8192x1024xf32, #tpu.memory_space<hbm>> -> memref<1x32x1024xf32, #tpu.memory_space<hbm>>
    %dma_wait3A_538 = tpu.memref_squeeze %dma_wait3A_537 : memref<1x32x1024xf32, #tpu.memory_space<hbm>> -> memref<32x1024xf32, #tpu.memory_space<hbm>>
    %dma_wait3A_539 = arith.constant 0 : i32
    %dma_wait3A_540 = arith.constant 0 : i32
    %dma_wait3A_541 = tpu.memref_slice %arg4[%dma_wait3A_527, %dma_wait3A_539, %dma_wait3A_540] : memref<2x32x1024xf32, #tpu.memory_space<vmem>> -> memref<1x32x1024xf32, #tpu.memory_space<vmem>>
    %dma_wait3A_542 = tpu.memref_squeeze %dma_wait3A_541 : memref<1x32x1024xf32, #tpu.memory_space<vmem>> -> memref<32x1024xf32, #tpu.memory_space<vmem>>
    tpu.wait_dma2 semaphore(%arg5 : memref<!tpu.dma_semaphore, #tpu.memory_space<semaphore_mem>>) src(%dma_wait3A_542 : memref<32x1024xf32, #tpu.memory_space<vmem>>) dst(%dma_wait3A_538 : memref<32x1024xf32, #tpu.memory_space<hbm>>)
    %dma_wait3A_543 = arith.constant 1 : i32
    %dma_wait3A_544 = arith.constant 3 : i32
    %dma_wait3A_545 = arith.constant 0 : i32
    %dma_wait3A_546 = arith.constant 0 : i32
    %dma_wait3A_547 = tpu.memref_slice %arg4[%dma_wait3A_543, %dma_wait3A_545, %dma_wait3A_546] : memref<2x32x1024xf32, #tpu.memory_space<vmem>> -> memref<1x32x1024xf32, #tpu.memory_space<vmem>>
    %dma_wait3A_548 = tpu.memref_squeeze %dma_wait3A_547 : memref<1x32x1024xf32, #tpu.memory_space<vmem>> -> memref<32x1024xf32, #tpu.memory_space<vmem>>
    %dma_wait3A_549 = arith.constant 0 : i32
    %dma_wait3A_550 = tpu.memref_slice %arg3[%dma_wait3A_544, %add3A_427, %dma_wait3A_549] : memref<4x8192x1024xf32, #tpu.memory_space<hbm>> -> memref<1x32x1024xf32, #tpu.memory_space<hbm>>
    %dma_wait3A_551 = tpu.memref_squeeze %dma_wait3A_550 : memref<1x32x1024xf32, #tpu.memory_space<hbm>> -> memref<32x1024xf32, #tpu.memory_space<hbm>>
    %dma_wait3A_552 = arith.constant 0 : i32
    %dma_wait3A_553 = tpu.memref_slice %arg3[%dma_wait3A_544, %add3A_427, %dma_wait3A_552] : memref<4x8192x1024xf32, #tpu.memory_space<hbm>> -> memref<1x32x1024xf32, #tpu.memory_space<hbm>>
    %dma_wait3A_554 = tpu.memref_squeeze %dma_wait3A_553 : memref<1x32x1024xf32, #tpu.memory_space<hbm>> -> memref<32x1024xf32, #tpu.memory_space<hbm>>
    %dma_wait3A_555 = arith.constant 0 : i32
    %dma_wait3A_556 = arith.constant 0 : i32
    %dma_wait3A_557 = tpu.memref_slice %arg4[%dma_wait3A_543, %dma_wait3A_555, %dma_wait3A_556] : memref<2x32x1024xf32, #tpu.memory_space<vmem>> -> memref<1x32x1024xf32, #tpu.memory_space<vmem>>
    %dma_wait3A_558 = tpu.memref_squeeze %dma_wait3A_557 : memref<1x32x1024xf32, #tpu.memory_space<vmem>> -> memref<32x1024xf32, #tpu.memory_space<vmem>>
    tpu.wait_dma2 semaphore(%arg5 : memref<!tpu.dma_semaphore, #tpu.memory_space<semaphore_mem>>) src(%dma_wait3A_558 : memref<32x1024xf32, #tpu.memory_space<vmem>>) dst(%dma_wait3A_554 : memref<32x1024xf32, #tpu.memory_space<hbm>>)
    %add3A_559 = arith.constant 128 : i32
    %add3A_560 = arith.addi %mul3A_2, %add3A_559 : i32
    %add3A_561 = arith.constant 128 : i32
    %add3A_562 = arith.addi %mul3A_2, %add3A_561 : i32
    %add3A_563 = arith.constant 128 : i32
    %add3A_564 = arith.addi %mul3A_2, %add3A_563 : i32
    %add3A_565 = arith.constant 128 : i32
    %add3A_566 = arith.addi %mul3A_2, %add3A_565 : i32
    %dma_start3A_567 = arith.constant 0 : i32
    %dma_start3A_568 = arith.constant 0 : i32
    %dma_start3A_569 = arith.constant 0 : i32
    %dma_start3A_570 = arith.constant 0 : i32
    %dma_start3A_571 = tpu.memref_slice %arg4[%dma_start3A_567, %dma_start3A_569, %dma_start3A_570] : memref<2x32x1024xf32, #tpu.memory_space<vmem>> -> memref<1x32x1024xf32, #tpu.memory_space<vmem>>
    %dma_start3A_572 = tpu.memref_squeeze %dma_start3A_571 : memref<1x32x1024xf32, #tpu.memory_space<vmem>> -> memref<32x1024xf32, #tpu.memory_space<vmem>>
    %dma_start3A_573 = arith.constant 0 : i32
    %dma_start3A_574 = tpu.memref_slice %arg3[%dma_start3A_568, %add3A_560, %dma_start3A_573] : memref<4x8192x1024xf32, #tpu.memory_space<hbm>> -> memref<1x32x1024xf32, #tpu.memory_space<hbm>>
    %dma_start3A_575 = tpu.memref_squeeze %dma_start3A_574 : memref<1x32x1024xf32, #tpu.memory_space<hbm>> -> memref<32x1024xf32, #tpu.memory_space<hbm>>
    %dma_start3A_576 = arith.constant 0 : i32
    %dma_start3A_577 = tpu.memref_slice %arg3[%dma_start3A_568, %add3A_560, %dma_start3A_576] : memref<4x8192x1024xf32, #tpu.memory_space<hbm>> -> memref<1x32x1024xf32, #tpu.memory_space<hbm>>
    %dma_start3A_578 = tpu.memref_squeeze %dma_start3A_577 : memref<1x32x1024xf32, #tpu.memory_space<hbm>> -> memref<32x1024xf32, #tpu.memory_space<hbm>>
    %dma_start3A_579 = arith.constant 0 : i32
    %dma_start3A_580 = arith.constant 0 : i32
    %dma_start3A_581 = tpu.memref_slice %arg4[%dma_start3A_567, %dma_start3A_579, %dma_start3A_580] : memref<2x32x1024xf32, #tpu.memory_space<vmem>> -> memref<1x32x1024xf32, #tpu.memory_space<vmem>>
    %dma_start3A_582 = tpu.memref_squeeze %dma_start3A_581 : memref<1x32x1024xf32, #tpu.memory_space<vmem>> -> memref<32x1024xf32, #tpu.memory_space<vmem>>
    tpu.enqueue_dma source(%dma_start3A_582 : memref<32x1024xf32, #tpu.memory_space<vmem>>) target(%dma_start3A_578 : memref<32x1024xf32, #tpu.memory_space<hbm>>) target_semaphore(%arg5 : memref<!tpu.dma_semaphore, #tpu.memory_space<semaphore_mem>>)
    %dma_start3A_583 = arith.constant 0 : i32
    %dma_start3A_584 = arith.constant 1 : i32
    %dma_start3A_585 = arith.constant 0 : i32
    %dma_start3A_586 = arith.constant 0 : i32
    %dma_start3A_587 = tpu.memref_slice %arg4[%dma_start3A_583, %dma_start3A_585, %dma_start3A_586] : memref<2x32x1024xf32, #tpu.memory_space<vmem>> -> memref<1x32x1024xf32, #tpu.memory_space<vmem>>
    %dma_start3A_588 = tpu.memref_squeeze %dma_start3A_587 : memref<1x32x1024xf32, #tpu.memory_space<vmem>> -> memref<32x1024xf32, #tpu.memory_space<vmem>>
    %dma_start3A_589 = arith.constant 0 : i32
    %dma_start3A_590 = tpu.memref_slice %arg3[%dma_start3A_584, %add3A_562, %dma_start3A_589] : memref<4x8192x1024xf32, #tpu.memory_space<hbm>> -> memref<1x32x1024xf32, #tpu.memory_space<hbm>>
    %dma_start3A_591 = tpu.memref_squeeze %dma_start3A_590 : memref<1x32x1024xf32, #tpu.memory_space<hbm>> -> memref<32x1024xf32, #tpu.memory_space<hbm>>
    %dma_start3A_592 = arith.constant 0 : i32
    %dma_start3A_593 = tpu.memref_slice %arg3[%dma_start3A_584, %add3A_562, %dma_start3A_592] : memref<4x8192x1024xf32, #tpu.memory_space<hbm>> -> memref<1x32x1024xf32, #tpu.memory_space<hbm>>
    %dma_start3A_594 = tpu.memref_squeeze %dma_start3A_593 : memref<1x32x1024xf32, #tpu.memory_space<hbm>> -> memref<32x1024xf32, #tpu.memory_space<hbm>>
    %dma_start3A_595 = arith.constant 0 : i32
    %dma_start3A_596 = arith.constant 0 : i32
    %dma_start3A_597 = tpu.memref_slice %arg4[%dma_start3A_583, %dma_start3A_595, %dma_start3A_596] : memref<2x32x1024xf32, #tpu.memory_space<vmem>> -> memref<1x32x1024xf32, #tpu.memory_space<vmem>>
    %dma_start3A_598 = tpu.memref_squeeze %dma_start3A_597 : memref<1x32x1024xf32, #tpu.memory_space<vmem>> -> memref<32x1024xf32, #tpu.memory_space<vmem>>
    tpu.enqueue_dma source(%dma_start3A_598 : memref<32x1024xf32, #tpu.memory_space<vmem>>) target(%dma_start3A_594 : memref<32x1024xf32, #tpu.memory_space<hbm>>) target_semaphore(%arg5 : memref<!tpu.dma_semaphore, #tpu.memory_space<semaphore_mem>>)
    %dma_start3A_599 = arith.constant 0 : i32
    %dma_start3A_600 = arith.constant 2 : i32
    %dma_start3A_601 = arith.constant 0 : i32
    %dma_start3A_602 = arith.constant 0 : i32
    %dma_start3A_603 = tpu.memref_slice %arg4[%dma_start3A_599, %dma_start3A_601, %dma_start3A_602] : memref<2x32x1024xf32, #tpu.memory_space<vmem>> -> memref<1x32x1024xf32, #tpu.memory_space<vmem>>
    %dma_start3A_604 = tpu.memref_squeeze %dma_start3A_603 : memref<1x32x1024xf32, #tpu.memory_space<vmem>> -> memref<32x1024xf32, #tpu.memory_space<vmem>>
    %dma_start3A_605 = arith.constant 0 : i32
    %dma_start3A_606 = tpu.memref_slice %arg3[%dma_start3A_600, %add3A_564, %dma_start3A_605] : memref<4x8192x1024xf32, #tpu.memory_space<hbm>> -> memref<1x32x1024xf32, #tpu.memory_space<hbm>>
    %dma_start3A_607 = tpu.memref_squeeze %dma_start3A_606 : memref<1x32x1024xf32, #tpu.memory_space<hbm>> -> memref<32x1024xf32, #tpu.memory_space<hbm>>
    %dma_start3A_608 = arith.constant 0 : i32
    %dma_start3A_609 = tpu.memref_slice %arg3[%dma_start3A_600, %add3A_564, %dma_start3A_608] : memref<4x8192x1024xf32, #tpu.memory_space<hbm>> -> memref<1x32x1024xf32, #tpu.memory_space<hbm>>
    %dma_start3A_610 = tpu.memref_squeeze %dma_start3A_609 : memref<1x32x1024xf32, #tpu.memory_space<hbm>> -> memref<32x1024xf32, #tpu.memory_space<hbm>>
    %dma_start3A_611 = arith.constant 0 : i32
    %dma_start3A_612 = arith.constant 0 : i32
    %dma_start3A_613 = tpu.memref_slice %arg4[%dma_start3A_599, %dma_start3A_611, %dma_start3A_612] : memref<2x32x1024xf32, #tpu.memory_space<vmem>> -> memref<1x32x1024xf32, #tpu.memory_space<vmem>>
    %dma_start3A_614 = tpu.memref_squeeze %dma_start3A_613 : memref<1x32x1024xf32, #tpu.memory_space<vmem>> -> memref<32x1024xf32, #tpu.memory_space<vmem>>
    tpu.enqueue_dma source(%dma_start3A_614 : memref<32x1024xf32, #tpu.memory_space<vmem>>) target(%dma_start3A_610 : memref<32x1024xf32, #tpu.memory_space<hbm>>) target_semaphore(%arg5 : memref<!tpu.dma_semaphore, #tpu.memory_space<semaphore_mem>>)
    %dma_start3A_615 = arith.constant 0 : i32
    %dma_start3A_616 = arith.constant 3 : i32
    %dma_start3A_617 = arith.constant 0 : i32
    %dma_start3A_618 = arith.constant 0 : i32
    %dma_start3A_619 = tpu.memref_slice %arg4[%dma_start3A_615, %dma_start3A_617, %dma_start3A_618] : memref<2x32x1024xf32, #tpu.memory_space<vmem>> -> memref<1x32x1024xf32, #tpu.memory_space<vmem>>
    %dma_start3A_620 = tpu.memref_squeeze %dma_start3A_619 : memref<1x32x1024xf32, #tpu.memory_space<vmem>> -> memref<32x1024xf32, #tpu.memory_space<vmem>>
    %dma_start3A_621 = arith.constant 0 : i32
    %dma_start3A_622 = tpu.memref_slice %arg3[%dma_start3A_616, %add3A_566, %dma_start3A_621] : memref<4x8192x1024xf32, #tpu.memory_space<hbm>> -> memref<1x32x1024xf32, #tpu.memory_space<hbm>>
    %dma_start3A_623 = tpu.memref_squeeze %dma_start3A_622 : memref<1x32x1024xf32, #tpu.memory_space<hbm>> -> memref<32x1024xf32, #tpu.memory_space<hbm>>
    %dma_start3A_624 = arith.constant 0 : i32
    %dma_start3A_625 = tpu.memref_slice %arg3[%dma_start3A_616, %add3A_566, %dma_start3A_624] : memref<4x8192x1024xf32, #tpu.memory_space<hbm>> -> memref<1x32x1024xf32, #tpu.memory_space<hbm>>
    %dma_start3A_626 = tpu.memref_squeeze %dma_start3A_625 : memref<1x32x1024xf32, #tpu.memory_space<hbm>> -> memref<32x1024xf32, #tpu.memory_space<hbm>>
    %dma_start3A_627 = arith.constant 0 : i32
    %dma_start3A_628 = arith.constant 0 : i32
    %dma_start3A_629 = tpu.memref_slice %arg4[%dma_start3A_615, %dma_start3A_627, %dma_start3A_628] : memref<2x32x1024xf32, #tpu.memory_space<vmem>> -> memref<1x32x1024xf32, #tpu.memory_space<vmem>>
    %dma_start3A_630 = tpu.memref_squeeze %dma_start3A_629 : memref<1x32x1024xf32, #tpu.memory_space<vmem>> -> memref<32x1024xf32, #tpu.memory_space<vmem>>
    tpu.enqueue_dma source(%dma_start3A_630 : memref<32x1024xf32, #tpu.memory_space<vmem>>) target(%dma_start3A_626 : memref<32x1024xf32, #tpu.memory_space<hbm>>) target_semaphore(%arg5 : memref<!tpu.dma_semaphore, #tpu.memory_space<semaphore_mem>>)
    %add3A_631 = arith.constant 160 : i32
    %add3A_632 = arith.addi %mul3A_2, %add3A_631 : i32
    %run_scoped3A_633 = arith.constant 1 : i32
    "tpu.region"() ({
      %run_scoped3A_1112 = tpu.sem_alloc : memref<!tpu.dma_semaphore, #tpu.memory_space<semaphore_mem>>
      %dma_start3A_1113 = arith.constant 0 : i32
      %dma_start3A_1114 = arith.constant 0 : i32
      %dma_start3A_1115 = tpu.memref_slice %arg4[%run_scoped3A_633, %dma_start3A_1113, %dma_start3A_1114] : memref<2x32x1024xf32, #tpu.memory_space<vmem>> -> memref<1x32x1024xf32, #tpu.memory_space<vmem>>
      %dma_start3A_1116 = tpu.memref_squeeze %dma_start3A_1115 : memref<1x32x1024xf32, #tpu.memory_space<vmem>> -> memref<32x1024xf32, #tpu.memory_space<vmem>>
      %dma_start3A_1117 = arith.constant 0 : i32
      %dma_start3A_1118 = tpu.memref_slice %arg2[%add3A_632, %dma_start3A_1117] : memref<8192x1024xf32, #tpu.memory_space<hbm>> -> memref<32x1024xf32, #tpu.memory_space<hbm>>
      %dma_start3A_1119 = arith.constant 0 : i32
      %dma_start3A_1120 = arith.constant 0 : i32
      %dma_start3A_1121 = tpu.memref_slice %arg4[%run_scoped3A_633, %dma_start3A_1119, %dma_start3A_1120] : memref<2x32x1024xf32, #tpu.memory_space<vmem>> -> memref<1x32x1024xf32, #tpu.memory_space<vmem>>
      %dma_start3A_1122 = tpu.memref_squeeze %dma_start3A_1121 : memref<1x32x1024xf32, #tpu.memory_space<vmem>> -> memref<32x1024xf32, #tpu.memory_space<vmem>>
      %dma_start3A_1123 = arith.constant 0 : i32
      %dma_start3A_1124 = tpu.memref_slice %arg2[%add3A_632, %dma_start3A_1123] : memref<8192x1024xf32, #tpu.memory_space<hbm>> -> memref<32x1024xf32, #tpu.memory_space<hbm>>
      tpu.enqueue_dma source(%dma_start3A_1124 : memref<32x1024xf32, #tpu.memory_space<hbm>>) target(%dma_start3A_1122 : memref<32x1024xf32, #tpu.memory_space<vmem>>) target_semaphore(%run_scoped3A_1112 : memref<!tpu.dma_semaphore, #tpu.memory_space<semaphore_mem>>)
      %dma_wait3A_1125 = arith.constant 0 : i32
      %dma_wait3A_1126 = arith.constant 0 : i32
      %dma_wait3A_1127 = tpu.memref_slice %arg4[%run_scoped3A_633, %dma_wait3A_1125, %dma_wait3A_1126] : memref<2x32x1024xf32, #tpu.memory_space<vmem>> -> memref<1x32x1024xf32, #tpu.memory_space<vmem>>
      %dma_wait3A_1128 = tpu.memref_squeeze %dma_wait3A_1127 : memref<1x32x1024xf32, #tpu.memory_space<vmem>> -> memref<32x1024xf32, #tpu.memory_space<vmem>>
      %dma_wait3A_1129 = arith.constant 0 : i32
      %dma_wait3A_1130 = tpu.memref_slice %arg2[%add3A_632, %dma_wait3A_1129] : memref<8192x1024xf32, #tpu.memory_space<hbm>> -> memref<32x1024xf32, #tpu.memory_space<hbm>>
      %dma_wait3A_1131 = arith.constant 0 : i32
      %dma_wait3A_1132 = arith.constant 0 : i32
      %dma_wait3A_1133 = tpu.memref_slice %arg4[%run_scoped3A_633, %dma_wait3A_1131, %dma_wait3A_1132] : memref<2x32x1024xf32, #tpu.memory_space<vmem>> -> memref<1x32x1024xf32, #tpu.memory_space<vmem>>
      %dma_wait3A_1134 = tpu.memref_squeeze %dma_wait3A_1133 : memref<1x32x1024xf32, #tpu.memory_space<vmem>> -> memref<32x1024xf32, #tpu.memory_space<vmem>>
      %dma_wait3A_1135 = arith.constant 0 : i32
      %dma_wait3A_1136 = tpu.memref_slice %arg2[%add3A_632, %dma_wait3A_1135] : memref<8192x1024xf32, #tpu.memory_space<hbm>> -> memref<32x1024xf32, #tpu.memory_space<hbm>>
      tpu.wait_dma2 semaphore(%run_scoped3A_1112 : memref<!tpu.dma_semaphore, #tpu.memory_space<semaphore_mem>>) src(%dma_wait3A_1136 : memref<32x1024xf32, #tpu.memory_space<hbm>>) dst(%dma_wait3A_1134 : memref<32x1024xf32, #tpu.memory_space<vmem>>)
      tpu.yield
    }) : () -> ()
    %dma_wait3A_634 = arith.constant 0 : i32
    %dma_wait3A_635 = arith.constant 0 : i32
    %dma_wait3A_636 = arith.constant 0 : i32
    %dma_wait3A_637 = arith.constant 0 : i32
    %dma_wait3A_638 = tpu.memref_slice %arg4[%dma_wait3A_634, %dma_wait3A_636, %dma_wait3A_637] : memref<2x32x1024xf32, #tpu.memory_space<vmem>> -> memref<1x32x1024xf32, #tpu.memory_space<vmem>>
    %dma_wait3A_639 = tpu.memref_squeeze %dma_wait3A_638 : memref<1x32x1024xf32, #tpu.memory_space<vmem>> -> memref<32x1024xf32, #tpu.memory_space<vmem>>
    %dma_wait3A_640 = arith.constant 0 : i32
    %dma_wait3A_641 = tpu.memref_slice %arg3[%dma_wait3A_635, %add3A_560, %dma_wait3A_640] : memref<4x8192x1024xf32, #tpu.memory_space<hbm>> -> memref<1x32x1024xf32, #tpu.memory_space<hbm>>
    %dma_wait3A_642 = tpu.memref_squeeze %dma_wait3A_641 : memref<1x32x1024xf32, #tpu.memory_space<hbm>> -> memref<32x1024xf32, #tpu.memory_space<hbm>>
    %dma_wait3A_643 = arith.constant 0 : i32
    %dma_wait3A_644 = tpu.memref_slice %arg3[%dma_wait3A_635, %add3A_560, %dma_wait3A_643] : memref<4x8192x1024xf32, #tpu.memory_space<hbm>> -> memref<1x32x1024xf32, #tpu.memory_space<hbm>>
    %dma_wait3A_645 = tpu.memref_squeeze %dma_wait3A_644 : memref<1x32x1024xf32, #tpu.memory_space<hbm>> -> memref<32x1024xf32, #tpu.memory_space<hbm>>
    %dma_wait3A_646 = arith.constant 0 : i32
    %dma_wait3A_647 = arith.constant 0 : i32
    %dma_wait3A_648 = tpu.memref_slice %arg4[%dma_wait3A_634, %dma_wait3A_646, %dma_wait3A_647] : memref<2x32x1024xf32, #tpu.memory_space<vmem>> -> memref<1x32x1024xf32, #tpu.memory_space<vmem>>
    %dma_wait3A_649 = tpu.memref_squeeze %dma_wait3A_648 : memref<1x32x1024xf32, #tpu.memory_space<vmem>> -> memref<32x1024xf32, #tpu.memory_space<vmem>>
    tpu.wait_dma2 semaphore(%arg5 : memref<!tpu.dma_semaphore, #tpu.memory_space<semaphore_mem>>) src(%dma_wait3A_649 : memref<32x1024xf32, #tpu.memory_space<vmem>>) dst(%dma_wait3A_645 : memref<32x1024xf32, #tpu.memory_space<hbm>>)
    %dma_wait3A_650 = arith.constant 0 : i32
    %dma_wait3A_651 = arith.constant 1 : i32
    %dma_wait3A_652 = arith.constant 0 : i32
    %dma_wait3A_653 = arith.constant 0 : i32
    %dma_wait3A_654 = tpu.memref_slice %arg4[%dma_wait3A_650, %dma_wait3A_652, %dma_wait3A_653] : memref<2x32x1024xf32, #tpu.memory_space<vmem>> -> memref<1x32x1024xf32, #tpu.memory_space<vmem>>
    %dma_wait3A_655 = tpu.memref_squeeze %dma_wait3A_654 : memref<1x32x1024xf32, #tpu.memory_space<vmem>> -> memref<32x1024xf32, #tpu.memory_space<vmem>>
    %dma_wait3A_656 = arith.constant 0 : i32
    %dma_wait3A_657 = tpu.memref_slice %arg3[%dma_wait3A_651, %add3A_562, %dma_wait3A_656] : memref<4x8192x1024xf32, #tpu.memory_space<hbm>> -> memref<1x32x1024xf32, #tpu.memory_space<hbm>>
    %dma_wait3A_658 = tpu.memref_squeeze %dma_wait3A_657 : memref<1x32x1024xf32, #tpu.memory_space<hbm>> -> memref<32x1024xf32, #tpu.memory_space<hbm>>
    %dma_wait3A_659 = arith.constant 0 : i32
    %dma_wait3A_660 = tpu.memref_slice %arg3[%dma_wait3A_651, %add3A_562, %dma_wait3A_659] : memref<4x8192x1024xf32, #tpu.memory_space<hbm>> -> memref<1x32x1024xf32, #tpu.memory_space<hbm>>
    %dma_wait3A_661 = tpu.memref_squeeze %dma_wait3A_660 : memref<1x32x1024xf32, #tpu.memory_space<hbm>> -> memref<32x1024xf32, #tpu.memory_space<hbm>>
    %dma_wait3A_662 = arith.constant 0 : i32
    %dma_wait3A_663 = arith.constant 0 : i32
    %dma_wait3A_664 = tpu.memref_slice %arg4[%dma_wait3A_650, %dma_wait3A_662, %dma_wait3A_663] : memref<2x32x1024xf32, #tpu.memory_space<vmem>> -> memref<1x32x1024xf32, #tpu.memory_space<vmem>>
    %dma_wait3A_665 = tpu.memref_squeeze %dma_wait3A_664 : memref<1x32x1024xf32, #tpu.memory_space<vmem>> -> memref<32x1024xf32, #tpu.memory_space<vmem>>
    tpu.wait_dma2 semaphore(%arg5 : memref<!tpu.dma_semaphore, #tpu.memory_space<semaphore_mem>>) src(%dma_wait3A_665 : memref<32x1024xf32, #tpu.memory_space<vmem>>) dst(%dma_wait3A_661 : memref<32x1024xf32, #tpu.memory_space<hbm>>)
    %dma_wait3A_666 = arith.constant 0 : i32
    %dma_wait3A_667 = arith.constant 2 : i32
    %dma_wait3A_668 = arith.constant 0 : i32
    %dma_wait3A_669 = arith.constant 0 : i32
    %dma_wait3A_670 = tpu.memref_slice %arg4[%dma_wait3A_666, %dma_wait3A_668, %dma_wait3A_669] : memref<2x32x1024xf32, #tpu.memory_space<vmem>> -> memref<1x32x1024xf32, #tpu.memory_space<vmem>>
    %dma_wait3A_671 = tpu.memref_squeeze %dma_wait3A_670 : memref<1x32x1024xf32, #tpu.memory_space<vmem>> -> memref<32x1024xf32, #tpu.memory_space<vmem>>
    %dma_wait3A_672 = arith.constant 0 : i32
    %dma_wait3A_673 = tpu.memref_slice %arg3[%dma_wait3A_667, %add3A_564, %dma_wait3A_672] : memref<4x8192x1024xf32, #tpu.memory_space<hbm>> -> memref<1x32x1024xf32, #tpu.memory_space<hbm>>
    %dma_wait3A_674 = tpu.memref_squeeze %dma_wait3A_673 : memref<1x32x1024xf32, #tpu.memory_space<hbm>> -> memref<32x1024xf32, #tpu.memory_space<hbm>>
    %dma_wait3A_675 = arith.constant 0 : i32
    %dma_wait3A_676 = tpu.memref_slice %arg3[%dma_wait3A_667, %add3A_564, %dma_wait3A_675] : memref<4x8192x1024xf32, #tpu.memory_space<hbm>> -> memref<1x32x1024xf32, #tpu.memory_space<hbm>>
    %dma_wait3A_677 = tpu.memref_squeeze %dma_wait3A_676 : memref<1x32x1024xf32, #tpu.memory_space<hbm>> -> memref<32x1024xf32, #tpu.memory_space<hbm>>
    %dma_wait3A_678 = arith.constant 0 : i32
    %dma_wait3A_679 = arith.constant 0 : i32
    %dma_wait3A_680 = tpu.memref_slice %arg4[%dma_wait3A_666, %dma_wait3A_678, %dma_wait3A_679] : memref<2x32x1024xf32, #tpu.memory_space<vmem>> -> memref<1x32x1024xf32, #tpu.memory_space<vmem>>
    %dma_wait3A_681 = tpu.memref_squeeze %dma_wait3A_680 : memref<1x32x1024xf32, #tpu.memory_space<vmem>> -> memref<32x1024xf32, #tpu.memory_space<vmem>>
    tpu.wait_dma2 semaphore(%arg5 : memref<!tpu.dma_semaphore, #tpu.memory_space<semaphore_mem>>) src(%dma_wait3A_681 : memref<32x1024xf32, #tpu.memory_space<vmem>>) dst(%dma_wait3A_677 : memref<32x1024xf32, #tpu.memory_space<hbm>>)
    %dma_wait3A_682 = arith.constant 0 : i32
    %dma_wait3A_683 = arith.constant 3 : i32
    %dma_wait3A_684 = arith.constant 0 : i32
    %dma_wait3A_685 = arith.constant 0 : i32
    %dma_wait3A_686 = tpu.memref_slice %arg4[%dma_wait3A_682, %dma_wait3A_684, %dma_wait3A_685] : memref<2x32x1024xf32, #tpu.memory_space<vmem>> -> memref<1x32x1024xf32, #tpu.memory_space<vmem>>
    %dma_wait3A_687 = tpu.memref_squeeze %dma_wait3A_686 : memref<1x32x1024xf32, #tpu.memory_space<vmem>> -> memref<32x1024xf32, #tpu.memory_space<vmem>>
    %dma_wait3A_688 = arith.constant 0 : i32
    %dma_wait3A_689 = tpu.memref_slice %arg3[%dma_wait3A_683, %add3A_566, %dma_wait3A_688] : memref<4x8192x1024xf32, #tpu.memory_space<hbm>> -> memref<1x32x1024xf32, #tpu.memory_space<hbm>>
    %dma_wait3A_690 = tpu.memref_squeeze %dma_wait3A_689 : memref<1x32x1024xf32, #tpu.memory_space<hbm>> -> memref<32x1024xf32, #tpu.memory_space<hbm>>
    %dma_wait3A_691 = arith.constant 0 : i32
    %dma_wait3A_692 = tpu.memref_slice %arg3[%dma_wait3A_683, %add3A_566, %dma_wait3A_691] : memref<4x8192x1024xf32, #tpu.memory_space<hbm>> -> memref<1x32x1024xf32, #tpu.memory_space<hbm>>
    %dma_wait3A_693 = tpu.memref_squeeze %dma_wait3A_692 : memref<1x32x1024xf32, #tpu.memory_space<hbm>> -> memref<32x1024xf32, #tpu.memory_space<hbm>>
    %dma_wait3A_694 = arith.constant 0 : i32
    %dma_wait3A_695 = arith.constant 0 : i32
    %dma_wait3A_696 = tpu.memref_slice %arg4[%dma_wait3A_682, %dma_wait3A_694, %dma_wait3A_695] : memref<2x32x1024xf32, #tpu.memory_space<vmem>> -> memref<1x32x1024xf32, #tpu.memory_space<vmem>>
    %dma_wait3A_697 = tpu.memref_squeeze %dma_wait3A_696 : memref<1x32x1024xf32, #tpu.memory_space<vmem>> -> memref<32x1024xf32, #tpu.memory_space<vmem>>
    tpu.wait_dma2 semaphore(%arg5 : memref<!tpu.dma_semaphore, #tpu.memory_space<semaphore_mem>>) src(%dma_wait3A_697 : memref<32x1024xf32, #tpu.memory_space<vmem>>) dst(%dma_wait3A_693 : memref<32x1024xf32, #tpu.memory_space<hbm>>)
    %add3A_698 = arith.constant 160 : i32
    %add3A_699 = arith.addi %mul3A_2, %add3A_698 : i32
    %add3A_700 = arith.constant 160 : i32
    %add3A_701 = arith.addi %mul3A_2, %add3A_700 : i32
    %add3A_702 = arith.constant 160 : i32
    %add3A_703 = arith.addi %mul3A_2, %add3A_702 : i32
    %add3A_704 = arith.constant 160 : i32
    %add3A_705 = arith.addi %mul3A_2, %add3A_704 : i32
    %dma_start3A_706 = arith.constant 1 : i32
    %dma_start3A_707 = arith.constant 0 : i32
    %dma_start3A_708 = arith.constant 0 : i32
    %dma_start3A_709 = arith.constant 0 : i32
    %dma_start3A_710 = tpu.memref_slice %arg4[%dma_start3A_706, %dma_start3A_708, %dma_start3A_709] : memref<2x32x1024xf32, #tpu.memory_space<vmem>> -> memref<1x32x1024xf32, #tpu.memory_space<vmem>>
    %dma_start3A_711 = tpu.memref_squeeze %dma_start3A_710 : memref<1x32x1024xf32, #tpu.memory_space<vmem>> -> memref<32x1024xf32, #tpu.memory_space<vmem>>
    %dma_start3A_712 = arith.constant 0 : i32
    %dma_start3A_713 = tpu.memref_slice %arg3[%dma_start3A_707, %add3A_699, %dma_start3A_712] : memref<4x8192x1024xf32, #tpu.memory_space<hbm>> -> memref<1x32x1024xf32, #tpu.memory_space<hbm>>
    %dma_start3A_714 = tpu.memref_squeeze %dma_start3A_713 : memref<1x32x1024xf32, #tpu.memory_space<hbm>> -> memref<32x1024xf32, #tpu.memory_space<hbm>>
    %dma_start3A_715 = arith.constant 0 : i32
    %dma_start3A_716 = tpu.memref_slice %arg3[%dma_start3A_707, %add3A_699, %dma_start3A_715] : memref<4x8192x1024xf32, #tpu.memory_space<hbm>> -> memref<1x32x1024xf32, #tpu.memory_space<hbm>>
    %dma_start3A_717 = tpu.memref_squeeze %dma_start3A_716 : memref<1x32x1024xf32, #tpu.memory_space<hbm>> -> memref<32x1024xf32, #tpu.memory_space<hbm>>
    %dma_start3A_718 = arith.constant 0 : i32
    %dma_start3A_719 = arith.constant 0 : i32
    %dma_start3A_720 = tpu.memref_slice %arg4[%dma_start3A_706, %dma_start3A_718, %dma_start3A_719] : memref<2x32x1024xf32, #tpu.memory_space<vmem>> -> memref<1x32x1024xf32, #tpu.memory_space<vmem>>
    %dma_start3A_721 = tpu.memref_squeeze %dma_start3A_720 : memref<1x32x1024xf32, #tpu.memory_space<vmem>> -> memref<32x1024xf32, #tpu.memory_space<vmem>>
    tpu.enqueue_dma source(%dma_start3A_721 : memref<32x1024xf32, #tpu.memory_space<vmem>>) target(%dma_start3A_717 : memref<32x1024xf32, #tpu.memory_space<hbm>>) target_semaphore(%arg5 : memref<!tpu.dma_semaphore, #tpu.memory_space<semaphore_mem>>)
    %dma_start3A_722 = arith.constant 1 : i32
    %dma_start3A_723 = arith.constant 1 : i32
    %dma_start3A_724 = arith.constant 0 : i32
    %dma_start3A_725 = arith.constant 0 : i32
    %dma_start3A_726 = tpu.memref_slice %arg4[%dma_start3A_722, %dma_start3A_724, %dma_start3A_725] : memref<2x32x1024xf32, #tpu.memory_space<vmem>> -> memref<1x32x1024xf32, #tpu.memory_space<vmem>>
    %dma_start3A_727 = tpu.memref_squeeze %dma_start3A_726 : memref<1x32x1024xf32, #tpu.memory_space<vmem>> -> memref<32x1024xf32, #tpu.memory_space<vmem>>
    %dma_start3A_728 = arith.constant 0 : i32
    %dma_start3A_729 = tpu.memref_slice %arg3[%dma_start3A_723, %add3A_701, %dma_start3A_728] : memref<4x8192x1024xf32, #tpu.memory_space<hbm>> -> memref<1x32x1024xf32, #tpu.memory_space<hbm>>
    %dma_start3A_730 = tpu.memref_squeeze %dma_start3A_729 : memref<1x32x1024xf32, #tpu.memory_space<hbm>> -> memref<32x1024xf32, #tpu.memory_space<hbm>>
    %dma_start3A_731 = arith.constant 0 : i32
    %dma_start3A_732 = tpu.memref_slice %arg3[%dma_start3A_723, %add3A_701, %dma_start3A_731] : memref<4x8192x1024xf32, #tpu.memory_space<hbm>> -> memref<1x32x1024xf32, #tpu.memory_space<hbm>>
    %dma_start3A_733 = tpu.memref_squeeze %dma_start3A_732 : memref<1x32x1024xf32, #tpu.memory_space<hbm>> -> memref<32x1024xf32, #tpu.memory_space<hbm>>
    %dma_start3A_734 = arith.constant 0 : i32
    %dma_start3A_735 = arith.constant 0 : i32
    %dma_start3A_736 = tpu.memref_slice %arg4[%dma_start3A_722, %dma_start3A_734, %dma_start3A_735] : memref<2x32x1024xf32, #tpu.memory_space<vmem>> -> memref<1x32x1024xf32, #tpu.memory_space<vmem>>
    %dma_start3A_737 = tpu.memref_squeeze %dma_start3A_736 : memref<1x32x1024xf32, #tpu.memory_space<vmem>> -> memref<32x1024xf32, #tpu.memory_space<vmem>>
    tpu.enqueue_dma source(%dma_start3A_737 : memref<32x1024xf32, #tpu.memory_space<vmem>>) target(%dma_start3A_733 : memref<32x1024xf32, #tpu.memory_space<hbm>>) target_semaphore(%arg5 : memref<!tpu.dma_semaphore, #tpu.memory_space<semaphore_mem>>)
    %dma_start3A_738 = arith.constant 1 : i32
    %dma_start3A_739 = arith.constant 2 : i32
    %dma_start3A_740 = arith.constant 0 : i32
    %dma_start3A_741 = arith.constant 0 : i32
    %dma_start3A_742 = tpu.memref_slice %arg4[%dma_start3A_738, %dma_start3A_740, %dma_start3A_741] : memref<2x32x1024xf32, #tpu.memory_space<vmem>> -> memref<1x32x1024xf32, #tpu.memory_space<vmem>>
    %dma_start3A_743 = tpu.memref_squeeze %dma_start3A_742 : memref<1x32x1024xf32, #tpu.memory_space<vmem>> -> memref<32x1024xf32, #tpu.memory_space<vmem>>
    %dma_start3A_744 = arith.constant 0 : i32
    %dma_start3A_745 = tpu.memref_slice %arg3[%dma_start3A_739, %add3A_703, %dma_start3A_744] : memref<4x8192x1024xf32, #tpu.memory_space<hbm>> -> memref<1x32x1024xf32, #tpu.memory_space<hbm>>
    %dma_start3A_746 = tpu.memref_squeeze %dma_start3A_745 : memref<1x32x1024xf32, #tpu.memory_space<hbm>> -> memref<32x1024xf32, #tpu.memory_space<hbm>>
    %dma_start3A_747 = arith.constant 0 : i32
    %dma_start3A_748 = tpu.memref_slice %arg3[%dma_start3A_739, %add3A_703, %dma_start3A_747] : memref<4x8192x1024xf32, #tpu.memory_space<hbm>> -> memref<1x32x1024xf32, #tpu.memory_space<hbm>>
    %dma_start3A_749 = tpu.memref_squeeze %dma_start3A_748 : memref<1x32x1024xf32, #tpu.memory_space<hbm>> -> memref<32x1024xf32, #tpu.memory_space<hbm>>
    %dma_start3A_750 = arith.constant 0 : i32
    %dma_start3A_751 = arith.constant 0 : i32
    %dma_start3A_752 = tpu.memref_slice %arg4[%dma_start3A_738, %dma_start3A_750, %dma_start3A_751] : memref<2x32x1024xf32, #tpu.memory_space<vmem>> -> memref<1x32x1024xf32, #tpu.memory_space<vmem>>
    %dma_start3A_753 = tpu.memref_squeeze %dma_start3A_752 : memref<1x32x1024xf32, #tpu.memory_space<vmem>> -> memref<32x1024xf32, #tpu.memory_space<vmem>>
    tpu.enqueue_dma source(%dma_start3A_753 : memref<32x1024xf32, #tpu.memory_space<vmem>>) target(%dma_start3A_749 : memref<32x1024xf32, #tpu.memory_space<hbm>>) target_semaphore(%arg5 : memref<!tpu.dma_semaphore, #tpu.memory_space<semaphore_mem>>)
    %dma_start3A_754 = arith.constant 1 : i32
    %dma_start3A_755 = arith.constant 3 : i32
    %dma_start3A_756 = arith.constant 0 : i32
    %dma_start3A_757 = arith.constant 0 : i32
    %dma_start3A_758 = tpu.memref_slice %arg4[%dma_start3A_754, %dma_start3A_756, %dma_start3A_757] : memref<2x32x1024xf32, #tpu.memory_space<vmem>> -> memref<1x32x1024xf32, #tpu.memory_space<vmem>>
    %dma_start3A_759 = tpu.memref_squeeze %dma_start3A_758 : memref<1x32x1024xf32, #tpu.memory_space<vmem>> -> memref<32x1024xf32, #tpu.memory_space<vmem>>
    %dma_start3A_760 = arith.constant 0 : i32
    %dma_start3A_761 = tpu.memref_slice %arg3[%dma_start3A_755, %add3A_705, %dma_start3A_760] : memref<4x8192x1024xf32, #tpu.memory_space<hbm>> -> memref<1x32x1024xf32, #tpu.memory_space<hbm>>
    %dma_start3A_762 = tpu.memref_squeeze %dma_start3A_761 : memref<1x32x1024xf32, #tpu.memory_space<hbm>> -> memref<32x1024xf32, #tpu.memory_space<hbm>>
    %dma_start3A_763 = arith.constant 0 : i32
    %dma_start3A_764 = tpu.memref_slice %arg3[%dma_start3A_755, %add3A_705, %dma_start3A_763] : memref<4x8192x1024xf32, #tpu.memory_space<hbm>> -> memref<1x32x1024xf32, #tpu.memory_space<hbm>>
    %dma_start3A_765 = tpu.memref_squeeze %dma_start3A_764 : memref<1x32x1024xf32, #tpu.memory_space<hbm>> -> memref<32x1024xf32, #tpu.memory_space<hbm>>
    %dma_start3A_766 = arith.constant 0 : i32
    %dma_start3A_767 = arith.constant 0 : i32
    %dma_start3A_768 = tpu.memref_slice %arg4[%dma_start3A_754, %dma_start3A_766, %dma_start3A_767] : memref<2x32x1024xf32, #tpu.memory_space<vmem>> -> memref<1x32x1024xf32, #tpu.memory_space<vmem>>
    %dma_start3A_769 = tpu.memref_squeeze %dma_start3A_768 : memref<1x32x1024xf32, #tpu.memory_space<vmem>> -> memref<32x1024xf32, #tpu.memory_space<vmem>>
    tpu.enqueue_dma source(%dma_start3A_769 : memref<32x1024xf32, #tpu.memory_space<vmem>>) target(%dma_start3A_765 : memref<32x1024xf32, #tpu.memory_space<hbm>>) target_semaphore(%arg5 : memref<!tpu.dma_semaphore, #tpu.memory_space<semaphore_mem>>)
    %add3A_770 = arith.constant 192 : i32
    %add3A_771 = arith.addi %mul3A_2, %add3A_770 : i32
    %run_scoped3A_772 = arith.constant 0 : i32
    "tpu.region"() ({
      %run_scoped3A_1112 = tpu.sem_alloc : memref<!tpu.dma_semaphore, #tpu.memory_space<semaphore_mem>>
      %dma_start3A_1113 = arith.constant 0 : i32
      %dma_start3A_1114 = arith.constant 0 : i32
      %dma_start3A_1115 = tpu.memref_slice %arg4[%run_scoped3A_772, %dma_start3A_1113, %dma_start3A_1114] : memref<2x32x1024xf32, #tpu.memory_space<vmem>> -> memref<1x32x1024xf32, #tpu.memory_space<vmem>>
      %dma_start3A_1116 = tpu.memref_squeeze %dma_start3A_1115 : memref<1x32x1024xf32, #tpu.memory_space<vmem>> -> memref<32x1024xf32, #tpu.memory_space<vmem>>
      %dma_start3A_1117 = arith.constant 0 : i32
      %dma_start3A_1118 = tpu.memref_slice %arg2[%add3A_771, %dma_start3A_1117] : memref<8192x1024xf32, #tpu.memory_space<hbm>> -> memref<32x1024xf32, #tpu.memory_space<hbm>>
      %dma_start3A_1119 = arith.constant 0 : i32
      %dma_start3A_1120 = arith.constant 0 : i32
      %dma_start3A_1121 = tpu.memref_slice %arg4[%run_scoped3A_772, %dma_start3A_1119, %dma_start3A_1120] : memref<2x32x1024xf32, #tpu.memory_space<vmem>> -> memref<1x32x1024xf32, #tpu.memory_space<vmem>>
      %dma_start3A_1122 = tpu.memref_squeeze %dma_start3A_1121 : memref<1x32x1024xf32, #tpu.memory_space<vmem>> -> memref<32x1024xf32, #tpu.memory_space<vmem>>
      %dma_start3A_1123 = arith.constant 0 : i32
      %dma_start3A_1124 = tpu.memref_slice %arg2[%add3A_771, %dma_start3A_1123] : memref<8192x1024xf32, #tpu.memory_space<hbm>> -> memref<32x1024xf32, #tpu.memory_space<hbm>>
      tpu.enqueue_dma source(%dma_start3A_1124 : memref<32x1024xf32, #tpu.memory_space<hbm>>) target(%dma_start3A_1122 : memref<32x1024xf32, #tpu.memory_space<vmem>>) target_semaphore(%run_scoped3A_1112 : memref<!tpu.dma_semaphore, #tpu.memory_space<semaphore_mem>>)
      %dma_wait3A_1125 = arith.constant 0 : i32
      %dma_wait3A_1126 = arith.constant 0 : i32
      %dma_wait3A_1127 = tpu.memref_slice %arg4[%run_scoped3A_772, %dma_wait3A_1125, %dma_wait3A_1126] : memref<2x32x1024xf32, #tpu.memory_space<vmem>> -> memref<1x32x1024xf32, #tpu.memory_space<vmem>>
      %dma_wait3A_1128 = tpu.memref_squeeze %dma_wait3A_1127 : memref<1x32x1024xf32, #tpu.memory_space<vmem>> -> memref<32x1024xf32, #tpu.memory_space<vmem>>
      %dma_wait3A_1129 = arith.constant 0 : i32
      %dma_wait3A_1130 = tpu.memref_slice %arg2[%add3A_771, %dma_wait3A_1129] : memref<8192x1024xf32, #tpu.memory_space<hbm>> -> memref<32x1024xf32, #tpu.memory_space<hbm>>
      %dma_wait3A_1131 = arith.constant 0 : i32
      %dma_wait3A_1132 = arith.constant 0 : i32
      %dma_wait3A_1133 = tpu.memref_slice %arg4[%run_scoped3A_772, %dma_wait3A_1131, %dma_wait3A_1132] : memref<2x32x1024xf32, #tpu.memory_space<vmem>> -> memref<1x32x1024xf32, #tpu.memory_space<vmem>>
      %dma_wait3A_1134 = tpu.memref_squeeze %dma_wait3A_1133 : memref<1x32x1024xf32, #tpu.memory_space<vmem>> -> memref<32x1024xf32, #tpu.memory_space<vmem>>
      %dma_wait3A_1135 = arith.constant 0 : i32
      %dma_wait3A_1136 = tpu.memref_slice %arg2[%add3A_771, %dma_wait3A_1135] : memref<8192x1024xf32, #tpu.memory_space<hbm>> -> memref<32x1024xf32, #tpu.memory_space<hbm>>
      tpu.wait_dma2 semaphore(%run_scoped3A_1112 : memref<!tpu.dma_semaphore, #tpu.memory_space<semaphore_mem>>) src(%dma_wait3A_1136 : memref<32x1024xf32, #tpu.memory_space<hbm>>) dst(%dma_wait3A_1134 : memref<32x1024xf32, #tpu.memory_space<vmem>>)
      tpu.yield
    }) : () -> ()
    %dma_wait3A_773 = arith.constant 1 : i32
    %dma_wait3A_774 = arith.constant 0 : i32
    %dma_wait3A_775 = arith.constant 0 : i32
    %dma_wait3A_776 = arith.constant 0 : i32
    %dma_wait3A_777 = tpu.memref_slice %arg4[%dma_wait3A_773, %dma_wait3A_775, %dma_wait3A_776] : memref<2x32x1024xf32, #tpu.memory_space<vmem>> -> memref<1x32x1024xf32, #tpu.memory_space<vmem>>
    %dma_wait3A_778 = tpu.memref_squeeze %dma_wait3A_777 : memref<1x32x1024xf32, #tpu.memory_space<vmem>> -> memref<32x1024xf32, #tpu.memory_space<vmem>>
    %dma_wait3A_779 = arith.constant 0 : i32
    %dma_wait3A_780 = tpu.memref_slice %arg3[%dma_wait3A_774, %add3A_699, %dma_wait3A_779] : memref<4x8192x1024xf32, #tpu.memory_space<hbm>> -> memref<1x32x1024xf32, #tpu.memory_space<hbm>>
    %dma_wait3A_781 = tpu.memref_squeeze %dma_wait3A_780 : memref<1x32x1024xf32, #tpu.memory_space<hbm>> -> memref<32x1024xf32, #tpu.memory_space<hbm>>
    %dma_wait3A_782 = arith.constant 0 : i32
    %dma_wait3A_783 = tpu.memref_slice %arg3[%dma_wait3A_774, %add3A_699, %dma_wait3A_782] : memref<4x8192x1024xf32, #tpu.memory_space<hbm>> -> memref<1x32x1024xf32, #tpu.memory_space<hbm>>
    %dma_wait3A_784 = tpu.memref_squeeze %dma_wait3A_783 : memref<1x32x1024xf32, #tpu.memory_space<hbm>> -> memref<32x1024xf32, #tpu.memory_space<hbm>>
    %dma_wait3A_785 = arith.constant 0 : i32
    %dma_wait3A_786 = arith.constant 0 : i32
    %dma_wait3A_787 = tpu.memref_slice %arg4[%dma_wait3A_773, %dma_wait3A_785, %dma_wait3A_786] : memref<2x32x1024xf32, #tpu.memory_space<vmem>> -> memref<1x32x1024xf32, #tpu.memory_space<vmem>>
    %dma_wait3A_788 = tpu.memref_squeeze %dma_wait3A_787 : memref<1x32x1024xf32, #tpu.memory_space<vmem>> -> memref<32x1024xf32, #tpu.memory_space<vmem>>
    tpu.wait_dma2 semaphore(%arg5 : memref<!tpu.dma_semaphore, #tpu.memory_space<semaphore_mem>>) src(%dma_wait3A_788 : memref<32x1024xf32, #tpu.memory_space<vmem>>) dst(%dma_wait3A_784 : memref<32x1024xf32, #tpu.memory_space<hbm>>)
    %dma_wait3A_789 = arith.constant 1 : i32
    %dma_wait3A_790 = arith.constant 1 : i32
    %dma_wait3A_791 = arith.constant 0 : i32
    %dma_wait3A_792 = arith.constant 0 : i32
    %dma_wait3A_793 = tpu.memref_slice %arg4[%dma_wait3A_789, %dma_wait3A_791, %dma_wait3A_792] : memref<2x32x1024xf32, #tpu.memory_space<vmem>> -> memref<1x32x1024xf32, #tpu.memory_space<vmem>>
    %dma_wait3A_794 = tpu.memref_squeeze %dma_wait3A_793 : memref<1x32x1024xf32, #tpu.memory_space<vmem>> -> memref<32x1024xf32, #tpu.memory_space<vmem>>
    %dma_wait3A_795 = arith.constant 0 : i32
    %dma_wait3A_796 = tpu.memref_slice %arg3[%dma_wait3A_790, %add3A_701, %dma_wait3A_795] : memref<4x8192x1024xf32, #tpu.memory_space<hbm>> -> memref<1x32x1024xf32, #tpu.memory_space<hbm>>
    %dma_wait3A_797 = tpu.memref_squeeze %dma_wait3A_796 : memref<1x32x1024xf32, #tpu.memory_space<hbm>> -> memref<32x1024xf32, #tpu.memory_space<hbm>>
    %dma_wait3A_798 = arith.constant 0 : i32
    %dma_wait3A_799 = tpu.memref_slice %arg3[%dma_wait3A_790, %add3A_701, %dma_wait3A_798] : memref<4x8192x1024xf32, #tpu.memory_space<hbm>> -> memref<1x32x1024xf32, #tpu.memory_space<hbm>>
    %dma_wait3A_800 = tpu.memref_squeeze %dma_wait3A_799 : memref<1x32x1024xf32, #tpu.memory_space<hbm>> -> memref<32x1024xf32, #tpu.memory_space<hbm>>
    %dma_wait3A_801 = arith.constant 0 : i32
    %dma_wait3A_802 = arith.constant 0 : i32
    %dma_wait3A_803 = tpu.memref_slice %arg4[%dma_wait3A_789, %dma_wait3A_801, %dma_wait3A_802] : memref<2x32x1024xf32, #tpu.memory_space<vmem>> -> memref<1x32x1024xf32, #tpu.memory_space<vmem>>
    %dma_wait3A_804 = tpu.memref_squeeze %dma_wait3A_803 : memref<1x32x1024xf32, #tpu.memory_space<vmem>> -> memref<32x1024xf32, #tpu.memory_space<vmem>>
    tpu.wait_dma2 semaphore(%arg5 : memref<!tpu.dma_semaphore, #tpu.memory_space<semaphore_mem>>) src(%dma_wait3A_804 : memref<32x1024xf32, #tpu.memory_space<vmem>>) dst(%dma_wait3A_800 : memref<32x1024xf32, #tpu.memory_space<hbm>>)
    %dma_wait3A_805 = arith.constant 1 : i32
    %dma_wait3A_806 = arith.constant 2 : i32
    %dma_wait3A_807 = arith.constant 0 : i32
    %dma_wait3A_808 = arith.constant 0 : i32
    %dma_wait3A_809 = tpu.memref_slice %arg4[%dma_wait3A_805, %dma_wait3A_807, %dma_wait3A_808] : memref<2x32x1024xf32, #tpu.memory_space<vmem>> -> memref<1x32x1024xf32, #tpu.memory_space<vmem>>
    %dma_wait3A_810 = tpu.memref_squeeze %dma_wait3A_809 : memref<1x32x1024xf32, #tpu.memory_space<vmem>> -> memref<32x1024xf32, #tpu.memory_space<vmem>>
    %dma_wait3A_811 = arith.constant 0 : i32
    %dma_wait3A_812 = tpu.memref_slice %arg3[%dma_wait3A_806, %add3A_703, %dma_wait3A_811] : memref<4x8192x1024xf32, #tpu.memory_space<hbm>> -> memref<1x32x1024xf32, #tpu.memory_space<hbm>>
    %dma_wait3A_813 = tpu.memref_squeeze %dma_wait3A_812 : memref<1x32x1024xf32, #tpu.memory_space<hbm>> -> memref<32x1024xf32, #tpu.memory_space<hbm>>
    %dma_wait3A_814 = arith.constant 0 : i32
    %dma_wait3A_815 = tpu.memref_slice %arg3[%dma_wait3A_806, %add3A_703, %dma_wait3A_814] : memref<4x8192x1024xf32, #tpu.memory_space<hbm>> -> memref<1x32x1024xf32, #tpu.memory_space<hbm>>
    %dma_wait3A_816 = tpu.memref_squeeze %dma_wait3A_815 : memref<1x32x1024xf32, #tpu.memory_space<hbm>> -> memref<32x1024xf32, #tpu.memory_space<hbm>>
    %dma_wait3A_817 = arith.constant 0 : i32
    %dma_wait3A_818 = arith.constant 0 : i32
    %dma_wait3A_819 = tpu.memref_slice %arg4[%dma_wait3A_805, %dma_wait3A_817, %dma_wait3A_818] : memref<2x32x1024xf32, #tpu.memory_space<vmem>> -> memref<1x32x1024xf32, #tpu.memory_space<vmem>>
    %dma_wait3A_820 = tpu.memref_squeeze %dma_wait3A_819 : memref<1x32x1024xf32, #tpu.memory_space<vmem>> -> memref<32x1024xf32, #tpu.memory_space<vmem>>
    tpu.wait_dma2 semaphore(%arg5 : memref<!tpu.dma_semaphore, #tpu.memory_space<semaphore_mem>>) src(%dma_wait3A_820 : memref<32x1024xf32, #tpu.memory_space<vmem>>) dst(%dma_wait3A_816 : memref<32x1024xf32, #tpu.memory_space<hbm>>)
    %dma_wait3A_821 = arith.constant 1 : i32
    %dma_wait3A_822 = arith.constant 3 : i32
    %dma_wait3A_823 = arith.constant 0 : i32
    %dma_wait3A_824 = arith.constant 0 : i32
    %dma_wait3A_825 = tpu.memref_slice %arg4[%dma_wait3A_821, %dma_wait3A_823, %dma_wait3A_824] : memref<2x32x1024xf32, #tpu.memory_space<vmem>> -> memref<1x32x1024xf32, #tpu.memory_space<vmem>>
    %dma_wait3A_826 = tpu.memref_squeeze %dma_wait3A_825 : memref<1x32x1024xf32, #tpu.memory_space<vmem>> -> memref<32x1024xf32, #tpu.memory_space<vmem>>
    %dma_wait3A_827 = arith.constant 0 : i32
    %dma_wait3A_828 = tpu.memref_slice %arg3[%dma_wait3A_822, %add3A_705, %dma_wait3A_827] : memref<4x8192x1024xf32, #tpu.memory_space<hbm>> -> memref<1x32x1024xf32, #tpu.memory_space<hbm>>
    %dma_wait3A_829 = tpu.memref_squeeze %dma_wait3A_828 : memref<1x32x1024xf32, #tpu.memory_space<hbm>> -> memref<32x1024xf32, #tpu.memory_space<hbm>>
    %dma_wait3A_830 = arith.constant 0 : i32
    %dma_wait3A_831 = tpu.memref_slice %arg3[%dma_wait3A_822, %add3A_705, %dma_wait3A_830] : memref<4x8192x1024xf32, #tpu.memory_space<hbm>> -> memref<1x32x1024xf32, #tpu.memory_space<hbm>>
    %dma_wait3A_832 = tpu.memref_squeeze %dma_wait3A_831 : memref<1x32x1024xf32, #tpu.memory_space<hbm>> -> memref<32x1024xf32, #tpu.memory_space<hbm>>
    %dma_wait3A_833 = arith.constant 0 : i32
    %dma_wait3A_834 = arith.constant 0 : i32
    %dma_wait3A_835 = tpu.memref_slice %arg4[%dma_wait3A_821, %dma_wait3A_833, %dma_wait3A_834] : memref<2x32x1024xf32, #tpu.memory_space<vmem>> -> memref<1x32x1024xf32, #tpu.memory_space<vmem>>
    %dma_wait3A_836 = tpu.memref_squeeze %dma_wait3A_835 : memref<1x32x1024xf32, #tpu.memory_space<vmem>> -> memref<32x1024xf32, #tpu.memory_space<vmem>>
    tpu.wait_dma2 semaphore(%arg5 : memref<!tpu.dma_semaphore, #tpu.memory_space<semaphore_mem>>) src(%dma_wait3A_836 : memref<32x1024xf32, #tpu.memory_space<vmem>>) dst(%dma_wait3A_832 : memref<32x1024xf32, #tpu.memory_space<hbm>>)
    %add3A_837 = arith.constant 192 : i32
    %add3A_838 = arith.addi %mul3A_2, %add3A_837 : i32
    %add3A_839 = arith.constant 192 : i32
    %add3A_840 = arith.addi %mul3A_2, %add3A_839 : i32
    %add3A_841 = arith.constant 192 : i32
    %add3A_842 = arith.addi %mul3A_2, %add3A_841 : i32
    %add3A_843 = arith.constant 192 : i32
    %add3A_844 = arith.addi %mul3A_2, %add3A_843 : i32
    %dma_start3A_845 = arith.constant 0 : i32
    %dma_start3A_846 = arith.constant 0 : i32
    %dma_start3A_847 = arith.constant 0 : i32
    %dma_start3A_848 = arith.constant 0 : i32
    %dma_start3A_849 = tpu.memref_slice %arg4[%dma_start3A_845, %dma_start3A_847, %dma_start3A_848] : memref<2x32x1024xf32, #tpu.memory_space<vmem>> -> memref<1x32x1024xf32, #tpu.memory_space<vmem>>
    %dma_start3A_850 = tpu.memref_squeeze %dma_start3A_849 : memref<1x32x1024xf32, #tpu.memory_space<vmem>> -> memref<32x1024xf32, #tpu.memory_space<vmem>>
    %dma_start3A_851 = arith.constant 0 : i32
    %dma_start3A_852 = tpu.memref_slice %arg3[%dma_start3A_846, %add3A_838, %dma_start3A_851] : memref<4x8192x1024xf32, #tpu.memory_space<hbm>> -> memref<1x32x1024xf32, #tpu.memory_space<hbm>>
    %dma_start3A_853 = tpu.memref_squeeze %dma_start3A_852 : memref<1x32x1024xf32, #tpu.memory_space<hbm>> -> memref<32x1024xf32, #tpu.memory_space<hbm>>
    %dma_start3A_854 = arith.constant 0 : i32
    %dma_start3A_855 = tpu.memref_slice %arg3[%dma_start3A_846, %add3A_838, %dma_start3A_854] : memref<4x8192x1024xf32, #tpu.memory_space<hbm>> -> memref<1x32x1024xf32, #tpu.memory_space<hbm>>
    %dma_start3A_856 = tpu.memref_squeeze %dma_start3A_855 : memref<1x32x1024xf32, #tpu.memory_space<hbm>> -> memref<32x1024xf32, #tpu.memory_space<hbm>>
    %dma_start3A_857 = arith.constant 0 : i32
    %dma_start3A_858 = arith.constant 0 : i32
    %dma_start3A_859 = tpu.memref_slice %arg4[%dma_start3A_845, %dma_start3A_857, %dma_start3A_858] : memref<2x32x1024xf32, #tpu.memory_space<vmem>> -> memref<1x32x1024xf32, #tpu.memory_space<vmem>>
    %dma_start3A_860 = tpu.memref_squeeze %dma_start3A_859 : memref<1x32x1024xf32, #tpu.memory_space<vmem>> -> memref<32x1024xf32, #tpu.memory_space<vmem>>
    tpu.enqueue_dma source(%dma_start3A_860 : memref<32x1024xf32, #tpu.memory_space<vmem>>) target(%dma_start3A_856 : memref<32x1024xf32, #tpu.memory_space<hbm>>) target_semaphore(%arg5 : memref<!tpu.dma_semaphore, #tpu.memory_space<semaphore_mem>>)
    %dma_start3A_861 = arith.constant 0 : i32
    %dma_start3A_862 = arith.constant 1 : i32
    %dma_start3A_863 = arith.constant 0 : i32
    %dma_start3A_864 = arith.constant 0 : i32
    %dma_start3A_865 = tpu.memref_slice %arg4[%dma_start3A_861, %dma_start3A_863, %dma_start3A_864] : memref<2x32x1024xf32, #tpu.memory_space<vmem>> -> memref<1x32x1024xf32, #tpu.memory_space<vmem>>
    %dma_start3A_866 = tpu.memref_squeeze %dma_start3A_865 : memref<1x32x1024xf32, #tpu.memory_space<vmem>> -> memref<32x1024xf32, #tpu.memory_space<vmem>>
    %dma_start3A_867 = arith.constant 0 : i32
    %dma_start3A_868 = tpu.memref_slice %arg3[%dma_start3A_862, %add3A_840, %dma_start3A_867] : memref<4x8192x1024xf32, #tpu.memory_space<hbm>> -> memref<1x32x1024xf32, #tpu.memory_space<hbm>>
    %dma_start3A_869 = tpu.memref_squeeze %dma_start3A_868 : memref<1x32x1024xf32, #tpu.memory_space<hbm>> -> memref<32x1024xf32, #tpu.memory_space<hbm>>
    %dma_start3A_870 = arith.constant 0 : i32
    %dma_start3A_871 = tpu.memref_slice %arg3[%dma_start3A_862, %add3A_840, %dma_start3A_870] : memref<4x8192x1024xf32, #tpu.memory_space<hbm>> -> memref<1x32x1024xf32, #tpu.memory_space<hbm>>
    %dma_start3A_872 = tpu.memref_squeeze %dma_start3A_871 : memref<1x32x1024xf32, #tpu.memory_space<hbm>> -> memref<32x1024xf32, #tpu.memory_space<hbm>>
    %dma_start3A_873 = arith.constant 0 : i32
    %dma_start3A_874 = arith.constant 0 : i32
    %dma_start3A_875 = tpu.memref_slice %arg4[%dma_start3A_861, %dma_start3A_873, %dma_start3A_874] : memref<2x32x1024xf32, #tpu.memory_space<vmem>> -> memref<1x32x1024xf32, #tpu.memory_space<vmem>>
    %dma_start3A_876 = tpu.memref_squeeze %dma_start3A_875 : memref<1x32x1024xf32, #tpu.memory_space<vmem>> -> memref<32x1024xf32, #tpu.memory_space<vmem>>
    tpu.enqueue_dma source(%dma_start3A_876 : memref<32x1024xf32, #tpu.memory_space<vmem>>) target(%dma_start3A_872 : memref<32x1024xf32, #tpu.memory_space<hbm>>) target_semaphore(%arg5 : memref<!tpu.dma_semaphore, #tpu.memory_space<semaphore_mem>>)
    %dma_start3A_877 = arith.constant 0 : i32
    %dma_start3A_878 = arith.constant 2 : i32
    %dma_start3A_879 = arith.constant 0 : i32
    %dma_start3A_880 = arith.constant 0 : i32
    %dma_start3A_881 = tpu.memref_slice %arg4[%dma_start3A_877, %dma_start3A_879, %dma_start3A_880] : memref<2x32x1024xf32, #tpu.memory_space<vmem>> -> memref<1x32x1024xf32, #tpu.memory_space<vmem>>
    %dma_start3A_882 = tpu.memref_squeeze %dma_start3A_881 : memref<1x32x1024xf32, #tpu.memory_space<vmem>> -> memref<32x1024xf32, #tpu.memory_space<vmem>>
    %dma_start3A_883 = arith.constant 0 : i32
    %dma_start3A_884 = tpu.memref_slice %arg3[%dma_start3A_878, %add3A_842, %dma_start3A_883] : memref<4x8192x1024xf32, #tpu.memory_space<hbm>> -> memref<1x32x1024xf32, #tpu.memory_space<hbm>>
    %dma_start3A_885 = tpu.memref_squeeze %dma_start3A_884 : memref<1x32x1024xf32, #tpu.memory_space<hbm>> -> memref<32x1024xf32, #tpu.memory_space<hbm>>
    %dma_start3A_886 = arith.constant 0 : i32
    %dma_start3A_887 = tpu.memref_slice %arg3[%dma_start3A_878, %add3A_842, %dma_start3A_886] : memref<4x8192x1024xf32, #tpu.memory_space<hbm>> -> memref<1x32x1024xf32, #tpu.memory_space<hbm>>
    %dma_start3A_888 = tpu.memref_squeeze %dma_start3A_887 : memref<1x32x1024xf32, #tpu.memory_space<hbm>> -> memref<32x1024xf32, #tpu.memory_space<hbm>>
    %dma_start3A_889 = arith.constant 0 : i32
    %dma_start3A_890 = arith.constant 0 : i32
    %dma_start3A_891 = tpu.memref_slice %arg4[%dma_start3A_877, %dma_start3A_889, %dma_start3A_890] : memref<2x32x1024xf32, #tpu.memory_space<vmem>> -> memref<1x32x1024xf32, #tpu.memory_space<vmem>>
    %dma_start3A_892 = tpu.memref_squeeze %dma_start3A_891 : memref<1x32x1024xf32, #tpu.memory_space<vmem>> -> memref<32x1024xf32, #tpu.memory_space<vmem>>
    tpu.enqueue_dma source(%dma_start3A_892 : memref<32x1024xf32, #tpu.memory_space<vmem>>) target(%dma_start3A_888 : memref<32x1024xf32, #tpu.memory_space<hbm>>) target_semaphore(%arg5 : memref<!tpu.dma_semaphore, #tpu.memory_space<semaphore_mem>>)
    %dma_start3A_893 = arith.constant 0 : i32
    %dma_start3A_894 = arith.constant 3 : i32
    %dma_start3A_895 = arith.constant 0 : i32
    %dma_start3A_896 = arith.constant 0 : i32
    %dma_start3A_897 = tpu.memref_slice %arg4[%dma_start3A_893, %dma_start3A_895, %dma_start3A_896] : memref<2x32x1024xf32, #tpu.memory_space<vmem>> -> memref<1x32x1024xf32, #tpu.memory_space<vmem>>
    %dma_start3A_898 = tpu.memref_squeeze %dma_start3A_897 : memref<1x32x1024xf32, #tpu.memory_space<vmem>> -> memref<32x1024xf32, #tpu.memory_space<vmem>>
    %dma_start3A_899 = arith.constant 0 : i32
    %dma_start3A_900 = tpu.memref_slice %arg3[%dma_start3A_894, %add3A_844, %dma_start3A_899] : memref<4x8192x1024xf32, #tpu.memory_space<hbm>> -> memref<1x32x1024xf32, #tpu.memory_space<hbm>>
    %dma_start3A_901 = tpu.memref_squeeze %dma_start3A_900 : memref<1x32x1024xf32, #tpu.memory_space<hbm>> -> memref<32x1024xf32, #tpu.memory_space<hbm>>
    %dma_start3A_902 = arith.constant 0 : i32
    %dma_start3A_903 = tpu.memref_slice %arg3[%dma_start3A_894, %add3A_844, %dma_start3A_902] : memref<4x8192x1024xf32, #tpu.memory_space<hbm>> -> memref<1x32x1024xf32, #tpu.memory_space<hbm>>
    %dma_start3A_904 = tpu.memref_squeeze %dma_start3A_903 : memref<1x32x1024xf32, #tpu.memory_space<hbm>> -> memref<32x1024xf32, #tpu.memory_space<hbm>>
    %dma_start3A_905 = arith.constant 0 : i32
    %dma_start3A_906 = arith.constant 0 : i32
    %dma_start3A_907 = tpu.memref_slice %arg4[%dma_start3A_893, %dma_start3A_905, %dma_start3A_906] : memref<2x32x1024xf32, #tpu.memory_space<vmem>> -> memref<1x32x1024xf32, #tpu.memory_space<vmem>>
    %dma_start3A_908 = tpu.memref_squeeze %dma_start3A_907 : memref<1x32x1024xf32, #tpu.memory_space<vmem>> -> memref<32x1024xf32, #tpu.memory_space<vmem>>
    tpu.enqueue_dma source(%dma_start3A_908 : memref<32x1024xf32, #tpu.memory_space<vmem>>) target(%dma_start3A_904 : memref<32x1024xf32, #tpu.memory_space<hbm>>) target_semaphore(%arg5 : memref<!tpu.dma_semaphore, #tpu.memory_space<semaphore_mem>>)
    %add3A_909 = arith.constant 224 : i32
    %add3A_910 = arith.addi %mul3A_2, %add3A_909 : i32
    %run_scoped3A_911 = arith.constant 1 : i32
    "tpu.region"() ({
      %run_scoped3A_1112 = tpu.sem_alloc : memref<!tpu.dma_semaphore, #tpu.memory_space<semaphore_mem>>
      %dma_start3A_1113 = arith.constant 0 : i32
      %dma_start3A_1114 = arith.constant 0 : i32
      %dma_start3A_1115 = tpu.memref_slice %arg4[%run_scoped3A_911, %dma_start3A_1113, %dma_start3A_1114] : memref<2x32x1024xf32, #tpu.memory_space<vmem>> -> memref<1x32x1024xf32, #tpu.memory_space<vmem>>
      %dma_start3A_1116 = tpu.memref_squeeze %dma_start3A_1115 : memref<1x32x1024xf32, #tpu.memory_space<vmem>> -> memref<32x1024xf32, #tpu.memory_space<vmem>>
      %dma_start3A_1117 = arith.constant 0 : i32
      %dma_start3A_1118 = tpu.memref_slice %arg2[%add3A_910, %dma_start3A_1117] : memref<8192x1024xf32, #tpu.memory_space<hbm>> -> memref<32x1024xf32, #tpu.memory_space<hbm>>
      %dma_start3A_1119 = arith.constant 0 : i32
      %dma_start3A_1120 = arith.constant 0 : i32
      %dma_start3A_1121 = tpu.memref_slice %arg4[%run_scoped3A_911, %dma_start3A_1119, %dma_start3A_1120] : memref<2x32x1024xf32, #tpu.memory_space<vmem>> -> memref<1x32x1024xf32, #tpu.memory_space<vmem>>
      %dma_start3A_1122 = tpu.memref_squeeze %dma_start3A_1121 : memref<1x32x1024xf32, #tpu.memory_space<vmem>> -> memref<32x1024xf32, #tpu.memory_space<vmem>>
      %dma_start3A_1123 = arith.constant 0 : i32
      %dma_start3A_1124 = tpu.memref_slice %arg2[%add3A_910, %dma_start3A_1123] : memref<8192x1024xf32, #tpu.memory_space<hbm>> -> memref<32x1024xf32, #tpu.memory_space<hbm>>
      tpu.enqueue_dma source(%dma_start3A_1124 : memref<32x1024xf32, #tpu.memory_space<hbm>>) target(%dma_start3A_1122 : memref<32x1024xf32, #tpu.memory_space<vmem>>) target_semaphore(%run_scoped3A_1112 : memref<!tpu.dma_semaphore, #tpu.memory_space<semaphore_mem>>)
      %dma_wait3A_1125 = arith.constant 0 : i32
      %dma_wait3A_1126 = arith.constant 0 : i32
      %dma_wait3A_1127 = tpu.memref_slice %arg4[%run_scoped3A_911, %dma_wait3A_1125, %dma_wait3A_1126] : memref<2x32x1024xf32, #tpu.memory_space<vmem>> -> memref<1x32x1024xf32, #tpu.memory_space<vmem>>
      %dma_wait3A_1128 = tpu.memref_squeeze %dma_wait3A_1127 : memref<1x32x1024xf32, #tpu.memory_space<vmem>> -> memref<32x1024xf32, #tpu.memory_space<vmem>>
      %dma_wait3A_1129 = arith.constant 0 : i32
      %dma_wait3A_1130 = tpu.memref_slice %arg2[%add3A_910, %dma_wait3A_1129] : memref<8192x1024xf32, #tpu.memory_space<hbm>> -> memref<32x1024xf32, #tpu.memory_space<hbm>>
      %dma_wait3A_1131 = arith.constant 0 : i32
      %dma_wait3A_1132 = arith.constant 0 : i32
      %dma_wait3A_1133 = tpu.memref_slice %arg4[%run_scoped3A_911, %dma_wait3A_1131, %dma_wait3A_1132] : memref<2x32x1024xf32, #tpu.memory_space<vmem>> -> memref<1x32x1024xf32, #tpu.memory_space<vmem>>
      %dma_wait3A_1134 = tpu.memref_squeeze %dma_wait3A_1133 : memref<1x32x1024xf32, #tpu.memory_space<vmem>> -> memref<32x1024xf32, #tpu.memory_space<vmem>>
      %dma_wait3A_1135 = arith.constant 0 : i32
      %dma_wait3A_1136 = tpu.memref_slice %arg2[%add3A_910, %dma_wait3A_1135] : memref<8192x1024xf32, #tpu.memory_space<hbm>> -> memref<32x1024xf32, #tpu.memory_space<hbm>>
      tpu.wait_dma2 semaphore(%run_scoped3A_1112 : memref<!tpu.dma_semaphore, #tpu.memory_space<semaphore_mem>>) src(%dma_wait3A_1136 : memref<32x1024xf32, #tpu.memory_space<hbm>>) dst(%dma_wait3A_1134 : memref<32x1024xf32, #tpu.memory_space<vmem>>)
      tpu.yield
    }) : () -> ()
    %dma_wait3A_912 = arith.constant 0 : i32
    %dma_wait3A_913 = arith.constant 0 : i32
    %dma_wait3A_914 = arith.constant 0 : i32
    %dma_wait3A_915 = arith.constant 0 : i32
    %dma_wait3A_916 = tpu.memref_slice %arg4[%dma_wait3A_912, %dma_wait3A_914, %dma_wait3A_915] : memref<2x32x1024xf32, #tpu.memory_space<vmem>> -> memref<1x32x1024xf32, #tpu.memory_space<vmem>>
    %dma_wait3A_917 = tpu.memref_squeeze %dma_wait3A_916 : memref<1x32x1024xf32, #tpu.memory_space<vmem>> -> memref<32x1024xf32, #tpu.memory_space<vmem>>
    %dma_wait3A_918 = arith.constant 0 : i32
    %dma_wait3A_919 = tpu.memref_slice %arg3[%dma_wait3A_913, %add3A_838, %dma_wait3A_918] : memref<4x8192x1024xf32, #tpu.memory_space<hbm>> -> memref<1x32x1024xf32, #tpu.memory_space<hbm>>
    %dma_wait3A_920 = tpu.memref_squeeze %dma_wait3A_919 : memref<1x32x1024xf32, #tpu.memory_space<hbm>> -> memref<32x1024xf32, #tpu.memory_space<hbm>>
    %dma_wait3A_921 = arith.constant 0 : i32
    %dma_wait3A_922 = tpu.memref_slice %arg3[%dma_wait3A_913, %add3A_838, %dma_wait3A_921] : memref<4x8192x1024xf32, #tpu.memory_space<hbm>> -> memref<1x32x1024xf32, #tpu.memory_space<hbm>>
    %dma_wait3A_923 = tpu.memref_squeeze %dma_wait3A_922 : memref<1x32x1024xf32, #tpu.memory_space<hbm>> -> memref<32x1024xf32, #tpu.memory_space<hbm>>
    %dma_wait3A_924 = arith.constant 0 : i32
    %dma_wait3A_925 = arith.constant 0 : i32
    %dma_wait3A_926 = tpu.memref_slice %arg4[%dma_wait3A_912, %dma_wait3A_924, %dma_wait3A_925] : memref<2x32x1024xf32, #tpu.memory_space<vmem>> -> memref<1x32x1024xf32, #tpu.memory_space<vmem>>
    %dma_wait3A_927 = tpu.memref_squeeze %dma_wait3A_926 : memref<1x32x1024xf32, #tpu.memory_space<vmem>> -> memref<32x1024xf32, #tpu.memory_space<vmem>>
    tpu.wait_dma2 semaphore(%arg5 : memref<!tpu.dma_semaphore, #tpu.memory_space<semaphore_mem>>) src(%dma_wait3A_927 : memref<32x1024xf32, #tpu.memory_space<vmem>>) dst(%dma_wait3A_923 : memref<32x1024xf32, #tpu.memory_space<hbm>>)
    %dma_wait3A_928 = arith.constant 0 : i32
    %dma_wait3A_929 = arith.constant 1 : i32
    %dma_wait3A_930 = arith.constant 0 : i32
    %dma_wait3A_931 = arith.constant 0 : i32
    %dma_wait3A_932 = tpu.memref_slice %arg4[%dma_wait3A_928, %dma_wait3A_930, %dma_wait3A_931] : memref<2x32x1024xf32, #tpu.memory_space<vmem>> -> memref<1x32x1024xf32, #tpu.memory_space<vmem>>
    %dma_wait3A_933 = tpu.memref_squeeze %dma_wait3A_932 : memref<1x32x1024xf32, #tpu.memory_space<vmem>> -> memref<32x1024xf32, #tpu.memory_space<vmem>>
    %dma_wait3A_934 = arith.constant 0 : i32
    %dma_wait3A_935 = tpu.memref_slice %arg3[%dma_wait3A_929, %add3A_840, %dma_wait3A_934] : memref<4x8192x1024xf32, #tpu.memory_space<hbm>> -> memref<1x32x1024xf32, #tpu.memory_space<hbm>>
    %dma_wait3A_936 = tpu.memref_squeeze %dma_wait3A_935 : memref<1x32x1024xf32, #tpu.memory_space<hbm>> -> memref<32x1024xf32, #tpu.memory_space<hbm>>
    %dma_wait3A_937 = arith.constant 0 : i32
    %dma_wait3A_938 = tpu.memref_slice %arg3[%dma_wait3A_929, %add3A_840, %dma_wait3A_937] : memref<4x8192x1024xf32, #tpu.memory_space<hbm>> -> memref<1x32x1024xf32, #tpu.memory_space<hbm>>
    %dma_wait3A_939 = tpu.memref_squeeze %dma_wait3A_938 : memref<1x32x1024xf32, #tpu.memory_space<hbm>> -> memref<32x1024xf32, #tpu.memory_space<hbm>>
    %dma_wait3A_940 = arith.constant 0 : i32
    %dma_wait3A_941 = arith.constant 0 : i32
    %dma_wait3A_942 = tpu.memref_slice %arg4[%dma_wait3A_928, %dma_wait3A_940, %dma_wait3A_941] : memref<2x32x1024xf32, #tpu.memory_space<vmem>> -> memref<1x32x1024xf32, #tpu.memory_space<vmem>>
    %dma_wait3A_943 = tpu.memref_squeeze %dma_wait3A_942 : memref<1x32x1024xf32, #tpu.memory_space<vmem>> -> memref<32x1024xf32, #tpu.memory_space<vmem>>
    tpu.wait_dma2 semaphore(%arg5 : memref<!tpu.dma_semaphore, #tpu.memory_space<semaphore_mem>>) src(%dma_wait3A_943 : memref<32x1024xf32, #tpu.memory_space<vmem>>) dst(%dma_wait3A_939 : memref<32x1024xf32, #tpu.memory_space<hbm>>)
    %dma_wait3A_944 = arith.constant 0 : i32
    %dma_wait3A_945 = arith.constant 2 : i32
    %dma_wait3A_946 = arith.constant 0 : i32
    %dma_wait3A_947 = arith.constant 0 : i32
    %dma_wait3A_948 = tpu.memref_slice %arg4[%dma_wait3A_944, %dma_wait3A_946, %dma_wait3A_947] : memref<2x32x1024xf32, #tpu.memory_space<vmem>> -> memref<1x32x1024xf32, #tpu.memory_space<vmem>>
    %dma_wait3A_949 = tpu.memref_squeeze %dma_wait3A_948 : memref<1x32x1024xf32, #tpu.memory_space<vmem>> -> memref<32x1024xf32, #tpu.memory_space<vmem>>
    %dma_wait3A_950 = arith.constant 0 : i32
    %dma_wait3A_951 = tpu.memref_slice %arg3[%dma_wait3A_945, %add3A_842, %dma_wait3A_950] : memref<4x8192x1024xf32, #tpu.memory_space<hbm>> -> memref<1x32x1024xf32, #tpu.memory_space<hbm>>
    %dma_wait3A_952 = tpu.memref_squeeze %dma_wait3A_951 : memref<1x32x1024xf32, #tpu.memory_space<hbm>> -> memref<32x1024xf32, #tpu.memory_space<hbm>>
    %dma_wait3A_953 = arith.constant 0 : i32
    %dma_wait3A_954 = tpu.memref_slice %arg3[%dma_wait3A_945, %add3A_842, %dma_wait3A_953] : memref<4x8192x1024xf32, #tpu.memory_space<hbm>> -> memref<1x32x1024xf32, #tpu.memory_space<hbm>>
    %dma_wait3A_955 = tpu.memref_squeeze %dma_wait3A_954 : memref<1x32x1024xf32, #tpu.memory_space<hbm>> -> memref<32x1024xf32, #tpu.memory_space<hbm>>
    %dma_wait3A_956 = arith.constant 0 : i32
    %dma_wait3A_957 = arith.constant 0 : i32
    %dma_wait3A_958 = tpu.memref_slice %arg4[%dma_wait3A_944, %dma_wait3A_956, %dma_wait3A_957] : memref<2x32x1024xf32, #tpu.memory_space<vmem>> -> memref<1x32x1024xf32, #tpu.memory_space<vmem>>
    %dma_wait3A_959 = tpu.memref_squeeze %dma_wait3A_958 : memref<1x32x1024xf32, #tpu.memory_space<vmem>> -> memref<32x1024xf32, #tpu.memory_space<vmem>>
    tpu.wait_dma2 semaphore(%arg5 : memref<!tpu.dma_semaphore, #tpu.memory_space<semaphore_mem>>) src(%dma_wait3A_959 : memref<32x1024xf32, #tpu.memory_space<vmem>>) dst(%dma_wait3A_955 : memref<32x1024xf32, #tpu.memory_space<hbm>>)
    %dma_wait3A_960 = arith.constant 0 : i32
    %dma_wait3A_961 = arith.constant 3 : i32
    %dma_wait3A_962 = arith.constant 0 : i32
    %dma_wait3A_963 = arith.constant 0 : i32
    %dma_wait3A_964 = tpu.memref_slice %arg4[%dma_wait3A_960, %dma_wait3A_962, %dma_wait3A_963] : memref<2x32x1024xf32, #tpu.memory_space<vmem>> -> memref<1x32x1024xf32, #tpu.memory_space<vmem>>
    %dma_wait3A_965 = tpu.memref_squeeze %dma_wait3A_964 : memref<1x32x1024xf32, #tpu.memory_space<vmem>> -> memref<32x1024xf32, #tpu.memory_space<vmem>>
    %dma_wait3A_966 = arith.constant 0 : i32
    %dma_wait3A_967 = tpu.memref_slice %arg3[%dma_wait3A_961, %add3A_844, %dma_wait3A_966] : memref<4x8192x1024xf32, #tpu.memory_space<hbm>> -> memref<1x32x1024xf32, #tpu.memory_space<hbm>>
    %dma_wait3A_968 = tpu.memref_squeeze %dma_wait3A_967 : memref<1x32x1024xf32, #tpu.memory_space<hbm>> -> memref<32x1024xf32, #tpu.memory_space<hbm>>
    %dma_wait3A_969 = arith.constant 0 : i32
    %dma_wait3A_970 = tpu.memref_slice %arg3[%dma_wait3A_961, %add3A_844, %dma_wait3A_969] : memref<4x8192x1024xf32, #tpu.memory_space<hbm>> -> memref<1x32x1024xf32, #tpu.memory_space<hbm>>
    %dma_wait3A_971 = tpu.memref_squeeze %dma_wait3A_970 : memref<1x32x1024xf32, #tpu.memory_space<hbm>> -> memref<32x1024xf32, #tpu.memory_space<hbm>>
    %dma_wait3A_972 = arith.constant 0 : i32
    %dma_wait3A_973 = arith.constant 0 : i32
    %dma_wait3A_974 = tpu.memref_slice %arg4[%dma_wait3A_960, %dma_wait3A_972, %dma_wait3A_973] : memref<2x32x1024xf32, #tpu.memory_space<vmem>> -> memref<1x32x1024xf32, #tpu.memory_space<vmem>>
    %dma_wait3A_975 = tpu.memref_squeeze %dma_wait3A_974 : memref<1x32x1024xf32, #tpu.memory_space<vmem>> -> memref<32x1024xf32, #tpu.memory_space<vmem>>
    tpu.wait_dma2 semaphore(%arg5 : memref<!tpu.dma_semaphore, #tpu.memory_space<semaphore_mem>>) src(%dma_wait3A_975 : memref<32x1024xf32, #tpu.memory_space<vmem>>) dst(%dma_wait3A_971 : memref<32x1024xf32, #tpu.memory_space<hbm>>)
    %add3A_976 = arith.constant 224 : i32
    %add3A_977 = arith.addi %mul3A_2, %add3A_976 : i32
    %add3A_978 = arith.constant 224 : i32
    %add3A_979 = arith.addi %mul3A_2, %add3A_978 : i32
    %add3A_980 = arith.constant 224 : i32
    %add3A_981 = arith.addi %mul3A_2, %add3A_980 : i32
    %add3A_982 = arith.constant 224 : i32
    %add3A_983 = arith.addi %mul3A_2, %add3A_982 : i32
    %dma_start3A_984 = arith.constant 1 : i32
    %dma_start3A_985 = arith.constant 0 : i32
    %dma_start3A_986 = arith.constant 0 : i32
    %dma_start3A_987 = arith.constant 0 : i32
    %dma_start3A_988 = tpu.memref_slice %arg4[%dma_start3A_984, %dma_start3A_986, %dma_start3A_987] : memref<2x32x1024xf32, #tpu.memory_space<vmem>> -> memref<1x32x1024xf32, #tpu.memory_space<vmem>>
    %dma_start3A_989 = tpu.memref_squeeze %dma_start3A_988 : memref<1x32x1024xf32, #tpu.memory_space<vmem>> -> memref<32x1024xf32, #tpu.memory_space<vmem>>
    %dma_start3A_990 = arith.constant 0 : i32
    %dma_start3A_991 = tpu.memref_slice %arg3[%dma_start3A_985, %add3A_977, %dma_start3A_990] : memref<4x8192x1024xf32, #tpu.memory_space<hbm>> -> memref<1x32x1024xf32, #tpu.memory_space<hbm>>
    %dma_start3A_992 = tpu.memref_squeeze %dma_start3A_991 : memref<1x32x1024xf32, #tpu.memory_space<hbm>> -> memref<32x1024xf32, #tpu.memory_space<hbm>>
    %dma_start3A_993 = arith.constant 0 : i32
    %dma_start3A_994 = tpu.memref_slice %arg3[%dma_start3A_985, %add3A_977, %dma_start3A_993] : memref<4x8192x1024xf32, #tpu.memory_space<hbm>> -> memref<1x32x1024xf32, #tpu.memory_space<hbm>>
    %dma_start3A_995 = tpu.memref_squeeze %dma_start3A_994 : memref<1x32x1024xf32, #tpu.memory_space<hbm>> -> memref<32x1024xf32, #tpu.memory_space<hbm>>
    %dma_start3A_996 = arith.constant 0 : i32
    %dma_start3A_997 = arith.constant 0 : i32
    %dma_start3A_998 = tpu.memref_slice %arg4[%dma_start3A_984, %dma_start3A_996, %dma_start3A_997] : memref<2x32x1024xf32, #tpu.memory_space<vmem>> -> memref<1x32x1024xf32, #tpu.memory_space<vmem>>
    %dma_start3A_999 = tpu.memref_squeeze %dma_start3A_998 : memref<1x32x1024xf32, #tpu.memory_space<vmem>> -> memref<32x1024xf32, #tpu.memory_space<vmem>>
    tpu.enqueue_dma source(%dma_start3A_999 : memref<32x1024xf32, #tpu.memory_space<vmem>>) target(%dma_start3A_995 : memref<32x1024xf32, #tpu.memory_space<hbm>>) target_semaphore(%arg5 : memref<!tpu.dma_semaphore, #tpu.memory_space<semaphore_mem>>)
    %dma_start3A_1000 = arith.constant 1 : i32
    %dma_start3A_1001 = arith.constant 1 : i32
    %dma_start3A_1002 = arith.constant 0 : i32
    %dma_start3A_1003 = arith.constant 0 : i32
    %dma_start3A_1004 = tpu.memref_slice %arg4[%dma_start3A_1000, %dma_start3A_1002, %dma_start3A_1003] : memref<2x32x1024xf32, #tpu.memory_space<vmem>> -> memref<1x32x1024xf32, #tpu.memory_space<vmem>>
    %dma_start3A_1005 = tpu.memref_squeeze %dma_start3A_1004 : memref<1x32x1024xf32, #tpu.memory_space<vmem>> -> memref<32x1024xf32, #tpu.memory_space<vmem>>
    %dma_start3A_1006 = arith.constant 0 : i32
    %dma_start3A_1007 = tpu.memref_slice %arg3[%dma_start3A_1001, %add3A_979, %dma_start3A_1006] : memref<4x8192x1024xf32, #tpu.memory_space<hbm>> -> memref<1x32x1024xf32, #tpu.memory_space<hbm>>
    %dma_start3A_1008 = tpu.memref_squeeze %dma_start3A_1007 : memref<1x32x1024xf32, #tpu.memory_space<hbm>> -> memref<32x1024xf32, #tpu.memory_space<hbm>>
    %dma_start3A_1009 = arith.constant 0 : i32
    %dma_start3A_1010 = tpu.memref_slice %arg3[%dma_start3A_1001, %add3A_979, %dma_start3A_1009] : memref<4x8192x1024xf32, #tpu.memory_space<hbm>> -> memref<1x32x1024xf32, #tpu.memory_space<hbm>>
    %dma_start3A_1011 = tpu.memref_squeeze %dma_start3A_1010 : memref<1x32x1024xf32, #tpu.memory_space<hbm>> -> memref<32x1024xf32, #tpu.memory_space<hbm>>
    %dma_start3A_1012 = arith.constant 0 : i32
    %dma_start3A_1013 = arith.constant 0 : i32
    %dma_start3A_1014 = tpu.memref_slice %arg4[%dma_start3A_1000, %dma_start3A_1012, %dma_start3A_1013] : memref<2x32x1024xf32, #tpu.memory_space<vmem>> -> memref<1x32x1024xf32, #tpu.memory_space<vmem>>
    %dma_start3A_1015 = tpu.memref_squeeze %dma_start3A_1014 : memref<1x32x1024xf32, #tpu.memory_space<vmem>> -> memref<32x1024xf32, #tpu.memory_space<vmem>>
    tpu.enqueue_dma source(%dma_start3A_1015 : memref<32x1024xf32, #tpu.memory_space<vmem>>) target(%dma_start3A_1011 : memref<32x1024xf32, #tpu.memory_space<hbm>>) target_semaphore(%arg5 : memref<!tpu.dma_semaphore, #tpu.memory_space<semaphore_mem>>)
    %dma_start3A_1016 = arith.constant 1 : i32
    %dma_start3A_1017 = arith.constant 2 : i32
    %dma_start3A_1018 = arith.constant 0 : i32
    %dma_start3A_1019 = arith.constant 0 : i32
    %dma_start3A_1020 = tpu.memref_slice %arg4[%dma_start3A_1016, %dma_start3A_1018, %dma_start3A_1019] : memref<2x32x1024xf32, #tpu.memory_space<vmem>> -> memref<1x32x1024xf32, #tpu.memory_space<vmem>>
    %dma_start3A_1021 = tpu.memref_squeeze %dma_start3A_1020 : memref<1x32x1024xf32, #tpu.memory_space<vmem>> -> memref<32x1024xf32, #tpu.memory_space<vmem>>
    %dma_start3A_1022 = arith.constant 0 : i32
    %dma_start3A_1023 = tpu.memref_slice %arg3[%dma_start3A_1017, %add3A_981, %dma_start3A_1022] : memref<4x8192x1024xf32, #tpu.memory_space<hbm>> -> memref<1x32x1024xf32, #tpu.memory_space<hbm>>
    %dma_start3A_1024 = tpu.memref_squeeze %dma_start3A_1023 : memref<1x32x1024xf32, #tpu.memory_space<hbm>> -> memref<32x1024xf32, #tpu.memory_space<hbm>>
    %dma_start3A_1025 = arith.constant 0 : i32
    %dma_start3A_1026 = tpu.memref_slice %arg3[%dma_start3A_1017, %add3A_981, %dma_start3A_1025] : memref<4x8192x1024xf32, #tpu.memory_space<hbm>> -> memref<1x32x1024xf32, #tpu.memory_space<hbm>>
    %dma_start3A_1027 = tpu.memref_squeeze %dma_start3A_1026 : memref<1x32x1024xf32, #tpu.memory_space<hbm>> -> memref<32x1024xf32, #tpu.memory_space<hbm>>
    %dma_start3A_1028 = arith.constant 0 : i32
    %dma_start3A_1029 = arith.constant 0 : i32
    %dma_start3A_1030 = tpu.memref_slice %arg4[%dma_start3A_1016, %dma_start3A_1028, %dma_start3A_1029] : memref<2x32x1024xf32, #tpu.memory_space<vmem>> -> memref<1x32x1024xf32, #tpu.memory_space<vmem>>
    %dma_start3A_1031 = tpu.memref_squeeze %dma_start3A_1030 : memref<1x32x1024xf32, #tpu.memory_space<vmem>> -> memref<32x1024xf32, #tpu.memory_space<vmem>>
    tpu.enqueue_dma source(%dma_start3A_1031 : memref<32x1024xf32, #tpu.memory_space<vmem>>) target(%dma_start3A_1027 : memref<32x1024xf32, #tpu.memory_space<hbm>>) target_semaphore(%arg5 : memref<!tpu.dma_semaphore, #tpu.memory_space<semaphore_mem>>)
    %dma_start3A_1032 = arith.constant 1 : i32
    %dma_start3A_1033 = arith.constant 3 : i32
    %dma_start3A_1034 = arith.constant 0 : i32
    %dma_start3A_1035 = arith.constant 0 : i32
    %dma_start3A_1036 = tpu.memref_slice %arg4[%dma_start3A_1032, %dma_start3A_1034, %dma_start3A_1035] : memref<2x32x1024xf32, #tpu.memory_space<vmem>> -> memref<1x32x1024xf32, #tpu.memory_space<vmem>>
    %dma_start3A_1037 = tpu.memref_squeeze %dma_start3A_1036 : memref<1x32x1024xf32, #tpu.memory_space<vmem>> -> memref<32x1024xf32, #tpu.memory_space<vmem>>
    %dma_start3A_1038 = arith.constant 0 : i32
    %dma_start3A_1039 = tpu.memref_slice %arg3[%dma_start3A_1033, %add3A_983, %dma_start3A_1038] : memref<4x8192x1024xf32, #tpu.memory_space<hbm>> -> memref<1x32x1024xf32, #tpu.memory_space<hbm>>
    %dma_start3A_1040 = tpu.memref_squeeze %dma_start3A_1039 : memref<1x32x1024xf32, #tpu.memory_space<hbm>> -> memref<32x1024xf32, #tpu.memory_space<hbm>>
    %dma_start3A_1041 = arith.constant 0 : i32
    %dma_start3A_1042 = tpu.memref_slice %arg3[%dma_start3A_1033, %add3A_983, %dma_start3A_1041] : memref<4x8192x1024xf32, #tpu.memory_space<hbm>> -> memref<1x32x1024xf32, #tpu.memory_space<hbm>>
    %dma_start3A_1043 = tpu.memref_squeeze %dma_start3A_1042 : memref<1x32x1024xf32, #tpu.memory_space<hbm>> -> memref<32x1024xf32, #tpu.memory_space<hbm>>
    %dma_start3A_1044 = arith.constant 0 : i32
    %dma_start3A_1045 = arith.constant 0 : i32
    %dma_start3A_1046 = tpu.memref_slice %arg4[%dma_start3A_1032, %dma_start3A_1044, %dma_start3A_1045] : memref<2x32x1024xf32, #tpu.memory_space<vmem>> -> memref<1x32x1024xf32, #tpu.memory_space<vmem>>
    %dma_start3A_1047 = tpu.memref_squeeze %dma_start3A_1046 : memref<1x32x1024xf32, #tpu.memory_space<vmem>> -> memref<32x1024xf32, #tpu.memory_space<vmem>>
    tpu.enqueue_dma source(%dma_start3A_1047 : memref<32x1024xf32, #tpu.memory_space<vmem>>) target(%dma_start3A_1043 : memref<32x1024xf32, #tpu.memory_space<hbm>>) target_semaphore(%arg5 : memref<!tpu.dma_semaphore, #tpu.memory_space<semaphore_mem>>)
    %dma_wait3A_1048 = arith.constant 1 : i32
    %dma_wait3A_1049 = arith.constant 0 : i32
    %dma_wait3A_1050 = arith.constant 0 : i32
    %dma_wait3A_1051 = arith.constant 0 : i32
    %dma_wait3A_1052 = tpu.memref_slice %arg4[%dma_wait3A_1048, %dma_wait3A_1050, %dma_wait3A_1051] : memref<2x32x1024xf32, #tpu.memory_space<vmem>> -> memref<1x32x1024xf32, #tpu.memory_space<vmem>>
    %dma_wait3A_1053 = tpu.memref_squeeze %dma_wait3A_1052 : memref<1x32x1024xf32, #tpu.memory_space<vmem>> -> memref<32x1024xf32, #tpu.memory_space<vmem>>
    %dma_wait3A_1054 = arith.constant 0 : i32
    %dma_wait3A_1055 = tpu.memref_slice %arg3[%dma_wait3A_1049, %add3A_977, %dma_wait3A_1054] : memref<4x8192x1024xf32, #tpu.memory_space<hbm>> -> memref<1x32x1024xf32, #tpu.memory_space<hbm>>
    %dma_wait3A_1056 = tpu.memref_squeeze %dma_wait3A_1055 : memref<1x32x1024xf32, #tpu.memory_space<hbm>> -> memref<32x1024xf32, #tpu.memory_space<hbm>>
    %dma_wait3A_1057 = arith.constant 0 : i32
    %dma_wait3A_1058 = tpu.memref_slice %arg3[%dma_wait3A_1049, %add3A_977, %dma_wait3A_1057] : memref<4x8192x1024xf32, #tpu.memory_space<hbm>> -> memref<1x32x1024xf32, #tpu.memory_space<hbm>>
    %dma_wait3A_1059 = tpu.memref_squeeze %dma_wait3A_1058 : memref<1x32x1024xf32, #tpu.memory_space<hbm>> -> memref<32x1024xf32, #tpu.memory_space<hbm>>
    %dma_wait3A_1060 = arith.constant 0 : i32
    %dma_wait3A_1061 = arith.constant 0 : i32
    %dma_wait3A_1062 = tpu.memref_slice %arg4[%dma_wait3A_1048, %dma_wait3A_1060, %dma_wait3A_1061] : memref<2x32x1024xf32, #tpu.memory_space<vmem>> -> memref<1x32x1024xf32, #tpu.memory_space<vmem>>
    %dma_wait3A_1063 = tpu.memref_squeeze %dma_wait3A_1062 : memref<1x32x1024xf32, #tpu.memory_space<vmem>> -> memref<32x1024xf32, #tpu.memory_space<vmem>>
    tpu.wait_dma2 semaphore(%arg5 : memref<!tpu.dma_semaphore, #tpu.memory_space<semaphore_mem>>) src(%dma_wait3A_1063 : memref<32x1024xf32, #tpu.memory_space<vmem>>) dst(%dma_wait3A_1059 : memref<32x1024xf32, #tpu.memory_space<hbm>>)
    %dma_wait3A_1064 = arith.constant 1 : i32
    %dma_wait3A_1065 = arith.constant 1 : i32
    %dma_wait3A_1066 = arith.constant 0 : i32
    %dma_wait3A_1067 = arith.constant 0 : i32
    %dma_wait3A_1068 = tpu.memref_slice %arg4[%dma_wait3A_1064, %dma_wait3A_1066, %dma_wait3A_1067] : memref<2x32x1024xf32, #tpu.memory_space<vmem>> -> memref<1x32x1024xf32, #tpu.memory_space<vmem>>
    %dma_wait3A_1069 = tpu.memref_squeeze %dma_wait3A_1068 : memref<1x32x1024xf32, #tpu.memory_space<vmem>> -> memref<32x1024xf32, #tpu.memory_space<vmem>>
    %dma_wait3A_1070 = arith.constant 0 : i32
    %dma_wait3A_1071 = tpu.memref_slice %arg3[%dma_wait3A_1065, %add3A_979, %dma_wait3A_1070] : memref<4x8192x1024xf32, #tpu.memory_space<hbm>> -> memref<1x32x1024xf32, #tpu.memory_space<hbm>>
    %dma_wait3A_1072 = tpu.memref_squeeze %dma_wait3A_1071 : memref<1x32x1024xf32, #tpu.memory_space<hbm>> -> memref<32x1024xf32, #tpu.memory_space<hbm>>
    %dma_wait3A_1073 = arith.constant 0 : i32
    %dma_wait3A_1074 = tpu.memref_slice %arg3[%dma_wait3A_1065, %add3A_979, %dma_wait3A_1073] : memref<4x8192x1024xf32, #tpu.memory_space<hbm>> -> memref<1x32x1024xf32, #tpu.memory_space<hbm>>
    %dma_wait3A_1075 = tpu.memref_squeeze %dma_wait3A_1074 : memref<1x32x1024xf32, #tpu.memory_space<hbm>> -> memref<32x1024xf32, #tpu.memory_space<hbm>>
    %dma_wait3A_1076 = arith.constant 0 : i32
    %dma_wait3A_1077 = arith.constant 0 : i32
    %dma_wait3A_1078 = tpu.memref_slice %arg4[%dma_wait3A_1064, %dma_wait3A_1076, %dma_wait3A_1077] : memref<2x32x1024xf32, #tpu.memory_space<vmem>> -> memref<1x32x1024xf32, #tpu.memory_space<vmem>>
    %dma_wait3A_1079 = tpu.memref_squeeze %dma_wait3A_1078 : memref<1x32x1024xf32, #tpu.memory_space<vmem>> -> memref<32x1024xf32, #tpu.memory_space<vmem>>
    tpu.wait_dma2 semaphore(%arg5 : memref<!tpu.dma_semaphore, #tpu.memory_space<semaphore_mem>>) src(%dma_wait3A_1079 : memref<32x1024xf32, #tpu.memory_space<vmem>>) dst(%dma_wait3A_1075 : memref<32x1024xf32, #tpu.memory_space<hbm>>)
    %dma_wait3A_1080 = arith.constant 1 : i32
    %dma_wait3A_1081 = arith.constant 2 : i32
    %dma_wait3A_1082 = arith.constant 0 : i32
    %dma_wait3A_1083 = arith.constant 0 : i32
    %dma_wait3A_1084 = tpu.memref_slice %arg4[%dma_wait3A_1080, %dma_wait3A_1082, %dma_wait3A_1083] : memref<2x32x1024xf32, #tpu.memory_space<vmem>> -> memref<1x32x1024xf32, #tpu.memory_space<vmem>>
    %dma_wait3A_1085 = tpu.memref_squeeze %dma_wait3A_1084 : memref<1x32x1024xf32, #tpu.memory_space<vmem>> -> memref<32x1024xf32, #tpu.memory_space<vmem>>
    %dma_wait3A_1086 = arith.constant 0 : i32
    %dma_wait3A_1087 = tpu.memref_slice %arg3[%dma_wait3A_1081, %add3A_981, %dma_wait3A_1086] : memref<4x8192x1024xf32, #tpu.memory_space<hbm>> -> memref<1x32x1024xf32, #tpu.memory_space<hbm>>
    %dma_wait3A_1088 = tpu.memref_squeeze %dma_wait3A_1087 : memref<1x32x1024xf32, #tpu.memory_space<hbm>> -> memref<32x1024xf32, #tpu.memory_space<hbm>>
    %dma_wait3A_1089 = arith.constant 0 : i32
    %dma_wait3A_1090 = tpu.memref_slice %arg3[%dma_wait3A_1081, %add3A_981, %dma_wait3A_1089] : memref<4x8192x1024xf32, #tpu.memory_space<hbm>> -> memref<1x32x1024xf32, #tpu.memory_space<hbm>>
    %dma_wait3A_1091 = tpu.memref_squeeze %dma_wait3A_1090 : memref<1x32x1024xf32, #tpu.memory_space<hbm>> -> memref<32x1024xf32, #tpu.memory_space<hbm>>
    %dma_wait3A_1092 = arith.constant 0 : i32
    %dma_wait3A_1093 = arith.constant 0 : i32
    %dma_wait3A_1094 = tpu.memref_slice %arg4[%dma_wait3A_1080, %dma_wait3A_1092, %dma_wait3A_1093] : memref<2x32x1024xf32, #tpu.memory_space<vmem>> -> memref<1x32x1024xf32, #tpu.memory_space<vmem>>
    %dma_wait3A_1095 = tpu.memref_squeeze %dma_wait3A_1094 : memref<1x32x1024xf32, #tpu.memory_space<vmem>> -> memref<32x1024xf32, #tpu.memory_space<vmem>>
    tpu.wait_dma2 semaphore(%arg5 : memref<!tpu.dma_semaphore, #tpu.memory_space<semaphore_mem>>) src(%dma_wait3A_1095 : memref<32x1024xf32, #tpu.memory_space<vmem>>) dst(%dma_wait3A_1091 : memref<32x1024xf32, #tpu.memory_space<hbm>>)
    %dma_wait3A_1096 = arith.constant 1 : i32
    %dma_wait3A_1097 = arith.constant 3 : i32
    %dma_wait3A_1098 = arith.constant 0 : i32
    %dma_wait3A_1099 = arith.constant 0 : i32
    %dma_wait3A_1100 = tpu.memref_slice %arg4[%dma_wait3A_1096, %dma_wait3A_1098, %dma_wait3A_1099] : memref<2x32x1024xf32, #tpu.memory_space<vmem>> -> memref<1x32x1024xf32, #tpu.memory_space<vmem>>
    %dma_wait3A_1101 = tpu.memref_squeeze %dma_wait3A_1100 : memref<1x32x1024xf32, #tpu.memory_space<vmem>> -> memref<32x1024xf32, #tpu.memory_space<vmem>>
    %dma_wait3A_1102 = arith.constant 0 : i32
    %dma_wait3A_1103 = tpu.memref_slice %arg3[%dma_wait3A_1097, %add3A_983, %dma_wait3A_1102] : memref<4x8192x1024xf32, #tpu.memory_space<hbm>> -> memref<1x32x1024xf32, #tpu.memory_space<hbm>>
    %dma_wait3A_1104 = tpu.memref_squeeze %dma_wait3A_1103 : memref<1x32x1024xf32, #tpu.memory_space<hbm>> -> memref<32x1024xf32, #tpu.memory_space<hbm>>
    %dma_wait3A_1105 = arith.constant 0 : i32
    %dma_wait3A_1106 = tpu.memref_slice %arg3[%dma_wait3A_1097, %add3A_983, %dma_wait3A_1105] : memref<4x8192x1024xf32, #tpu.memory_space<hbm>> -> memref<1x32x1024xf32, #tpu.memory_space<hbm>>
    %dma_wait3A_1107 = tpu.memref_squeeze %dma_wait3A_1106 : memref<1x32x1024xf32, #tpu.memory_space<hbm>> -> memref<32x1024xf32, #tpu.memory_space<hbm>>
    %dma_wait3A_1108 = arith.constant 0 : i32
    %dma_wait3A_1109 = arith.constant 0 : i32
    %dma_wait3A_1110 = tpu.memref_slice %arg4[%dma_wait3A_1096, %dma_wait3A_1108, %dma_wait3A_1109] : memref<2x32x1024xf32, #tpu.memory_space<vmem>> -> memref<1x32x1024xf32, #tpu.memory_space<vmem>>
    %dma_wait3A_1111 = tpu.memref_squeeze %dma_wait3A_1110 : memref<1x32x1024xf32, #tpu.memory_space<vmem>> -> memref<32x1024xf32, #tpu.memory_space<vmem>>
    tpu.wait_dma2 semaphore(%arg5 : memref<!tpu.dma_semaphore, #tpu.memory_space<semaphore_mem>>) src(%dma_wait3A_1111 : memref<32x1024xf32, #tpu.memory_space<vmem>>) dst(%dma_wait3A_1107 : memref<32x1024xf32, #tpu.memory_space<hbm>>)
    return
  }
}

</mosaic_0001>

<sc_bundles>
// kernel: kernel.3.cloned.1.call-start
scs
__scs_entry_jumppad:
0x0: {  	(pc) =	sbr.rel $0x88, $3  }
0x1: {  	(tag) =	ssettag $0x0;
	lr =	simm.s32 $0x1  }
0x2: {  	[smem:$0x3FA0] =	sst lr;
	_ =	strace $0xD0000000  }
0x3: {  	_ = 	snop  }
0x4: {  	_ = 	snop  }
0x5: {  	_ = 	snop  }
0x6: {  	_ = 	snop  }
0x7: {  	_ = 	snop  }
__scs_overlays_trampoline_lowered:
0x8: {  	[smem:$0x3FAF] =	sst s0  }
0x9: {  	[smem:$0x3FB0] =	sst s1  }
0xa: {  	[smem:$0x3FB1] =	sst s2  }
0xb: {  	[smem:$0x3FB2] =	sst s3  }
0xc: {  	[smem:$0x3FB3] =	sst s4  }
0xd: {  	[smem:$0x3FB4] =	sst s5  }
0xe: {  	[smem:$0x3FB5] =	sst s6  }
0xf: {  	[smem:$0x3FB6] =	sst s7  }
0x10: {  	[smem:$0x3FB7] =	sst s8  }
0x11: {  	[smem:$0x3FB8] =	sst s9;
	s0 =	simm.s32 @!p0 $0x0  }
0x12: {  	s1 =	sld [smem:$0x3F9E];
	s0 =	simm.s32 @p0 $0x1  }
0x13: {  	[smem:$0x3FB9] =	sst s0;
	s0 =	simm.s32 @!p1 $0x0  }
0x14: {  	s2 =	sld [smem:$0x3F9D];
	s0 =	simm.s32 @p1 $0x1  }
0x15: {  	[smem:$0x3FBA] =	sst s0;
	s0 =	simm.s32 @!p2 $0x0  }
0x16: {  	s3 =	sld [smem:$0x3FDB];
	s0 =	simm.s32 @p2 $0x1  }
0x17: {  	s4 =	simm.s32 $0x1BF5;
	[smem:$0x3FBC] =	sst s0  }
0x18: {  	s0 =	sld [smem:$0x3F9F];
	_ =	swait.ge [sflag:s4], $0x0  }
0x19: {  	s7 =	sld [smem:$0x3FA0]  }
0x1a: {  	s8 =	sadd.s32 $0xFFFFE003, lr  }
0x1b: {  	s9 =	sadd.s32 $0xFFFFFEF7, lr;
	s5 =	simm.s32 $0xFFFFFFFF;
	p2 =	slt.u32 s8, $0xFFFFF086  }
0x1c: {  	p1 =	slt.u32 s9, $0xF7A;
	s5 =	simm.s32 @!p2 $0x0  }
0x1d: {  	s5 =	simm.s32 @p1 $0x1;
	p0 =	seq.s32 s7, s2  }
0x1e: {  	s7 =	smul.u32 @!p0 $0xF7A, s2;
	p2 =	seq.s32 @!p0 s5, $0x0  }
0x1f: {  	s9 =	smul.u32 $0xF7A, s1;
	s8 =	simm.s32 @!p0 $0x1BF5;
	p2 =	por !p2, p0  }
0x20: {  	[sflag:s8] =	ssyncset.s32 @!p0 $0xFFFFF086;
	s6 =	sadd.s32 @!p0 s3, s7;
	s7 =	simm.s32 @!p0 $0x108  }
0x21: {  	s3 =	sadd.s32 s3, s9;
	s6 =	sadd.s32 @!p0 $0x88, s6;
	s7 =	simm.s32 @p2 $0x1082  }
0x22: {  	[simem:s7], [sflag:s8] =	dma.local @!p0 [hbm:s6], $0xF7A  }
0x23: {  	s9 =	sor.u32 $0xD0000000, s2;
	s6 =	simm.s32 $0x108;
	_ =	swait.ge @!p0 [sflag:s8], $0x0  }
0x24: {  	s3 =	sadd.s32 $0x88, s3;
	s6 =	simm.s32 @!p1 $0x1082;
	[sflag:s4] =	ssyncset.s32 $0xFFFFF086  }
0x25: {  	[simem:s6], [sflag:s4] =	dma.local [hbm:s3], $0xF7A  }
0x26: {  	[smem:$0x3FA0] =	sst s1;
	(tag) =	ssettag s2;
	_ =	strace s9  }
0x27: {  	s1 =	sld [smem:$0x3FB0]  }
0x28: {  	s2 =	sld [smem:$0x3FB1]  }
0x29: {  	s4 =	sld [smem:$0x3FB3]  }
0x2a: {  	p0 =	seq.s32 s5, $0x0;
	s5 =	sld [smem:$0x3FB4]  }
0x2b: {  	s6 =	sld [smem:$0x3FB5]  }
0x2c: {  	s7 =	sld [smem:$0x3FB6]  }
0x2d: {  	s3 =	simm.s32 $0x108;
	s8 =	sld [smem:$0x3FB7]  }
0x2e: {  	s3 =	simm.s32 @!p0 $0x1082;
	s9 =	sld [smem:$0x3FB8]  }
0x2f: {  	lr =	sadd.s32 s0, s3;
	s0 =	sld [smem:$0x3FAF]  }
0x30: {  	s3 =	sld [smem:$0x3FB2]  }
0x31: {  	[smem:$0x3FBB] =	sst s10  }
0x32: {  	s10 =	sld [smem:$0x3FB9];
	_ =	sdelay $0x3  }
0x33: {  	p0 =	seq.s32 s10, $0x1;
	s10 =	sld [smem:$0x3FBB];
	_ =	sdelay $0x3  }
0x34: {  	[smem:$0x3FBB] =	sst s10  }
0x35: {  	s10 =	sld [smem:$0x3FBA];
	_ =	sdelay $0x3  }
0x36: {  	p1 =	seq.s32 s10, $0x1;
	s10 =	sld [smem:$0x3FBB];
	_ =	sdelay $0x3  }
0x37: {  	[smem:$0x3FBB] =	sst s10  }
0x38: {  	s10 =	sld [smem:$0x3FBC]  }
0x39: {  	_ = 	snop;
	(pc) =	sbr.ind lr, $3  }
0x3a: {  	_ = 	snop  }
0x3b: {  	_ = 	snop  }
0x3c: {  	p2 =	seq.s32 s10, $0x1;
	s10 =	sld [smem:$0x3FBB]  }
0x3d: {  	_ =	shalt  }
0x3e: {  	_ =	shalt  }
0x3f: {  	_ =	shalt  }
0x40: {  	_ =	shalt  }
0x41: {  	_ =	shalt  }
0x42: {  	_ =	shalt  }
0x43: {  	_ =	shalt  }
0x44: {  	_ =	shalt  }
0x45: {  	_ =	shalt  }
0x46: {  	_ =	shalt  }
0x47: {  	_ =	shalt  }
0x48: {  	_ =	shalt  }
0x49: {  	_ =	shalt  }
0x4a: {  	_ =	shalt  }
0x4b: {  	_ =	shalt  }
0x4c: {  	_ =	shalt  }
0x4d: {  	_ =	shalt  }
0x4e: {  	_ =	shalt  }
0x4f: {  	_ =	shalt  }
0x50: {  	_ =	shalt  }
0x51: {  	_ =	shalt  }
0x52: {  	_ =	shalt  }
0x53: {  	_ =	shalt  }
0x54: {  	_ =	shalt  }
0x55: {  	_ =	shalt  }
0x56: {  	_ =	shalt  }
0x57: {  	_ =	shalt  }
0x58: {  	_ =	shalt  }
0x59: {  	_ =	shalt  }
0x5a: {  	_ =	shalt  }
0x5b: {  	_ =	shalt  }
0x5c: {  	_ =	shalt  }
0x5d: {  	_ =	shalt  }
0x5e: {  	_ =	shalt  }
0x5f: {  	_ =	shalt  }
0x60: {  	_ =	shalt  }
0x61: {  	_ =	shalt  }
0x62: {  	_ =	shalt  }
0x63: {  	_ =	shalt  }
0x64: {  	_ =	shalt  }
0x65: {  	_ =	shalt  }
0x66: {  	_ =	shalt  }
0x67: {  	_ =	shalt  }
0x68: {  	_ =	shalt  }
0x69: {  	_ =	shalt  }
0x6a: {  	_ =	shalt  }
0x6b: {  	_ =	shalt  }
0x6c: {  	_ =	shalt  }
0x6d: {  	_ =	shalt  }
0x6e: {  	_ =	shalt  }
0x6f: {  	_ =	shalt  }
0x70: {  	_ =	shalt  }
0x71: {  	_ =	shalt  }
0x72: {  	_ =	shalt  }
0x73: {  	_ =	shalt  }
0x74: {  	_ =	shalt  }
0x75: {  	_ =	shalt  }
0x76: {  	_ =	shalt  }
0x77: {  	_ =	shalt  }
0x78: {  	_ =	shalt  }
0x79: {  	_ =	shalt  }
0x7a: {  	_ =	shalt  }
0x7b: {  	_ =	shalt  }
0x7c: {  	_ =	shalt  }
0x7d: {  	_ =	shalt  }
0x7e: {  	_ =	shalt  }
0x7f: {  	_ =	shalt  }
0x80: {  	_ =	shalt  }
0x81: {  	_ =	shalt  }
0x82: {  	_ =	shalt  }
0x83: {  	_ =	shalt  }
0x84: {  	_ =	shalt  }
0x85: {  	_ =	shalt  }
0x86: {  	_ =	shalt  }
0x87: {  	_ =	shalt  }
.Lfunc_end0:
.L_simem_size_0:
called_computation_lowered:
.L_overlay_start_0:
0x88: {  	s2 =	sld [smem:$0x3FD9]  }
0x89: {  	s3 =	sld [smem:$0x3FFE];
	_ =	sdelay $0x1  }
0x8a: {  	s1 =	srdreg.scid  }
0x8b: {  	s0 =	sand.u32 $0x1, s1  }
0x8c: {  	s18 =	sshll.u32 s0, $0xA;
	s2 =	sadd.s32 s3, s2  }
0x8d: {  	s2 =	sadd.s32 s2, s18  }
0x8e: {  	[smem:$0x3FC7] =	sst s2  }
0x8f: {  	_ = 	snop  }
0x90: {  	s2 =	sld [smem:$0x3FC9]  }
0x91: {  	s19 =	sld [smem:$0x3FD0];
	(tm) =	ssettm $0x1  }
0x92: {  	s4 =	sld [smem:$0x3FFB];
	_ =	sdelay $0x3  }
0x93: {  	_ =	strace s4  }
0x94: {  	s4 =	sld [smem:$0x3FFC];
	_ =	sdelay $0x3  }
0x95: {  	_ =	strace s4  }
0x96: {  	s4 =	sld [smem:$0x3FFD];
	_ =	sdelay $0x3  }
0x97: {  	_ =	strace s4  }
0x98: {  	_ =	strace $0x8FFFFFFF  }
0x99: {  	s20 =	sld [smem:$0x3FDB];
	_ =	sdelay $0x1  }
0x9a: {  	s5 =	simm.s32 $_scs_section_size  }
0x9b: {  	s6 =	simm.s32 $_size__tile_overlayer_lowered;
	s7 =	simm.s32 $_tile_overlayer_lowered  }
0x9c: {  	s23 =	simm.s32 $0x1BFF;
	s22 =	sshll.u32 s7, $0x1;
	s4 =	sadd.s32 s5, s20  }
0x9d: {  	s8 =	simm.s32 $0x0;
	s21 =	sshll.u32 s6, $0x1;
	s6 =	sadd.s32 s22, s4  }
0x9e: {  	[timem:s8], [sflag:s23] =	dma.local [hbm:s6], s21  }
0x9f: {  	_ =	swait.ge [sflag:s23], s21  }
0xa0: {  	s5 =	ssub.s32 $0x0, s21;
	[sflag:s23] =	ssyncset.done $0x0  }
0xa1: {  	[sflag:s23] =	ssyncadd.s32 s5;
	_ =	sdelay $0x1  }
0xa2: {  	s24 =	simm.s32 $0x1B8B  }
0xa3: {  	_ =	swait.ge [sflag:s24], $0x1  }
0xa4: {  	[sflag:s24] =	ssyncset.done $0x0  }
0xa5: {  	s25 =	simm.s32 $0x1B8E;
	[sflag:s24] =	ssyncadd.s32 $0xFFFFFFFF  }
0xa6: {  	s26 =	simm.s32 $execute0_lowered;
	[smem:$0x3FD2] =	sst s25  }
0xa7: {  	s5 =	sshll.u32 s26, $0x1;
	_ =	strace $0x80000046;
	[dreg:$0x1] =	wrdreg $0xFFFFFFFF  }
0xa8: {  	s28 =	simm.s32 $_size_execute0_lowered;
	s4 =	sadd.s32 s4, s5;
	[dreg:$0x0] =	wrdreg $0x0  }
0xa9: {  	s5 =	sshll.u32 s28, $0x1;
	[dreg:$0x2] =	wrdreg s4  }
0xaa: {  	[dreg:$0x3] =	wrdreg s5  }
0xab: {  	[dreg:$0x4] =	wrdreg $0xC0  }
0xac: {  	_ =	task [dreg:s8], $0x5FFFF  }
0xad: {  	[dreg:$0x1] =	wrdreg $0xFFFFFFFF  }
0xae: {  	[dreg:$0x0] =	wrdreg $0x60  }
0xaf: {  	[dreg:$0x2] =	wrdreg s2  }
0xb0: {  	[dreg:$0x3] =	wrdreg s19  }
0xb1: {  	[dreg:$0x4] =	wrdreg $0x9  }
0xb2: {  	_ =	task.clear_ibuf [dreg:s8], $0x5FFFF;
	_ =	strace $0x90000046  }
0xb3: {  	s29 =	simm.s32 $0x9;
	_ =	strace $0x80000048  }
0xb4: {  	_ =	swait.ge [sflag:s29], $0x1  }
0xb5: {  	[sflag:s29] =	ssyncadd.s32 $0xFFFFFFFF  }
0xb6: {  	_ =	strace $0x90000048  }
0xb7: {  	_ =	sfence  }
0xb8: {  	s30 =	sld [smem:$0x0];
	_ =	sdelay $0x2  }
0xb9: {  	s31 =	sshll.u32 s1, $0xD;
	s1 =	sshrl.u32 s1, $0x2  }
0xba: {  	s3 =	sand.u32 $0x4000, s31;
	s1 =	sadd.s32 s1, s30  }
0xbb: {  	s0 =	sor.u32 s3, s0;
	s1 =	sshll.u32 s1, $0x11  }
0xbc: {  	s0 =	sor.u32 s1, s0  }
0xbd: {  	s0 =	sadd.s32 $0x8F2B, s0  }
0xbe: {  	[sflag:s0] =	ssyncadd.remote.s32 $0x1  }
0xbf: {  	_ =	sfence.sel $0xFFFF  }
0xc0: {  	[dreg:$0x0] =	wrdreg $0xFFFFFFFF;
	(pc) =	sbr.abs _section_cstart, $3  }
0xc1: {  	[dreg:$0x1] =	wrdreg $0xFFFFFFFF  }
0xc2: {  	_ =	task.clear_ibuf [dreg:s8], $0x2FFFF;
	_ =	strace $0x9FFFFFFF  }
0xc3: {  	(tm) =	ssettm $0x7FFFFFFF  }
tec
execute0_lowered:
.L_overlay_start_1:
0x0: {  	(tag) =	ssettag $0x1  }
0x1: {  	s3 =	rddreg [dreg:$0x0];
	s1 =	srdreg.scid  }
0x2: {  	s0 =	rddreg [dreg:$0x1];
	s4 =	stileid.u32;
	s1 =	sand.u32 $0x1, s1  }
0x3: {  	s2 =	simm.s32 $0x0;
	s4 =	sshll.u32 s4, $0x10;
	s5 =	sshll.u32 s1, $0xF  }
0x4: {  	p0 =	por $0x0, $0x0;
	s31 =	simm.s32 $0x2;
	s8 =	sor.u32 s5, s4  }
0x5: {  	[smem:$0x7FF] =	sst s2;
	s5 =	sadd.s32 s3, s8;
	s4 =	sadd.s32 s0, s8  }
0x6: {  	_ =	strace $0x80000047;
	[dreg:$0x3] =	wrdreg s5;
	s16 =	sadd.s32 $0x100000, s4  }
0x7: {  	s1 =	ssub.s32 $0x2, s1;
	s17 =	sadd.s32 $0x200000, s4;
	[dreg:$0x4] =	wrdreg s16  }
0x8: {  	s6 =	sor.u32 $0x1000, s8;
	s18 =	sadd.s32 $0x300000, s4;
	[dreg:$0x5] =	wrdreg s17  }
0x9: {  	s24 =	sor.u32 $0x2000, s8;
	s19 =	sadd.s32 s3, s6;
	[dreg:$0x6] =	wrdreg s18  }
0xa: {  	s10 =	sor.u32 $0x3000, s8;
	s20 =	sadd.s32 s0, s6;
	[dreg:$0x7] =	wrdreg s19  }
0xb: {  	s12 =	sor.u32 $0x4000, s8;
	s21 =	sadd.s32 $0x101000, s4;
	[dreg:$0x8] =	wrdreg s20  }
0xc: {  	s13 =	sor.u32 $0x5000, s8;
	s22 =	sadd.s32 $0x201000, s4;
	[dreg:$0x9] =	wrdreg s21  }
0xd: {  	s15 =	sor.u32 $0x6000, s8;
	s23 =	sadd.s32 $0x301000, s4;
	[dreg:$0xa] =	wrdreg s22  }
0xe: {  	s25 =	sadd.s32 s3, s24;
	s26 =	sadd.s32 s0, s24;
	[dreg:$0xb] =	wrdreg s23  }
0xf: {  	s6 =	sadd.s32 $0x102000, s4;
	s7 =	sadd.s32 $0x202000, s4;
	[dreg:$0xc] =	wrdreg s25  }
0x10: {  	s9 =	sadd.s32 $0x302000, s4;
	s11 =	sadd.s32 s3, s10;
	[dreg:$0xd] =	wrdreg s26  }
0x11: {  	s28 =	sadd.s32 $0x203000, s4;
	s29 =	sadd.s32 $0x303000, s4;
	[dreg:$0xe] =	wrdreg s6  }
0x12: {  	s30 =	sadd.s32 s3, s12;
	s24 =	sadd.s32 s3, s13;
	[dreg:$0xf] =	wrdreg s7  }
0x13: {  	s5 =	sadd.s32 s0, s13;
	s14 =	sadd.s32 $0x105000, s4;
	[dreg:$0x10] =	wrdreg s9  }
0x14: {  	s13 =	sadd.s32 $0x306000, s4;
	s7 =	sshrl.u32 s1, $0x1;
	[dreg:$0x11] =	wrdreg s11  }
0x15: {  	s25 =	sadd.s32 s0, s10;
	s26 =	sadd.s32 $0x103000, s4;
	s20 =	sadd.s32 s0, s12  }
0x16: {  	s21 =	sadd.s32 $0x104000, s4;
	s22 =	sadd.s32 $0x204000, s4;
	[dreg:$0x13] =	wrdreg s5  }
0x17: {  	s23 =	sadd.s32 $0x304000, s4;
	[dreg:$0x14] =	wrdreg s14;
	s1 =	ssub.s32 s1, s7  }
0x18: {  	s16 =	sadd.s32 $0x205000, s4;
	s17 =	sadd.s32 $0x305000, s4;
	s1 =	smax.u32 s1, $0x1  }
0x19: {  	s19 =	sadd.s32 s3, s15;
	s10 =	sadd.s32 s0, s15;
	p1 =	sne.s32 s1, $0x1  }
.Ltmp0:
0x1a: {  	s18 =	sor.u32 $0x7000, s8;
	s11 =	sadd.s32 $0x206000, s4;
	(pc) =	sbr.rel @!p1 .LBB2_3-.Ltmp0, $4  }
0x1b: {  	s6 =	sadd.s32 $0x207000, s4;
	s8 =	simm.s32 $0x8000;
	[dreg:$0x15] =	wrdreg s16  }
0x1c: {  	[dreg:$0x16] =	wrdreg s17;
	s16 =	sadd.s32 $0x106000, s4;
	s17 =	sadd.s32 s3, s18  }
0x1d: {  	s5 =	sadd.s32 s0, s18;
	s18 =	sadd.s32 $0x107000, s4;
	s7 =	sadd.s32 $0x307000, s4  }
0x1e: {  	s3 =	simm.s32 $0x1;
	s9 =	sadd.s32 $0xFFFFFFFF, s1;
	s1 =	rddreg [dreg:$0x3]  }
0x1f: {  	[tilespmem:s2], [sflag:$0x2] =	stream.linear.gather [hbm4b:s1+s2], $0x8000, $0x38;
	[tilespmem:$0x10000] =	vst v63  }
0x20: {  	_ =	swait.ge [sflag:s31], $0x8000  }
0x21: {  	[sflag:s31] =	ssyncset.done $0x0  }
0x22: {  	[sflag:s31] =	ssyncadd.s32 $0xFFFF8000  }
0x23: {  	[hbm4b:s4+s2] =	stream.linear.scatter [tilespmem:s2], [sflag:$0x1], $0x8000, $0x38;
	[tilespmem:$0x10000] =	vst v63  }
0x24: {  	s12 =	rddreg [dreg:$0x4]  }
0x25: {  	[hbm4b:s12+s2] =	stream.linear.scatter [tilespmem:s2], [sflag:$0x1], $0x8000, $0x38;
	[tilespmem:$0x10000] =	vst v63  }
0x26: {  	s0 =	rddreg [dreg:$0x5]  }
0x27: {  	[hbm4b:s0+s2] =	stream.linear.scatter [tilespmem:s2], [sflag:$0x1], $0x8000, $0x38;
	[tilespmem:$0x10000] =	vst v63  }
0x28: {  	s14 =	rddreg [dreg:$0x6]  }
0x29: {  	[hbm4b:s14+s2] =	stream.linear.scatter [tilespmem:s2], [sflag:$0x1], $0x8000, $0x38;
	[tilespmem:$0x10000] =	vst v63  }
0x2a: {  	s15 =	rddreg [dreg:$0x7]  }
0x2b: {  	[tilespmem:s8], [sflag:$0x2] =	stream.linear.gather [hbm4b:s15+s2], $0x8000, $0x38;
	[tilespmem:$0x10000] =	vst v63  }
0x2c: {  	_ =	swait.ge [sflag:s31], $0x8000  }
0x2d: {  	[sflag:s31] =	ssyncset.done $0x0  }
0x2e: {  	[sflag:s31] =	ssyncadd.s32 $0xFFFF8000  }
0x2f: {  	_ =	swait.ge [sflag:s3], $0x8000  }
0x30: {  	[sflag:s3] =	ssyncset.done $0x0  }
0x31: {  	[sflag:s3] =	ssyncadd.s32 $0xFFFF8000  }
0x32: {  	_ =	swait.ge [sflag:s3], $0x8000  }
0x33: {  	[sflag:s3] =	ssyncset.done $0x0  }
0x34: {  	[sflag:s3] =	ssyncadd.s32 $0xFFFF8000  }
0x35: {  	_ =	swait.ge [sflag:s3], $0x8000  }
0x36: {  	[sflag:s3] =	ssyncset.done $0x0  }
0x37: {  	[sflag:s3] =	ssyncadd.s32 $0xFFFF8000  }
0x38: {  	_ =	swait.ge [sflag:s3], $0x8000  }
0x39: {  	[sflag:s3] =	ssyncset.done $0x0  }
0x3a: {  	s1 =	rddreg [dreg:$0x8];
	[sflag:s3] =	ssyncadd.s32 $0xFFFF8000  }
0x3b: {  	[hbm4b:s1+s2] =	stream.linear.scatter [tilespmem:s8], [sflag:$0x1], $0x8000, $0x38;
	[tilespmem:$0x10000] =	vst v63  }
0x3c: {  	s12 =	rddreg [dreg:$0x9]  }
0x3d: {  	[hbm4b:s12+s2] =	stream.linear.scatter [tilespmem:s8], [sflag:$0x1], $0x8000, $0x38;
	[tilespmem:$0x10000] =	vst v63  }
0x3e: {  	s14 =	rddreg [dreg:$0xa]  }
0x3f: {  	[hbm4b:s14+s2] =	stream.linear.scatter [tilespmem:s8], [sflag:$0x1], $0x8000, $0x38;
	[tilespmem:$0x10000] =	vst v63  }
0x40: {  	s15 =	rddreg [dreg:$0xb]  }
0x41: {  	[hbm4b:s15+s2] =	stream.linear.scatter [tilespmem:s8], [sflag:$0x1], $0x8000, $0x38;
	[tilespmem:$0x10000] =	vst v63  }
0x42: {  	s12 =	rddreg [dreg:$0xc]  }
0x43: {  	[tilespmem:s2], [sflag:$0x2] =	stream.linear.gather [hbm4b:s12+s2], $0x8000, $0x38;
	[tilespmem:$0x10000] =	vst v63  }
0x44: {  	_ =	swait.ge [sflag:s31], $0x8000  }
0x45: {  	[sflag:s31] =	ssyncset.done $0x0  }
0x46: {  	[sflag:s31] =	ssyncadd.s32 $0xFFFF8000  }
0x47: {  	_ =	swait.ge [sflag:s3], $0x8000  }
0x48: {  	[sflag:s3] =	ssyncset.done $0x0  }
0x49: {  	[sflag:s3] =	ssyncadd.s32 $0xFFFF8000  }
0x4a: {  	_ =	swait.ge [sflag:s3], $0x8000  }
0x4b: {  	[sflag:s3] =	ssyncset.done $0x0  }
0x4c: {  	[sflag:s3] =	ssyncadd.s32 $0xFFFF8000  }
0x4d: {  	_ =	swait.ge [sflag:s3], $0x8000  }
0x4e: {  	[sflag:s3] =	ssyncset.done $0x0  }
0x4f: {  	[sflag:s3] =	ssyncadd.s32 $0xFFFF8000  }
0x50: {  	_ =	swait.ge [sflag:s3], $0x8000  }
0x51: {  	[sflag:s3] =	ssyncset.done $0x0  }
0x52: {  	s14 =	rddreg [dreg:$0xd];
	[sflag:s3] =	ssyncadd.s32 $0xFFFF8000  }
0x53: {  	[hbm4b:s14+s2] =	stream.linear.scatter [tilespmem:s2], [sflag:$0x1], $0x8000, $0x38;
	[tilespmem:$0x10000] =	vst v63  }
0x54: {  	s15 =	rddreg [dreg:$0xe]  }
0x55: {  	[hbm4b:s15+s2] =	stream.linear.scatter [tilespmem:s2], [sflag:$0x1], $0x8000, $0x38;
	[tilespmem:$0x10000] =	vst v63  }
0x56: {  	s12 =	rddreg [dreg:$0xf]  }
0x57: {  	[hbm4b:s12+s2] =	stream.linear.scatter [tilespmem:s2], [sflag:$0x1], $0x8000, $0x38;
	[tilespmem:$0x10000] =	vst v63  }
0x58: {  	s14 =	rddreg [dreg:$0x10]  }
0x59: {  	[hbm4b:s14+s2] =	stream.linear.scatter [tilespmem:s2], [sflag:$0x1], $0x8000, $0x38;
	[tilespmem:$0x10000] =	vst v63  }
0x5a: {  	s15 =	rddreg [dreg:$0x11]  }
0x5b: {  	[tilespmem:s8], [sflag:$0x2] =	stream.linear.gather [hbm4b:s15+s2], $0x8000, $0x38;
	[tilespmem:$0x10000] =	vst v63  }
0x5c: {  	_ =	swait.ge [sflag:s31], $0x8000  }
0x5d: {  	[sflag:s31] =	ssyncset.done $0x0  }
0x5e: {  	[sflag:s31] =	ssyncadd.s32 $0xFFFF8000  }
0x5f: {  	_ =	swait.ge [sflag:s3], $0x8000  }
0x60: {  	[sflag:s3] =	ssyncset.done $0x0  }
0x61: {  	[sflag:s3] =	ssyncadd.s32 $0xFFFF8000  }
0x62: {  	_ =	swait.ge [sflag:s3], $0x8000  }
0x63: {  	[sflag:s3] =	ssyncset.done $0x0  }
0x64: {  	[sflag:s3] =	ssyncadd.s32 $0xFFFF8000  }
0x65: {  	_ =	swait.ge [sflag:s3], $0x8000  }
0x66: {  	[sflag:s3] =	ssyncset.done $0x0  }
0x67: {  	[sflag:s3] =	ssyncadd.s32 $0xFFFF8000  }
0x68: {  	_ =	swait.ge [sflag:s3], $0x8000  }
0x69: {  	[sflag:s3] =	ssyncset.done $0x0  }
0x6a: {  	[sflag:s3] =	ssyncadd.s32 $0xFFFF8000  }
0x6b: {  	[hbm4b:s25+s2] =	stream.linear.scatter [tilespmem:s8], [sflag:$0x1], $0x8000, $0x38;
	[tilespmem:$0x10000] =	vst v63  }
0x6c: {  	_ = 	snop  }
0x6d: {  	[hbm4b:s26+s2] =	stream.linear.scatter [tilespmem:s8], [sflag:$0x1], $0x8000, $0x38;
	[tilespmem:$0x10000] =	vst v63  }
0x6e: {  	_ = 	snop  }
0x6f: {  	[hbm4b:s28+s2] =	stream.linear.scatter [tilespmem:s8], [sflag:$0x1], $0x8000, $0x38;
	[tilespmem:$0x10000] =	vst v63  }
0x70: {  	_ = 	snop  }
0x71: {  	[hbm4b:s29+s2] =	stream.linear.scatter [tilespmem:s8], [sflag:$0x1], $0x8000, $0x38;
	[tilespmem:$0x10000] =	vst v63  }
0x72: {  	_ = 	snop  }
0x73: {  	[tilespmem:s2], [sflag:$0x2] =	stream.linear.gather [hbm4b:s30+s2], $0x8000, $0x38;
	[tilespmem:$0x10000] =	vst v63  }
0x74: {  	_ =	swait.ge [sflag:s31], $0x8000  }
0x75: {  	[sflag:s31] =	ssyncset.done $0x0  }
0x76: {  	[sflag:s31] =	ssyncadd.s32 $0xFFFF8000  }
0x77: {  	_ =	swait.ge [sflag:s3], $0x8000  }
0x78: {  	[sflag:s3] =	ssyncset.done $0x0  }
0x79: {  	[sflag:s3] =	ssyncadd.s32 $0xFFFF8000  }
0x7a: {  	_ =	swait.ge [sflag:s3], $0x8000  }
0x7b: {  	[sflag:s3] =	ssyncset.done $0x0  }
0x7c: {  	[sflag:s3] =	ssyncadd.s32 $0xFFFF8000  }
0x7d: {  	_ =	swait.ge [sflag:s3], $0x8000  }
0x7e: {  	[sflag:s3] =	ssyncset.done $0x0  }
0x7f: {  	[sflag:s3] =	ssyncadd.s32 $0xFFFF8000  }
0x80: {  	_ =	swait.ge [sflag:s3], $0x8000  }
0x81: {  	[sflag:s3] =	ssyncset.done $0x0  }
0x82: {  	[sflag:s3] =	ssyncadd.s32 $0xFFFF8000  }
0x83: {  	[hbm4b:s20+s2] =	stream.linear.scatter [tilespmem:s2], [sflag:$0x1], $0x8000, $0x38;
	[tilespmem:$0x10000] =	vst v63  }
0x84: {  	_ = 	snop  }
0x85: {  	[hbm4b:s21+s2] =	stream.linear.scatter [tilespmem:s2], [sflag:$0x1], $0x8000, $0x38;
	[tilespmem:$0x10000] =	vst v63  }
0x86: {  	_ = 	snop  }
0x87: {  	[hbm4b:s22+s2] =	stream.linear.scatter [tilespmem:s2], [sflag:$0x1], $0x8000, $0x38;
	[tilespmem:$0x10000] =	vst v63  }
0x88: {  	_ = 	snop  }
0x89: {  	[hbm4b:s23+s2] =	stream.linear.scatter [tilespmem:s2], [sflag:$0x1], $0x8000, $0x38;
	[tilespmem:$0x10000] =	vst v63  }
0x8a: {  	_ = 	snop  }
0x8b: {  	[tilespmem:s8], [sflag:$0x2] =	stream.linear.gather [hbm4b:s24+s2], $0x8000, $0x38;
	[tilespmem:$0x10000] =	vst v63  }
0x8c: {  	_ =	swait.ge [sflag:s31], $0x8000  }
0x8d: {  	[sflag:s31] =	ssyncset.done $0x0  }
0x8e: {  	[sflag:s31] =	ssyncadd.s32 $0xFFFF8000  }
0x8f: {  	_ =	swait.ge [sflag:s3], $0x8000  }
0x90: {  	[sflag:s3] =	ssyncset.done $0x0  }
0x91: {  	[sflag:s3] =	ssyncadd.s32 $0xFFFF8000  }
0x92: {  	_ =	swait.ge [sflag:s3], $0x8000  }
0x93: {  	[sflag:s3] =	ssyncset.done $0x0  }
0x94: {  	[sflag:s3] =	ssyncadd.s32 $0xFFFF8000  }
0x95: {  	_ =	swait.ge [sflag:s3], $0x8000  }
0x96: {  	[sflag:s3] =	ssyncset.done $0x0  }
0x97: {  	[sflag:s3] =	ssyncadd.s32 $0xFFFF8000  }
0x98: {  	_ =	swait.ge [sflag:s3], $0x8000  }
0x99: {  	[sflag:s3] =	ssyncset.done $0x0  }
0x9a: {  	s1 =	rddreg [dreg:$0x13];
	[sflag:s3] =	ssyncadd.s32 $0xFFFF8000  }
0x9b: {  	[hbm4b:s1+s2] =	stream.linear.scatter [tilespmem:s8], [sflag:$0x1], $0x8000, $0x38;
	[tilespmem:$0x10000] =	vst v63  }
0x9c: {  	s12 =	rddreg [dreg:$0x14]  }
0x9d: {  	[hbm4b:s12+s2] =	stream.linear.scatter [tilespmem:s8], [sflag:$0x1], $0x8000, $0x38;
	[tilespmem:$0x10000] =	vst v63  }
0x9e: {  	s14 =	rddreg [dreg:$0x15]  }
0x9f: {  	[hbm4b:s14+s2] =	stream.linear.scatter [tilespmem:s8], [sflag:$0x1], $0x8000, $0x38;
	[tilespmem:$0x10000] =	vst v63  }
0xa0: {  	s15 =	rddreg [dreg:$0x16]  }
0xa1: {  	[hbm4b:s15+s2] =	stream.linear.scatter [tilespmem:s8], [sflag:$0x1], $0x8000, $0x38;
	[tilespmem:$0x10000] =	vst v63  }
0xa2: {  	_ = 	snop  }
0xa3: {  	[tilespmem:s2], [sflag:$0x2] =	stream.linear.gather [hbm4b:s19+s2], $0x8000, $0x38;
	[tilespmem:$0x10000] =	vst v63  }
0xa4: {  	_ =	swait.ge [sflag:s31], $0x8000  }
0xa5: {  	[sflag:s31] =	ssyncset.done $0x0  }
0xa6: {  	[sflag:s31] =	ssyncadd.s32 $0xFFFF8000  }
0xa7: {  	_ =	swait.ge [sflag:s3], $0x8000  }
0xa8: {  	[sflag:s3] =	ssyncset.done $0x0  }
0xa9: {  	[sflag:s3] =	ssyncadd.s32 $0xFFFF8000  }
0xaa: {  	_ =	swait.ge [sflag:s3], $0x8000  }
0xab: {  	[sflag:s3] =	ssyncset.done $0x0  }
0xac: {  	[sflag:s3] =	ssyncadd.s32 $0xFFFF8000  }
0xad: {  	_ =	swait.ge [sflag:s3], $0x8000  }
0xae: {  	[sflag:s3] =	ssyncset.done $0x0  }
0xaf: {  	[sflag:s3] =	ssyncadd.s32 $0xFFFF8000  }
0xb0: {  	_ =	swait.ge [sflag:s3], $0x8000  }
0xb1: {  	[sflag:s3] =	ssyncset.done $0x0  }
0xb2: {  	[sflag:s3] =	ssyncadd.s32 $0xFFFF8000  }
0xb3: {  	[hbm4b:s10+s2] =	stream.linear.scatter [tilespmem:s2], [sflag:$0x1], $0x8000, $0x38;
	[tilespmem:$0x10000] =	vst v63  }
0xb4: {  	_ = 	snop  }
0xb5: {  	[hbm4b:s16+s2] =	stream.linear.scatter [tilespmem:s2], [sflag:$0x1], $0x8000, $0x38;
	[tilespmem:$0x10000] =	vst v63  }
0xb6: {  	_ = 	snop  }
0xb7: {  	[hbm4b:s11+s2] =	stream.linear.scatter [tilespmem:s2], [sflag:$0x1], $0x8000, $0x38;
	[tilespmem:$0x10000] =	vst v63  }
0xb8: {  	_ = 	snop  }
0xb9: {  	[hbm4b:s13+s2] =	stream.linear.scatter [tilespmem:s2], [sflag:$0x1], $0x8000, $0x38;
	[tilespmem:$0x10000] =	vst v63  }
0xba: {  	_ = 	snop  }
0xbb: {  	[tilespmem:s8], [sflag:$0x2] =	stream.linear.gather [hbm4b:s17+s2], $0x8000, $0x38;
	[tilespmem:$0x10000] =	vst v63  }
0xbc: {  	_ =	swait.ge [sflag:s31], $0x8000  }
0xbd: {  	[sflag:s31] =	ssyncset.done $0x0  }
0xbe: {  	[sflag:s31] =	ssyncadd.s32 $0xFFFF8000  }
0xbf: {  	_ =	swait.ge [sflag:s3], $0x8000  }
0xc0: {  	[sflag:s3] =	ssyncset.done $0x0  }
0xc1: {  	[sflag:s3] =	ssyncadd.s32 $0xFFFF8000  }
0xc2: {  	_ =	swait.ge [sflag:s3], $0x8000  }
0xc3: {  	[sflag:s3] =	ssyncset.done $0x0  }
0xc4: {  	[sflag:s3] =	ssyncadd.s32 $0xFFFF8000  }
0xc5: {  	_ =	swait.ge [sflag:s3], $0x8000  }
0xc6: {  	[sflag:s3] =	ssyncset.done $0x0  }
0xc7: {  	[sflag:s3] =	ssyncadd.s32 $0xFFFF8000  }
0xc8: {  	_ =	swait.ge [sflag:s3], $0x8000  }
0xc9: {  	[sflag:s3] =	ssyncset.done $0x0  }
0xca: {  	[sflag:s3] =	ssyncadd.s32 $0xFFFF8000  }
0xcb: {  	[hbm4b:s5+s2] =	stream.linear.scatter [tilespmem:s8], [sflag:$0x1], $0x8000, $0x38;
	[tilespmem:$0x10000] =	vst v63  }
0xcc: {  	_ = 	snop  }
0xcd: {  	[hbm4b:s18+s2] =	stream.linear.scatter [tilespmem:s8], [sflag:$0x1], $0x8000, $0x38;
	[tilespmem:$0x10000] =	vst v63  }
0xce: {  	_ = 	snop  }
0xcf: {  	[hbm4b:s6+s2] =	stream.linear.scatter [tilespmem:s8], [sflag:$0x1], $0x8000, $0x38;
	[tilespmem:$0x10000] =	vst v63  }
0xd0: {  	_ = 	snop  }
0xd1: {  	[hbm4b:s7+s2] =	stream.linear.scatter [tilespmem:s8], [sflag:$0x1], $0x8000, $0x38;
	[tilespmem:$0x10000] =	vst v63  }
0xd2: {  	_ =	swait.ge [sflag:s3], $0x8000  }
0xd3: {  	[sflag:s3] =	ssyncset.done $0x0  }
0xd4: {  	[sflag:s3] =	ssyncadd.s32 $0xFFFF8000  }
0xd5: {  	_ =	swait.ge [sflag:s3], $0x8000  }
0xd6: {  	[sflag:s3] =	ssyncset.done $0x0  }
0xd7: {  	p1 =	sne.s32 s9, $0x1;
	[sflag:s3] =	ssyncadd.s32 $0xFFFF8000  }
.Ltmp1:
0xd8: {  	_ =	swait.ge [sflag:s3], $0x8000;
	(pc) =	sbr.rel @!p1 .LBB2_3-.Ltmp1, $4  }
0xd9: {  	[sflag:s3] =	ssyncset.done $0x0  }
0xda: {  	[sflag:s3] =	ssyncadd.s32 $0xFFFF8000  }
0xdb: {  	p0 =	por $0x1, $0x1;
	_ =	swait.ge [sflag:s3], $0x8000;
	[dreg:$0x12] =	wrdreg s4  }
0xdc: {  	s0 =	sadd.s32 $0xFFFFFFFF, s9;
	s1 =	rddreg [dreg:$0x3];
	[sflag:s3] =	ssyncset.done $0x0  }
.LBB2_2:
0xdd: {  	[sflag:s3] =	ssyncadd.s32 $0xFFFF8000  }
0xde: {  	[tilespmem:s2], [sflag:$0x2] =	stream.linear.gather [hbm4b:s1+s2], $0x8000, $0x38;
	[tilespmem:$0x10000] =	vst v63  }
0xdf: {  	_ =	swait.ge [sflag:s31], $0x8000  }
0xe0: {  	s14 =	simm.s32 $0x8000;
	s8 =	smov.u32 s30;
	[sflag:s31] =	ssyncset.done $0x0  }
0xe1: {  	s30 =	smov.u32 s29;
	s29 =	smov.u32 s28;
	[sflag:s31] =	ssyncadd.s32 $0xFFFF8000  }
0xe2: {  	[hbm4b:s4+s2] =	stream.linear.scatter [tilespmem:s2], [sflag:$0x1], $0x8000, $0x38;
	[tilespmem:$0x10000] =	vst v63  }
0xe3: {  	s28 =	smov.u32 s26;
	s26 =	smov.u32 s25;
	s12 =	rddreg [dreg:$0x4]  }
0xe4: {  	[hbm4b:s12+s2] =	stream.linear.scatter [tilespmem:s2], [sflag:$0x1], $0x8000, $0x38;
	[tilespmem:$0x10000] =	vst v63  }
0xe5: {  	s15 =	smov.u32 s13;
	s13 =	smov.u32 s11;
	s11 =	rddreg [dreg:$0x5]  }
0xe6: {  	[hbm4b:s11+s2] =	stream.linear.scatter [tilespmem:s2], [sflag:$0x1], $0x8000, $0x38;
	[tilespmem:$0x10000] =	vst v63  }
0xe7: {  	s25 =	smov.u32 s24;
	s24 =	smov.u32 s23;
	s12 =	rddreg [dreg:$0x6]  }
0xe8: {  	[hbm4b:s12+s2] =	stream.linear.scatter [tilespmem:s2], [sflag:$0x1], $0x8000, $0x38;
	[tilespmem:$0x10000] =	vst v63  }
0xe9: {  	s23 =	smov.u32 s22;
	s22 =	smov.u32 s21;
	s21 =	rddreg [dreg:$0x7]  }
0xea: {  	[tilespmem:s14], [sflag:$0x2] =	stream.linear.gather [hbm4b:s21+s2], $0x8000, $0x38;
	[tilespmem:$0x10000] =	vst v63  }
0xeb: {  	_ =	swait.ge [sflag:s31], $0x8000  }
0xec: {  	[sflag:s31] =	ssyncset.done $0x0  }
0xed: {  	[sflag:s31] =	ssyncadd.s32 $0xFFFF8000  }
0xee: {  	_ =	swait.ge [sflag:s3], $0x8000  }
0xef: {  	[sflag:s3] =	ssyncset.done $0x0  }
0xf0: {  	[sflag:s3] =	ssyncadd.s32 $0xFFFF8000  }
0xf1: {  	_ =	swait.ge [sflag:s3], $0x8000  }
0xf2: {  	[sflag:s3] =	ssyncset.done $0x0  }
0xf3: {  	[sflag:s3] =	ssyncadd.s32 $0xFFFF8000  }
0xf4: {  	_ =	swait.ge [sflag:s3], $0x8000  }
0xf5: {  	[sflag:s3] =	ssyncset.done $0x0  }
0xf6: {  	[sflag:s3] =	ssyncadd.s32 $0xFFFF8000  }
0xf7: {  	_ =	swait.ge [sflag:s3], $0x8000  }
0xf8: {  	s9 =	smov.u32 s7;
	[sflag:s3] =	ssyncset.done $0x0  }
0xf9: {  	s7 =	smov.u32 s6;
	s6 =	rddreg [dreg:$0x8];
	[sflag:s3] =	ssyncadd.s32 $0xFFFF8000  }
0xfa: {  	[hbm4b:s6+s2] =	stream.linear.scatter [tilespmem:s14], [sflag:$0x1], $0x8000, $0x38;
	[tilespmem:$0x10000] =	vst v63  }
0xfb: {  	s11 =	rddreg [dreg:$0x9]  }
0xfc: {  	[hbm4b:s11+s2] =	stream.linear.scatter [tilespmem:s14], [sflag:$0x1], $0x8000, $0x38;
	[tilespmem:$0x10000] =	vst v63  }
0xfd: {  	s12 =	rddreg [dreg:$0xa]  }
0xfe: {  	[hbm4b:s12+s2] =	stream.linear.scatter [tilespmem:s14], [sflag:$0x1], $0x8000, $0x38;
	[tilespmem:$0x10000] =	vst v63  }
0xff: {  	s21 =	rddreg [dreg:$0xb]  }
0x100: {  	[hbm4b:s21+s2] =	stream.linear.scatter [tilespmem:s14], [sflag:$0x1], $0x8000, $0x38;
	[tilespmem:$0x10000] =	vst v63  }
0x101: {  	s6 =	rddreg [dreg:$0xc]  }
0x102: {  	[tilespmem:s2], [sflag:$0x2] =	stream.linear.gather [hbm4b:s6+s2], $0x8000, $0x38;
	[tilespmem:$0x10000] =	vst v63  }
0x103: {  	_ =	swait.ge [sflag:s31], $0x8000  }
0x104: {  	[sflag:s31] =	ssyncset.done $0x0  }
0x105: {  	[sflag:s31] =	ssyncadd.s32 $0xFFFF8000  }
0x106: {  	_ =	swait.ge [sflag:s3], $0x8000  }
0x107: {  	[sflag:s3] =	ssyncset.done $0x0  }
0x108: {  	[sflag:s3] =	ssyncadd.s32 $0xFFFF8000  }
0x109: {  	_ =	swait.ge [sflag:s3], $0x8000  }
0x10a: {  	[sflag:s3] =	ssyncset.done $0x0  }
0x10b: {  	[sflag:s3] =	ssyncadd.s32 $0xFFFF8000  }
0x10c: {  	_ =	swait.ge [sflag:s3], $0x8000  }
0x10d: {  	[sflag:s3] =	ssyncset.done $0x0  }
0x10e: {  	[sflag:s3] =	ssyncadd.s32 $0xFFFF8000  }
0x10f: {  	_ =	swait.ge [sflag:s3], $0x8000  }
0x110: {  	s11 =	rddreg [dreg:$0xd]  }
0x111: {  	s12 =	rddreg [dreg:$0xe]  }
0x112: {  	s14 =	rddreg [dreg:$0xf]  }
0x113: {  	[sflag:s3] =	ssyncset.done $0x0;
	s21 =	rddreg [dreg:$0x10]  }
0x114: {  	s1 =	rddreg [dreg:$0x11];
	[sflag:s3] =	ssyncadd.s32 $0xFFFF8000  }
0x115: {  	[hbm4b:s11+s2] =	stream.linear.scatter [tilespmem:s2], [sflag:$0x1], $0x8000, $0x38;
	[tilespmem:$0x10000] =	vst v63  }
0x116: {  	s6 =	smov.u32 s18;
	s18 =	rddreg [dreg:$0x16]  }
0x117: {  	[hbm4b:s12+s2] =	stream.linear.scatter [tilespmem:s2], [sflag:$0x1], $0x8000, $0x38;
	[tilespmem:$0x10000] =	vst v63  }
0x118: {  	s4 =	rddreg [dreg:$0x12]  }
0x119: {  	[hbm4b:s14+s2] =	stream.linear.scatter [tilespmem:s2], [sflag:$0x1], $0x8000, $0x38;
	[tilespmem:$0x10000] =	vst v63  }
0x11a: {  	s11 =	smov.u32 s16;
	s16 =	rddreg [dreg:$0x14];
	s12 =	smov.u32 s17  }
0x11b: {  	[hbm4b:s21+s2] =	stream.linear.scatter [tilespmem:s2], [sflag:$0x1], $0x8000, $0x38;
	[tilespmem:$0x10000] =	vst v63  }
0x11c: {  	s17 =	rddreg [dreg:$0x15];
	s14 =	smov.u32 s5;
	s21 =	smov.u32 s22  }
0x11d: {  	s22 =	smov.u32 s23;
	s23 =	smov.u32 s24;
	s24 =	smov.u32 s25  }
0x11e: {  	s25 =	smov.u32 s26;
	s26 =	smov.u32 s28;
	s28 =	smov.u32 s29  }
0x11f: {  	s29 =	smov.u32 s30;
	s30 =	smov.u32 s8;
	s8 =	simm.s32 $0x8000  }
0x120: {  	[tilespmem:s8], [sflag:$0x2] =	stream.linear.gather [hbm4b:s1+s2], $0x8000, $0x38;
	[tilespmem:$0x10000] =	vst v63  }
0x121: {  	s5 =	smov.u32 s10;
	s10 =	rddreg [dreg:$0x13];
	_ =	swait.ge [sflag:s31], $0x8000  }
0x122: {  	[sflag:s31] =	ssyncset.done $0x0  }
0x123: {  	[sflag:s31] =	ssyncadd.s32 $0xFFFF8000  }
0x124: {  	_ =	swait.ge [sflag:s3], $0x8000  }
0x125: {  	[sflag:s3] =	ssyncset.done $0x0  }
0x126: {  	[sflag:s3] =	ssyncadd.s32 $0xFFFF8000  }
0x127: {  	_ =	swait.ge [sflag:s3], $0x8000  }
0x128: {  	[sflag:s3] =	ssyncset.done $0x0  }
0x129: {  	[sflag:s3] =	ssyncadd.s32 $0xFFFF8000  }
0x12a: {  	_ =	swait.ge [sflag:s3], $0x8000  }
0x12b: {  	[sflag:s3] =	ssyncset.done $0x0  }
0x12c: {  	[sflag:s3] =	ssyncadd.s32 $0xFFFF8000  }
0x12d: {  	_ =	swait.ge [sflag:s3], $0x8000  }
0x12e: {  	[sflag:s3] =	ssyncset.done $0x0  }
0x12f: {  	[sflag:s3] =	ssyncadd.s32 $0xFFFF8000  }
0x130: {  	[hbm4b:s25+s2] =	stream.linear.scatter [tilespmem:s8], [sflag:$0x1], $0x8000, $0x38;
	[tilespmem:$0x10000] =	vst v63  }
0x131: {  	_ = 	snop  }
0x132: {  	[hbm4b:s26+s2] =	stream.linear.scatter [tilespmem:s8], [sflag:$0x1], $0x8000, $0x38;
	[tilespmem:$0x10000] =	vst v63  }
0x133: {  	_ = 	snop  }
0x134: {  	[hbm4b:s28+s2] =	stream.linear.scatter [tilespmem:s8], [sflag:$0x1], $0x8000, $0x38;
	[tilespmem:$0x10000] =	vst v63  }
0x135: {  	_ = 	snop  }
0x136: {  	[hbm4b:s29+s2] =	stream.linear.scatter [tilespmem:s8], [sflag:$0x1], $0x8000, $0x38;
	[tilespmem:$0x10000] =	vst v63  }
0x137: {  	_ = 	snop  }
0x138: {  	[tilespmem:s2], [sflag:$0x2] =	stream.linear.gather [hbm4b:s30+s2], $0x8000, $0x38;
	[tilespmem:$0x10000] =	vst v63  }
0x139: {  	_ =	swait.ge [sflag:s31], $0x8000  }
0x13a: {  	[sflag:s31] =	ssyncset.done $0x0  }
0x13b: {  	[sflag:s31] =	ssyncadd.s32 $0xFFFF8000  }
0x13c: {  	_ =	swait.ge [sflag:s3], $0x8000  }
0x13d: {  	[sflag:s3] =	ssyncset.done $0x0  }
0x13e: {  	[sflag:s3] =	ssyncadd.s32 $0xFFFF8000  }
0x13f: {  	_ =	swait.ge [sflag:s3], $0x8000  }
0x140: {  	[sflag:s3] =	ssyncset.done $0x0  }
0x141: {  	[sflag:s3] =	ssyncadd.s32 $0xFFFF8000  }
0x142: {  	_ =	swait.ge [sflag:s3], $0x8000  }
0x143: {  	[sflag:s3] =	ssyncset.done $0x0  }
0x144: {  	[sflag:s3] =	ssyncadd.s32 $0xFFFF8000  }
0x145: {  	_ =	swait.ge [sflag:s3], $0x8000  }
0x146: {  	[sflag:s3] =	ssyncset.done $0x0  }
0x147: {  	[sflag:s3] =	ssyncadd.s32 $0xFFFF8000  }
0x148: {  	[hbm4b:s20+s2] =	stream.linear.scatter [tilespmem:s2], [sflag:$0x1], $0x8000, $0x38;
	[tilespmem:$0x10000] =	vst v63  }
0x149: {  	_ = 	snop  }
0x14a: {  	[hbm4b:s21+s2] =	stream.linear.scatter [tilespmem:s2], [sflag:$0x1], $0x8000, $0x38;
	[tilespmem:$0x10000] =	vst v63  }
0x14b: {  	_ = 	snop  }
0x14c: {  	[hbm4b:s22+s2] =	stream.linear.scatter [tilespmem:s2], [sflag:$0x1], $0x8000, $0x38;
	[tilespmem:$0x10000] =	vst v63  }
0x14d: {  	_ = 	snop  }
0x14e: {  	[hbm4b:s23+s2] =	stream.linear.scatter [tilespmem:s2], [sflag:$0x1], $0x8000, $0x38;
	[tilespmem:$0x10000] =	vst v63  }
0x14f: {  	_ = 	snop  }
0x150: {  	[tilespmem:s8], [sflag:$0x2] =	stream.linear.gather [hbm4b:s24+s2], $0x8000, $0x38;
	[tilespmem:$0x10000] =	vst v63  }
0x151: {  	_ =	swait.ge [sflag:s31], $0x8000  }
0x152: {  	[sflag:s31] =	ssyncset.done $0x0  }
0x153: {  	[sflag:s31] =	ssyncadd.s32 $0xFFFF8000  }
0x154: {  	_ =	swait.ge [sflag:s3], $0x8000  }
0x155: {  	[sflag:s3] =	ssyncset.done $0x0  }
0x156: {  	[sflag:s3] =	ssyncadd.s32 $0xFFFF8000  }
0x157: {  	_ =	swait.ge [sflag:s3], $0x8000  }
0x158: {  	[sflag:s3] =	ssyncset.done $0x0  }
0x159: {  	[sflag:s3] =	ssyncadd.s32 $0xFFFF8000  }
0x15a: {  	_ =	swait.ge [sflag:s3], $0x8000  }
0x15b: {  	[sflag:s3] =	ssyncset.done $0x0  }
0x15c: {  	[sflag:s3] =	ssyncadd.s32 $0xFFFF8000  }
0x15d: {  	_ =	swait.ge [sflag:s3], $0x8000  }
0x15e: {  	[sflag:s3] =	ssyncset.done $0x0  }
0x15f: {  	[sflag:s3] =	ssyncadd.s32 $0xFFFF8000  }
0x160: {  	[hbm4b:s10+s2] =	stream.linear.scatter [tilespmem:s8], [sflag:$0x1], $0x8000, $0x38;
	[tilespmem:$0x10000] =	vst v63  }
0x161: {  	_ = 	snop  }
0x162: {  	[hbm4b:s16+s2] =	stream.linear.scatter [tilespmem:s8], [sflag:$0x1], $0x8000, $0x38;
	[tilespmem:$0x10000] =	vst v63  }
0x163: {  	_ = 	snop  }
0x164: {  	[hbm4b:s17+s2] =	stream.linear.scatter [tilespmem:s8], [sflag:$0x1], $0x8000, $0x38;
	[tilespmem:$0x10000] =	vst v63  }
0x165: {  	_ = 	snop  }
0x166: {  	[hbm4b:s18+s2] =	stream.linear.scatter [tilespmem:s8], [sflag:$0x1], $0x8000, $0x38;
	[tilespmem:$0x10000] =	vst v63  }
0x167: {  	_ = 	snop  }
0x168: {  	[tilespmem:s2], [sflag:$0x2] =	stream.linear.gather [hbm4b:s19+s2], $0x8000, $0x38;
	[tilespmem:$0x10000] =	vst v63  }
0x169: {  	_ =	swait.ge [sflag:s31], $0x8000  }
0x16a: {  	[sflag:s31] =	ssyncset.done $0x0  }
0x16b: {  	[sflag:s31] =	ssyncadd.s32 $0xFFFF8000  }
0x16c: {  	_ =	swait.ge [sflag:s3], $0x8000  }
0x16d: {  	[sflag:s3] =	ssyncset.done $0x0  }
0x16e: {  	[sflag:s3] =	ssyncadd.s32 $0xFFFF8000  }
0x16f: {  	_ =	swait.ge [sflag:s3], $0x8000  }
0x170: {  	[sflag:s3] =	ssyncset.done $0x0  }
0x171: {  	[sflag:s3] =	ssyncadd.s32 $0xFFFF8000  }
0x172: {  	_ =	swait.ge [sflag:s3], $0x8000  }
0x173: {  	[sflag:s3] =	ssyncset.done $0x0  }
0x174: {  	[sflag:s3] =	ssyncadd.s32 $0xFFFF8000  }
0x175: {  	_ =	swait.ge [sflag:s3], $0x8000  }
0x176: {  	[sflag:s3] =	ssyncset.done $0x0  }
0x177: {  	[sflag:s3] =	ssyncadd.s32 $0xFFFF8000  }
0x178: {  	[hbm4b:s5+s2] =	stream.linear.scatter [tilespmem:s2], [sflag:$0x1], $0x8000, $0x38;
	[tilespmem:$0x10000] =	vst v63  }
0x179: {  	_ = 	snop  }
0x17a: {  	[hbm4b:s11+s2] =	stream.linear.scatter [tilespmem:s2], [sflag:$0x1], $0x8000, $0x38;
	[tilespmem:$0x10000] =	vst v63  }
0x17b: {  	_ = 	snop  }
0x17c: {  	[hbm4b:s13+s2] =	stream.linear.scatter [tilespmem:s2], [sflag:$0x1], $0x8000, $0x38;
	[tilespmem:$0x10000] =	vst v63  }
0x17d: {  	_ = 	snop  }
0x17e: {  	[hbm4b:s15+s2] =	stream.linear.scatter [tilespmem:s2], [sflag:$0x1], $0x8000, $0x38;
	[tilespmem:$0x10000] =	vst v63  }
0x17f: {  	_ = 	snop  }
0x180: {  	[tilespmem:s8], [sflag:$0x2] =	stream.linear.gather [hbm4b:s12+s2], $0x8000, $0x38;
	[tilespmem:$0x10000] =	vst v63  }
0x181: {  	_ =	swait.ge [sflag:s31], $0x8000  }
0x182: {  	[sflag:s31] =	ssyncset.done $0x0  }
0x183: {  	[sflag:s31] =	ssyncadd.s32 $0xFFFF8000  }
0x184: {  	_ =	swait.ge [sflag:s3], $0x8000  }
0x185: {  	[sflag:s3] =	ssyncset.done $0x0  }
0x186: {  	[sflag:s3] =	ssyncadd.s32 $0xFFFF8000  }
0x187: {  	_ =	swait.ge [sflag:s3], $0x8000  }
0x188: {  	[sflag:s3] =	ssyncset.done $0x0  }
0x189: {  	[sflag:s3] =	ssyncadd.s32 $0xFFFF8000  }
0x18a: {  	_ =	swait.ge [sflag:s3], $0x8000  }
0x18b: {  	[sflag:s3] =	ssyncset.done $0x0  }
0x18c: {  	[sflag:s3] =	ssyncadd.s32 $0xFFFF8000  }
0x18d: {  	_ =	swait.ge [sflag:s3], $0x8000  }
0x18e: {  	[sflag:s3] =	ssyncset.done $0x0  }
0x18f: {  	[sflag:s3] =	ssyncadd.s32 $0xFFFF8000  }
0x190: {  	[hbm4b:s14+s2] =	stream.linear.scatter [tilespmem:s8], [sflag:$0x1], $0x8000, $0x38;
	[tilespmem:$0x10000] =	vst v63  }
0x191: {  	_ = 	snop  }
0x192: {  	[hbm4b:s6+s2] =	stream.linear.scatter [tilespmem:s8], [sflag:$0x1], $0x8000, $0x38;
	[tilespmem:$0x10000] =	vst v63  }
0x193: {  	_ = 	snop  }
0x194: {  	[hbm4b:s7+s2] =	stream.linear.scatter [tilespmem:s8], [sflag:$0x1], $0x8000, $0x38;
	[tilespmem:$0x10000] =	vst v63  }
0x195: {  	_ = 	snop  }
0x196: {  	[hbm4b:s9+s2] =	stream.linear.scatter [tilespmem:s8], [sflag:$0x1], $0x8000, $0x38;
	[tilespmem:$0x10000] =	vst v63  }
0x197: {  	_ =	swait.ge [sflag:s3], $0x8000  }
0x198: {  	[sflag:s3] =	ssyncset.done $0x0  }
0x199: {  	[sflag:s3] =	ssyncadd.s32 $0xFFFF8000  }
0x19a: {  	_ =	swait.ge [sflag:s3], $0x8000  }
0x19b: {  	p1 =	sne.s32 s0, $0x1;
	[sflag:s3] =	ssyncset.done $0x0  }
0x19c: {  	s0 =	sadd.s32 $0xFFFFFFFF, s0;
	s10 =	smov.u32 s5;
	[sflag:s3] =	ssyncadd.s32 $0xFFFF8000  }
.Ltmp2:
0x19d: {  	s16 =	smov.u32 s11;
	_ =	swait.ge [sflag:s3], $0x8000;
	(pc) =	sbr.rel @p1 .LBB2_2-.Ltmp2, $4  }
0x19e: {  	s17 =	smov.u32 s12;
	s18 =	smov.u32 s6;
	[sflag:s3] =	ssyncset.done $0x0  }
0x19f: {  	s5 =	smov.u32 s14;
	s11 =	smov.u32 s13;
	[sflag:s3] =	ssyncadd.s32 $0xFFFF8000  }
0x1a0: {  	s13 =	smov.u32 s15;
	s6 =	smov.u32 s7;
	_ =	swait.ge [sflag:s3], $0x8000  }
0x1a1: {  	s7 =	smov.u32 s9;
	s1 =	rddreg [dreg:$0x3];
	[sflag:s3] =	ssyncset.done $0x0  }
.LBB2_3:
0x1a2: {  	[sflag:s3] =	ssyncadd.s32 @p0 $0xFFFF8000  }
0x1a3: {  	[tilespmem:s2], [sflag:$0x2] =	stream.linear.gather [hbm4b:s1+s2], $0x8000, $0x38;
	[tilespmem:$0x10000] =	vst v63  }
0x1a4: {  	_ =	swait.ge [sflag:s31], $0x8000  }
0x1a5: {  	[sflag:s31] =	ssyncset.done $0x0  }
0x1a6: {  	[sflag:s31] =	ssyncadd.s32 $0xFFFF8000  }
0x1a7: {  	[hbm4b:s4+s2] =	stream.linear.scatter [tilespmem:s2], [sflag:$0x1], $0x8000, $0x38;
	[tilespmem:$0x10000] =	vst v63  }
0x1a8: {  	s0 =	rddreg [dreg:$0x4]  }
0x1a9: {  	[hbm4b:s0+s2] =	stream.linear.scatter [tilespmem:s2], [sflag:$0x1], $0x8000, $0x38;
	[tilespmem:$0x10000] =	vst v63  }
0x1aa: {  	s12 =	rddreg [dreg:$0x5]  }
0x1ab: {  	[hbm4b:s12+s2] =	stream.linear.scatter [tilespmem:s2], [sflag:$0x1], $0x8000, $0x38;
	[tilespmem:$0x10000] =	vst v63  }
0x1ac: {  	s14 =	rddreg [dreg:$0x6]  }
0x1ad: {  	[hbm4b:s14+s2] =	stream.linear.scatter [tilespmem:s2], [sflag:$0x1], $0x8000, $0x38;
	[tilespmem:$0x10000] =	vst v63  }
0x1ae: {  	s15 =	rddreg [dreg:$0x7]  }
0x1af: {  	[tilespmem:s8], [sflag:$0x2] =	stream.linear.gather [hbm4b:s15+s2], $0x8000, $0x38;
	[tilespmem:$0x10000] =	vst v63  }
0x1b0: {  	_ =	swait.ge [sflag:s31], $0x8000  }
0x1b1: {  	[sflag:s31] =	ssyncset.done $0x0  }
0x1b2: {  	[sflag:s31] =	ssyncadd.s32 $0xFFFF8000  }
0x1b3: {  	_ =	swait.ge [sflag:s3], $0x8000  }
0x1b4: {  	[sflag:s3] =	ssyncset.done $0x0  }
0x1b5: {  	[sflag:s3] =	ssyncadd.s32 $0xFFFF8000  }
0x1b6: {  	_ =	swait.ge [sflag:s3], $0x8000  }
0x1b7: {  	[sflag:s3] =	ssyncset.done $0x0  }
0x1b8: {  	[sflag:s3] =	ssyncadd.s32 $0xFFFF8000  }
0x1b9: {  	_ =	swait.ge [sflag:s3], $0x8000  }
0x1ba: {  	[sflag:s3] =	ssyncset.done $0x0  }
0x1bb: {  	[sflag:s3] =	ssyncadd.s32 $0xFFFF8000  }
0x1bc: {  	_ =	swait.ge [sflag:s3], $0x8000  }
0x1bd: {  	[sflag:s3] =	ssyncset.done $0x0  }
0x1be: {  	s4 =	rddreg [dreg:$0x8];
	[sflag:s3] =	ssyncadd.s32 $0xFFFF8000  }
0x1bf: {  	[hbm4b:s4+s2] =	stream.linear.scatter [tilespmem:s8], [sflag:$0x1], $0x8000, $0x38;
	[tilespmem:$0x10000] =	vst v63  }
0x1c0: {  	s9 =	rddreg [dreg:$0x9]  }
0x1c1: {  	[hbm4b:s9+s2] =	stream.linear.scatter [tilespmem:s8], [sflag:$0x1], $0x8000, $0x38;
	[tilespmem:$0x10000] =	vst v63  }
0x1c2: {  	s12 =	rddreg [dreg:$0xa]  }
0x1c3: {  	[hbm4b:s12+s2] =	stream.linear.scatter [tilespmem:s8], [sflag:$0x1], $0x8000, $0x38;
	[tilespmem:$0x10000] =	vst v63  }
0x1c4: {  	s14 =	rddreg [dreg:$0xb]  }
0x1c5: {  	[hbm4b:s14+s2] =	stream.linear.scatter [tilespmem:s8], [sflag:$0x1], $0x8000, $0x38;
	[tilespmem:$0x10000] =	vst v63  }
0x1c6: {  	s15 =	rddreg [dreg:$0xc]  }
0x1c7: {  	[tilespmem:s2], [sflag:$0x2] =	stream.linear.gather [hbm4b:s15+s2], $0x8000, $0x38;
	[tilespmem:$0x10000] =	vst v63  }
0x1c8: {  	_ =	swait.ge [sflag:s31], $0x8000  }
0x1c9: {  	[sflag:s31] =	ssyncset.done $0x0  }
0x1ca: {  	[sflag:s31] =	ssyncadd.s32 $0xFFFF8000  }
0x1cb: {  	_ =	swait.ge [sflag:s3], $0x8000  }
0x1cc: {  	[sflag:s3] =	ssyncset.done $0x0  }
0x1cd: {  	[sflag:s3] =	ssyncadd.s32 $0xFFFF8000  }
0x1ce: {  	_ =	swait.ge [sflag:s3], $0x8000  }
0x1cf: {  	[sflag:s3] =	ssyncset.done $0x0  }
0x1d0: {  	[sflag:s3] =	ssyncadd.s32 $0xFFFF8000  }
0x1d1: {  	_ =	swait.ge [sflag:s3], $0x8000  }
0x1d2: {  	[sflag:s3] =	ssyncset.done $0x0  }
0x1d3: {  	[sflag:s3] =	ssyncadd.s32 $0xFFFF8000  }
0x1d4: {  	_ =	swait.ge [sflag:s3], $0x8000  }
0x1d5: {  	[sflag:s3] =	ssyncset.done $0x0  }
0x1d6: {  	s4 =	rddreg [dreg:$0xd];
	[sflag:s3] =	ssyncadd.s32 $0xFFFF8000  }
0x1d7: {  	[hbm4b:s4+s2] =	stream.linear.scatter [tilespmem:s2], [sflag:$0x1], $0x8000, $0x38;
	[tilespmem:$0x10000] =	vst v63  }
0x1d8: {  	s9 =	rddreg [dreg:$0xe]  }
0x1d9: {  	[hbm4b:s9+s2] =	stream.linear.scatter [tilespmem:s2], [sflag:$0x1], $0x8000, $0x38;
	[tilespmem:$0x10000] =	vst v63  }
0x1da: {  	s12 =	rddreg [dreg:$0xf]  }
0x1db: {  	[hbm4b:s12+s2] =	stream.linear.scatter [tilespmem:s2], [sflag:$0x1], $0x8000, $0x38;
	[tilespmem:$0x10000] =	vst v63  }
0x1dc: {  	s14 =	rddreg [dreg:$0x10]  }
0x1dd: {  	[hbm4b:s14+s2] =	stream.linear.scatter [tilespmem:s2], [sflag:$0x1], $0x8000, $0x38;
	[tilespmem:$0x10000] =	vst v63  }
0x1de: {  	s15 =	rddreg [dreg:$0x11]  }
0x1df: {  	[tilespmem:s8], [sflag:$0x2] =	stream.linear.gather [hbm4b:s15+s2], $0x8000, $0x38;
	[tilespmem:$0x10000] =	vst v63  }
0x1e0: {  	_ =	swait.ge [sflag:s31], $0x8000  }
0x1e1: {  	[sflag:s31] =	ssyncset.done $0x0  }
0x1e2: {  	[sflag:s31] =	ssyncadd.s32 $0xFFFF8000  }
0x1e3: {  	_ =	swait.ge [sflag:s3], $0x8000  }
0x1e4: {  	[sflag:s3] =	ssyncset.done $0x0  }
0x1e5: {  	[sflag:s3] =	ssyncadd.s32 $0xFFFF8000  }
0x1e6: {  	_ =	swait.ge [sflag:s3], $0x8000  }
0x1e7: {  	[sflag:s3] =	ssyncset.done $0x0  }
0x1e8: {  	[sflag:s3] =	ssyncadd.s32 $0xFFFF8000  }
0x1e9: {  	_ =	swait.ge [sflag:s3], $0x8000  }
0x1ea: {  	[sflag:s3] =	ssyncset.done $0x0  }
0x1eb: {  	[sflag:s3] =	ssyncadd.s32 $0xFFFF8000  }
0x1ec: {  	_ =	swait.ge [sflag:s3], $0x8000  }
0x1ed: {  	[sflag:s3] =	ssyncset.done $0x0  }
0x1ee: {  	[sflag:s3] =	ssyncadd.s32 $0xFFFF8000  }
0x1ef: {  	[hbm4b:s25+s2] =	stream.linear.scatter [tilespmem:s8], [sflag:$0x1], $0x8000, $0x38;
	[tilespmem:$0x10000] =	vst v63  }
0x1f0: {  	_ = 	snop  }
0x1f1: {  	[hbm4b:s26+s2] =	stream.linear.scatter [tilespmem:s8], [sflag:$0x1], $0x8000, $0x38;
	[tilespmem:$0x10000] =	vst v63  }
0x1f2: {  	_ = 	snop  }
0x1f3: {  	[hbm4b:s28+s2] =	stream.linear.scatter [tilespmem:s8], [sflag:$0x1], $0x8000, $0x38;
	[tilespmem:$0x10000] =	vst v63  }
0x1f4: {  	_ = 	snop  }
0x1f5: {  	[hbm4b:s29+s2] =	stream.linear.scatter [tilespmem:s8], [sflag:$0x1], $0x8000, $0x38;
	[tilespmem:$0x10000] =	vst v63  }
0x1f6: {  	_ = 	snop  }
0x1f7: {  	[tilespmem:s2], [sflag:$0x2] =	stream.linear.gather [hbm4b:s30+s2], $0x8000, $0x38;
	[tilespmem:$0x10000] =	vst v63  }
0x1f8: {  	_ =	swait.ge [sflag:s31], $0x8000  }
0x1f9: {  	[sflag:s31] =	ssyncset.done $0x0  }
0x1fa: {  	[sflag:s31] =	ssyncadd.s32 $0xFFFF8000  }
0x1fb: {  	_ =	swait.ge [sflag:s3], $0x8000  }
0x1fc: {  	[sflag:s3] =	ssyncset.done $0x0  }
0x1fd: {  	[sflag:s3] =	ssyncadd.s32 $0xFFFF8000  }
0x1fe: {  	_ =	swait.ge [sflag:s3], $0x8000  }
0x1ff: {  	[sflag:s3] =	ssyncset.done $0x0  }
0x200: {  	[sflag:s3] =	ssyncadd.s32 $0xFFFF8000  }
0x201: {  	_ =	swait.ge [sflag:s3], $0x8000  }
0x202: {  	[sflag:s3] =	ssyncset.done $0x0  }
0x203: {  	[sflag:s3] =	ssyncadd.s32 $0xFFFF8000  }
0x204: {  	_ =	swait.ge [sflag:s3], $0x8000  }
0x205: {  	[sflag:s3] =	ssyncset.done $0x0  }
0x206: {  	[sflag:s3] =	ssyncadd.s32 $0xFFFF8000  }
0x207: {  	[hbm4b:s20+s2] =	stream.linear.scatter [tilespmem:s2], [sflag:$0x1], $0x8000, $0x38;
	[tilespmem:$0x10000] =	vst v63  }
0x208: {  	_ = 	snop  }
0x209: {  	[hbm4b:s21+s2] =	stream.linear.scatter [tilespmem:s2], [sflag:$0x1], $0x8000, $0x38;
	[tilespmem:$0x10000] =	vst v63  }
0x20a: {  	_ = 	snop  }
0x20b: {  	[hbm4b:s22+s2] =	stream.linear.scatter [tilespmem:s2], [sflag:$0x1], $0x8000, $0x38;
	[tilespmem:$0x10000] =	vst v63  }
0x20c: {  	_ = 	snop  }
0x20d: {  	[hbm4b:s23+s2] =	stream.linear.scatter [tilespmem:s2], [sflag:$0x1], $0x8000, $0x38;
	[tilespmem:$0x10000] =	vst v63  }
0x20e: {  	_ = 	snop  }
0x20f: {  	[tilespmem:s8], [sflag:$0x2] =	stream.linear.gather [hbm4b:s24+s2], $0x8000, $0x38;
	[tilespmem:$0x10000] =	vst v63  }
0x210: {  	_ =	swait.ge [sflag:s31], $0x8000  }
0x211: {  	[sflag:s31] =	ssyncset.done $0x0  }
0x212: {  	[sflag:s31] =	ssyncadd.s32 $0xFFFF8000  }
0x213: {  	_ =	swait.ge [sflag:s3], $0x8000  }
0x214: {  	[sflag:s3] =	ssyncset.done $0x0  }
0x215: {  	[sflag:s3] =	ssyncadd.s32 $0xFFFF8000  }
0x216: {  	_ =	swait.ge [sflag:s3], $0x8000  }
0x217: {  	[sflag:s3] =	ssyncset.done $0x0  }
0x218: {  	[sflag:s3] =	ssyncadd.s32 $0xFFFF8000  }
0x219: {  	_ =	swait.ge [sflag:s3], $0x8000  }
0x21a: {  	[sflag:s3] =	ssyncset.done $0x0  }
0x21b: {  	[sflag:s3] =	ssyncadd.s32 $0xFFFF8000  }
0x21c: {  	_ =	swait.ge [sflag:s3], $0x8000  }
0x21d: {  	[sflag:s3] =	ssyncset.done $0x0  }
0x21e: {  	s26 =	rddreg [dreg:$0x13];
	[sflag:s3] =	ssyncadd.s32 $0xFFFF8000  }
0x21f: {  	[hbm4b:s26+s2] =	stream.linear.scatter [tilespmem:s8], [sflag:$0x1], $0x8000, $0x38;
	[tilespmem:$0x10000] =	vst v63  }
0x220: {  	s28 =	rddreg [dreg:$0x14]  }
0x221: {  	[hbm4b:s28+s2] =	stream.linear.scatter [tilespmem:s8], [sflag:$0x1], $0x8000, $0x38;
	[tilespmem:$0x10000] =	vst v63  }
0x222: {  	s29 =	rddreg [dreg:$0x15]  }
0x223: {  	[hbm4b:s29+s2] =	stream.linear.scatter [tilespmem:s8], [sflag:$0x1], $0x8000, $0x38;
	[tilespmem:$0x10000] =	vst v63  }
0x224: {  	s30 =	rddreg [dreg:$0x16]  }
0x225: {  	[hbm4b:s30+s2] =	stream.linear.scatter [tilespmem:s8], [sflag:$0x1], $0x8000, $0x38;
	[tilespmem:$0x10000] =	vst v63  }
0x226: {  	_ = 	snop  }
0x227: {  	[tilespmem:s2], [sflag:$0x2] =	stream.linear.gather [hbm4b:s19+s2], $0x8000, $0x38;
	[tilespmem:$0x10000] =	vst v63  }
0x228: {  	_ =	swait.ge [sflag:s31], $0x8000  }
0x229: {  	[sflag:s31] =	ssyncset.done $0x0  }
0x22a: {  	[sflag:s31] =	ssyncadd.s32 $0xFFFF8000  }
0x22b: {  	_ =	swait.ge [sflag:s3], $0x8000  }
0x22c: {  	[sflag:s3] =	ssyncset.done $0x0  }
0x22d: {  	[sflag:s3] =	ssyncadd.s32 $0xFFFF8000  }
0x22e: {  	_ =	swait.ge [sflag:s3], $0x8000  }
0x22f: {  	[sflag:s3] =	ssyncset.done $0x0  }
0x230: {  	[sflag:s3] =	ssyncadd.s32 $0xFFFF8000  }
0x231: {  	_ =	swait.ge [sflag:s3], $0x8000  }
0x232: {  	[sflag:s3] =	ssyncset.done $0x0  }
0x233: {  	[sflag:s3] =	ssyncadd.s32 $0xFFFF8000  }
0x234: {  	_ =	swait.ge [sflag:s3], $0x8000  }
0x235: {  	[sflag:s3] =	ssyncset.done $0x0  }
0x236: {  	[sflag:s3] =	ssyncadd.s32 $0xFFFF8000  }
0x237: {  	[hbm4b:s10+s2] =	stream.linear.scatter [tilespmem:s2], [sflag:$0x1], $0x8000, $0x38;
	[tilespmem:$0x10000] =	vst v63  }
0x238: {  	_ = 	snop  }
0x239: {  	[hbm4b:s16+s2] =	stream.linear.scatter [tilespmem:s2], [sflag:$0x1], $0x8000, $0x38;
	[tilespmem:$0x10000] =	vst v63  }
0x23a: {  	_ = 	snop  }
0x23b: {  	[hbm4b:s11+s2] =	stream.linear.scatter [tilespmem:s2], [sflag:$0x1], $0x8000, $0x38;
	[tilespmem:$0x10000] =	vst v63  }
0x23c: {  	_ = 	snop  }
0x23d: {  	[hbm4b:s13+s2] =	stream.linear.scatter [tilespmem:s2], [sflag:$0x1], $0x8000, $0x38;
	[tilespmem:$0x10000] =	vst v63  }
0x23e: {  	_ = 	snop  }
0x23f: {  	[tilespmem:s8], [sflag:$0x2] =	stream.linear.gather [hbm4b:s17+s2], $0x8000, $0x38;
	[tilespmem:$0x10000] =	vst v63  }
0x240: {  	_ =	swait.ge [sflag:s31], $0x8000  }
0x241: {  	[sflag:s31] =	ssyncset.done $0x0  }
0x242: {  	[sflag:s31] =	ssyncadd.s32 $0xFFFF8000  }
0x243: {  	_ =	swait.ge [sflag:s3], $0x8000  }
0x244: {  	[sflag:s3] =	ssyncset.done $0x0  }
0x245: {  	[sflag:s3] =	ssyncadd.s32 $0xFFFF8000  }
0x246: {  	_ =	swait.ge [sflag:s3], $0x8000  }
0x247: {  	[sflag:s3] =	ssyncset.done $0x0  }
0x248: {  	[sflag:s3] =	ssyncadd.s32 $0xFFFF8000  }
0x249: {  	_ =	swait.ge [sflag:s3], $0x8000  }
0x24a: {  	[sflag:s3] =	ssyncset.done $0x0  }
0x24b: {  	[sflag:s3] =	ssyncadd.s32 $0xFFFF8000  }
0x24c: {  	_ =	swait.ge [sflag:s3], $0x8000  }
0x24d: {  	[sflag:s3] =	ssyncset.done $0x0  }
0x24e: {  	[sflag:s3] =	ssyncadd.s32 $0xFFFF8000  }
0x24f: {  	[hbm4b:s5+s2] =	stream.linear.scatter [tilespmem:s8], [sflag:$0x1], $0x8000, $0x38;
	[tilespmem:$0x10000] =	vst v63  }
0x250: {  	_ = 	snop  }
0x251: {  	[hbm4b:s18+s2] =	stream.linear.scatter [tilespmem:s8], [sflag:$0x1], $0x8000, $0x38;
	[tilespmem:$0x10000] =	vst v63  }
0x252: {  	_ = 	snop  }
0x253: {  	[hbm4b:s6+s2] =	stream.linear.scatter [tilespmem:s8], [sflag:$0x1], $0x8000, $0x38;
	[tilespmem:$0x10000] =	vst v63  }
0x254: {  	_ = 	snop  }
0x255: {  	[hbm4b:s7+s2] =	stream.linear.scatter [tilespmem:s8], [sflag:$0x1], $0x8000, $0x38;
	[tilespmem:$0x10000] =	vst v63  }
0x256: {  	_ =	swait.ge [sflag:s3], $0x8000  }
0x257: {  	[sflag:s3] =	ssyncset.done $0x0  }
0x258: {  	[sflag:s3] =	ssyncadd.s32 $0xFFFF8000  }
0x259: {  	_ =	swait.ge [sflag:s3], $0x8000  }
0x25a: {  	[sflag:s3] =	ssyncset.done $0x0  }
0x25b: {  	[sflag:s3] =	ssyncadd.s32 $0xFFFF8000  }
0x25c: {  	_ =	swait.ge [sflag:s3], $0x8000  }
0x25d: {  	[sflag:s3] =	ssyncset.done $0x0  }
0x25e: {  	[sflag:s3] =	ssyncadd.s32 $0xFFFF8000  }
0x25f: {  	_ =	swait.ge [sflag:s3], $0x8000  }
0x260: {  	[sflag:s3] =	ssyncset.done $0x0  }
0x261: {  	[sflag:s3] =	ssyncadd.s32 $0xFFFF8000  }
0x262: {  	_ =	sfence.sel $0x180000  }
0x263: {  	[bflag:$0x0] =	sbarrier.arrive $0xFFFF  }
0x264: {  	_ =	strace $0x90000047  }
0x265: {  	s31 =	stileid.u32;
	[bflag:$0x2] =	sbarrier.arrive $0xFFFF  }
0x266: {  	p0 =	sne.s32 s31, $0x0;
	s0 =	rddreg [dreg:$0x2]  }
0x267: {  	s0 =	sadd.s32 @!p0 $0x100000, s0  }
0x268: {  	[sflag:s0] =	ssyncadd.tile.s32 @!p0 $0x1;
	_ =	shalt  }
.Lfunc_end2:
_tile_overlayer_lowered:
.L_overlay_start_2:
0x269: {  	(tag) =	ssettag $0x2  }
0x26a: {  	s0 =	rddreg [dreg:$0x0];
	s2 =	stileid.u32  }
0x26b: {  	s1 =	rddreg [dreg:$0x1];
	p0 =	sne.s32 s2, $0x0  }
0x26c: {  	s3 =	rddreg [dreg:$0x2];
	[bflag:$0x3] =	sbarrier.arrive $0xFFFF;
	s2 =	simm.s32 @!p0 $0x1C02  }
0x26d: {  	[timem:s3], [sflag:s2] =	dma.local @!p0 [hbm:s0], s1  }
0x26e: {  	s0 =	simm.s32 @!p0 $0x2  }
0x26f: {  	_ =	swait.ge @!p0 [sflag:s0], s1  }
0x270: {  	s1 =	ssub.s32 @!p0 $0x0, s1;
	[sflag:s0] =	ssyncset.done @!p0 $0x0  }
0x271: {  	[sflag:s0] =	ssyncadd.s32 @!p0 s1  }
0x272: {  	[bflag:$0x3] =	sbarrier.arrive $0xFFFF  }
0x273: {  	_ =	shalt  }

</sc_bundles>
